<compile_context>
chip_gen: v7x
topology: tpu7x:2x2x1
jax: 0.10.2.dev20260603
libtpu: 0.0.44.dev20260713+nightly
codegen_flags: <defaults>
</compile_context>

<pallas_src>
import functools

import jax
import jax.numpy as jnp
from jax import lax
from jax.experimental import pallas as pl
from jax.experimental.pallas import tpu as pltpu
from jax.experimental.pallas import tpu_sc as plsc

NC = 2
NS = 16
LANES = 16


def _pad_rows(N):
    step = 128 * NS
    return ((N + step - 1) // step) * step

_f32 = jnp.float32
_i32 = jnp.int32


def _vsc_mesh():
    return plsc.VectorSubcoreMesh(core_axis_name="c", subcore_axis_name="s")


@functools.lru_cache(maxsize=None)
def _deg_kernel(N, E):
    EPT = E // (NC * NS)
    Np = _pad_rows(N)
    RPT = Np // NS
    NQ = 5
    QL = EPT // NQ
    assert RPT % LANES == 0 and QL % LANES == 0 and EPT % NQ == 0
    HV = Np + LANES

    @functools.partial(
        pl.kernel,
        out_type=jax.ShapeDtypeStruct((NC, Np), _f32),
        mesh=_vsc_mesh(),
        scratch_types=(
            [pltpu.VMEM((HV,), _f32)] * NQ + [
                pltpu.VMEM((EPT,), _i32),
                pltpu.VMEM((RPT,), _f32),
                pltpu.VMEM((RPT,), _f32),
                pltpu.VMEM_SHARED((NS, Np), _f32),
            ]
        ),
    )
    def deg_k(ei_hbm, out_hbm, *refs):
        hq = refs[:NQ]
        idx_v, comb_v, tmp_v, hist_sh = refs[NQ:]
        c = lax.axis_index("c")
        s = lax.axis_index("s")
        row0 = s * RPT

        def zfill(i, carry):
            for q in range(NQ):
                hq[q][pl.ds(i * LANES, LANES)] = jnp.zeros((LANES,), _f32)
            return carry
        lax.fori_loop(0, HV // LANES, zfill, 0)

        pltpu.sync_copy(ei_hbm.at[pl.ds((c * NS + s) * EPT, EPT)], idx_v)

        onehot0 = jnp.where(lax.iota(_i32, LANES) == 0, 1.0, 0.0).astype(_f32)

        def step(e, carry):
            ivs = [idx_v[pl.ds(q * QL + e * LANES, LANES)] for q in range(NQ)]
            for l in range(LANES):
                for q in range(NQ):
                    i = ivs[q][l]
                    sl = pl.ds(i, LANES)
                    hq[q][sl] = hq[q][sl] + onehot0
            return carry
        lax.fori_loop(0, QL // LANES, step, 0)

        def merge(i, carry):
            sl = pl.ds(i * LANES, LANES)
            acc = hq[0][sl]
            for q in range(1, NQ):
                acc = acc + hq[q][sl]
            hq[0][sl] = acc
            return carry
        lax.fori_loop(0, Np // LANES, merge, 0)

        pltpu.sync_copy(hq[0].at[pl.ds(0, Np)], hist_sh.at[s])
        plsc.subcore_barrier()

        def zc(i, carry):
            comb_v[pl.ds(i * LANES, LANES)] = jnp.zeros((LANES,), _f32)
            return carry
        lax.fori_loop(0, RPT // LANES, zc, 0)

        def addtile(t, carry):
            pltpu.sync_copy(hist_sh.at[t, pl.ds(row0, RPT)], tmp_v)

            def vadd(i, carry2):
                sl = pl.ds(i * LANES, LANES)
                comb_v[sl] = comb_v[sl] + tmp_v[sl]
                return carry2
            lax.fori_loop(0, RPT // LANES, vadd, 0)
            return carry
        lax.fori_loop(0, NS, addtile, 0)

        pltpu.sync_copy(comb_v, out_hbm.at[c, pl.ds(row0, RPT)])

    return deg_k


@functools.lru_cache(maxsize=None)
def _agg_kernel(N, D, E):
    B = 64
    DEPTH = 4
    EPT = E // (NC * NS)
    Np = _pad_rows(N)
    RPT = Np // NS
    ZR = 8
    CH = EPT // B
    TB = EPT - CH * B
    assert TB % 8 == 0 and RPT % ZR == 0 and D % LANES == 0

    @functools.partial(
        pl.kernel,
        out_type=jax.ShapeDtypeStruct((NC, Np, D), _f32),
        mesh=_vsc_mesh(),
        scratch_types=(
            [pltpu.VMEM((ZR, D), _f32),
             pltpu.VMEM((DEPTH, B, D), _f32),
             pltpu.VMEM((EPT,), _i32),
             pltpu.VMEM((DEPTH, B), _i32),
             pltpu.VMEM((max(TB, 8),), _i32),
             pltpu.VMEM_SHARED((Np, D), _f32)]
            + [pltpu.SemaphoreType.DMA] * (2 * DEPTH)
        ),
    )
    def agg_k(ei_hbm, g_hbm, out_hbm,
              z_v, rows_v, idxr_v, idxc_v, idxt_v, acc_sh, *sems):
        c = lax.axis_index("c")
        s = lax.axis_index("s")
        row0 = s * RPT
        nsub = D // LANES
        sgs = sems[:DEPTH]
        scs = sems[DEPTH:]

        def zfill(k, carry):
            z_v[k // nsub, pl.ds((k % nsub) * LANES, LANES)] = (
                jnp.zeros((LANES,), _f32))
            return carry
        lax.fori_loop(0, ZR * nsub, zfill, 0)

        def zdma(j, carry):
            pltpu.sync_copy(z_v, acc_sh.at[pl.ds(row0 + j * ZR, ZR)])
            return carry
        lax.fori_loop(0, RPT // ZR, zdma, 0)

        base0 = c * (E // NC) + s * EPT
        pltpu.sync_copy(ei_hbm.at[pl.ds(base0, EPT)], idxr_v)

        plsc.subcore_barrier()

        def issue_gather(j, b):
            return pltpu.async_copy(
                g_hbm.at[idxr_v.at[pl.ds(j * B, B)]], rows_v.at[b], sgs[b])

        def issue_idxc(j, b):
            return pltpu.async_copy(
                ei_hbm.at[pl.ds(E + base0 + j * B, B)], idxc_v.at[b], scs[b])

        for d0 in range(DEPTH):
            issue_gather(d0, d0)
            issue_idxc(d0, d0)

        def ring(jj, carry):
            for b in range(DEPTH):
                j = jj * DEPTH + b

                @pl.when(j < CH)
                def _():
                    pltpu.make_async_copy(
                        g_hbm.at[idxr_v.at[pl.ds(j * B, B)]],
                        rows_v.at[b], sgs[b]).wait()
                    pltpu.make_async_copy(
                        ei_hbm.at[pl.ds(E + base0 + j * B, B)],
                        idxc_v.at[b], scs[b]).wait()
                    pltpu.sync_copy(rows_v.at[b],
                                    acc_sh.at[idxc_v.at[b]], add=True)

                    @pl.when(j + DEPTH < CH)
                    def _():
                        issue_gather(j + DEPTH, b)
                        issue_idxc(j + DEPTH, b)
            return carry
        lax.fori_loop(0, (CH + DEPTH - 1) // DEPTH, ring, 0)

        if TB:
            t0 = CH * B
            pltpu.sync_copy(ei_hbm.at[pl.ds(E + base0 + t0, TB)], idxt_v)
            pltpu.async_copy(
                g_hbm.at[idxr_v.at[pl.ds(t0, TB)]],
                rows_v.at[0, pl.ds(0, TB)], sgs[0]).wait()
            pltpu.sync_copy(rows_v.at[0, pl.ds(0, TB)],
                            acc_sh.at[idxt_v], add=True)

        plsc.subcore_barrier()
        pltpu.sync_copy(acc_sh.at[pl.ds(row0, RPT)],
                        out_hbm.at[c, pl.ds(row0, RPT)])

    return agg_k


def _inv_sqrt_deg(dp_ref):
    deg = dp_ref[0:1, :] + dp_ref[1:2, :]
    d = jnp.where(deg > 0.0, lax.rsqrt(deg), 0.0)
    return jnp.transpose(d)


def _prescale_body(x_ref, w_ref, dt_ref, g_ref):
    d = _inv_sqrt_deg(dt_ref)
    h = lax.dot_general(x_ref[...], w_ref[...],
                        (((1,), (1,)), ((), ())),
                        preferred_element_type=_f32)
    g_ref[...] = h * d


@functools.lru_cache(maxsize=None)
def _prescale_kernel(N, D_in, D_out, R=512):
    grid = (N + R - 1) // R
    assert grid * R <= _pad_rows(N)
    return pl.pallas_call(
        _prescale_body,
        grid=(grid,),
        in_specs=[
            pl.BlockSpec((R, D_in), lambda i: (i, 0)),
            pl.BlockSpec((D_out, D_in), lambda i: (0, 0)),
            pl.BlockSpec((NC, R), lambda i: (0, i)),
        ],
        out_specs=pl.BlockSpec((R, D_out), lambda i: (i, 0)),
        out_shape=jax.ShapeDtypeStruct((N, D_out), _f32),
    )


def _finish_body(p_ref, dt_ref, b_ref, o_ref):
    d = _inv_sqrt_deg(dt_ref)
    o_ref[...] = (p_ref[0] + p_ref[1]) * d + b_ref[...]


@functools.lru_cache(maxsize=None)
def _finish_kernel(N, D, R=512):
    grid = (N + R - 1) // R
    assert grid * R <= _pad_rows(N)
    return pl.pallas_call(
        _finish_body,
        grid=(grid,),
        in_specs=[
            pl.BlockSpec((NC, R, D), lambda i: (0, i, 0)),
            pl.BlockSpec((NC, R), lambda i: (0, i)),
            pl.BlockSpec((1, D), lambda i: (0, 0)),
        ],
        out_specs=pl.BlockSpec((R, D), lambda i: (i, 0)),
        out_shape=jax.ShapeDtypeStruct((N, D), _f32),
    )


def kernel(x, edge_index, W, b):
    N, D_in = x.shape
    D_out = W.shape[0]
    E = edge_index.shape[1]

    ei = edge_index.astype(_i32).reshape(2 * E)

    deg_p = _deg_kernel(N, E)(ei)
    g = _prescale_kernel(N, D_in, D_out)(x, W, deg_p)
    p = _agg_kernel(N, D_out, E)(ei, g)
    out = _finish_kernel(N, D_out)(p, deg_p,
                                   b.astype(_f32).reshape(1, D_out))
    return out

# --- scband reference (transcript-rebuilt; emitter-appended) ---
"""Pipeline reference for scband-gcnconv-81003083203028 (READ-ONLY COPY).

The authoritative reference and input builder live on the scoring server;
editing this copy changes nothing except your own understanding.
"""

import jax, jax.numpy as jnp
import numpy as np

N_NODES = 10000
D_IN = 128
D_OUT = 128
N_EDGES = 320000


def setup_inputs(seed: int = 0) -> dict:
    key = jax.random.key(seed)
    k1, k2, k3 = jax.random.split(key, 3)
    x = jax.random.normal(k1, (N_NODES, D_IN), dtype=jnp.float32)
    edge_index = jax.random.randint(k2, (2, N_EDGES), 0, N_NODES, dtype=jnp.int64 if jax.config.jax_enable_x64 else jnp.int32)
    # Linear weight [out_channels, in_channels], kaiming-uniform-like init
    bound = 1.0 / np.sqrt(D_IN)
    W = jax.random.uniform(k3, (D_OUT, D_IN), dtype=jnp.float32, minval=-bound, maxval=bound)
    b = jnp.zeros((D_OUT,), dtype=jnp.float32)
    return {"x": x, "edge_index": edge_index, "W": W, "b": b}


def reference(x, edge_index, W, b):
    N = x.shape[0]
    # x = self.lin(x)
    h = x @ W.T
    # gcn_norm with add_self_loops=True, improved=False (fill_value = float(False) = 0.0)
    E = edge_index.shape[1]
    edge_weight = jnp.ones((E,), dtype=h.dtype)
    loop = jnp.arange(N, dtype=edge_index.dtype)
    ei = jnp.concatenate([edge_index, jnp.stack([loop, loop], axis=0)], axis=1)
    loop_weight = jnp.full((N,), 0.0, dtype=h.dtype)  # fill_value = improved = False -> 0.0
    ew = jnp.concatenate([edge_weight, loop_weight], axis=0)
    row, col = ei[0], ei[1]
    deg = jnp.zeros((N,), dtype=h.dtype).at[row].add(ew)
    deg_inv_sqrt = jnp.power(deg, -0.5)
    deg_inv_sqrt = jnp.where(jnp.isinf(deg_inv_sqrt), 0.0, deg_inv_sqrt)
    ew = deg_inv_sqrt[row] * ew * deg_inv_sqrt[col]
    # message: x_j * edge_weight  (source = row, target = col)
    msg = h[row] * ew[:, None]
    # aggregate: scatter add over target index
    out = jnp.zeros((N, h.shape[1]), dtype=h.dtype).at[col].add(msg)
    # bias
    out = out + b
    return out

if __name__ == "__main__":
    import jax
    _d = setup_inputs()
    print(jax.jit(kernel)(*tuple(_d.values())))

</pallas_src>

<mosaic_0001>
#map = affine_map<(d0, d1) -> (0)>
#map1 = affine_map<(d0, d1) -> (0, 0)>
#map2 = affine_map<(d0, d1) -> (0, 0, 0)>
module attributes {stable_mosaic.version = 14 : i64} {
  func.func @agg_k(%arg0: i32, %arg1: i32, %arg2: memref<640000xi32, #tpu.memory_space<hbm>>, %arg3: memref<10000x128xf32, #tpu.memory_space<hbm>>, %arg4: memref<2x10240x128xf32, #tpu.memory_space<hbm>>, %arg5: memref<8x128xf32, #tpu.memory_space<vmem>>, %arg6: memref<4x64x128xf32, #tpu.memory_space<vmem>>, %arg7: memref<10000xi32, #tpu.memory_space<vmem>>, %arg8: memref<4x64xi32, #tpu.memory_space<vmem>>, %arg9: memref<16xi32, #tpu.memory_space<vmem>>, %arg10: memref<10240x128xf32, #tpu.memory_space<vmem_shared>>, %arg11: memref<!tpu.dma_semaphore, #tpu.memory_space<semaphore_mem>>, %arg12: memref<!tpu.dma_semaphore, #tpu.memory_space<semaphore_mem>>, %arg13: memref<!tpu.dma_semaphore, #tpu.memory_space<semaphore_mem>>, %arg14: memref<!tpu.dma_semaphore, #tpu.memory_space<semaphore_mem>>, %arg15: memref<!tpu.dma_semaphore, #tpu.memory_space<semaphore_mem>>, %arg16: memref<!tpu.dma_semaphore, #tpu.memory_space<semaphore_mem>>, %arg17: memref<!tpu.dma_semaphore, #tpu.memory_space<semaphore_mem>>, %arg18: memref<!tpu.dma_semaphore, #tpu.memory_space<semaphore_mem>>) attributes {dimension_semantics = [#tpu.dimension_semantics<core_parallel>, #tpu.dimension_semantics<subcore_parallel>], iteration_bounds = array<i64: 2, 16>, scalar_prefetch = 0 : i64, scratch_operands = 14 : i64, tpu.core_type = #tpu.core_type<sc_vector_subcore>, window_params = [{transform_indices = #map}, {transform_indices = #map1}, {transform_indices = #map2}]} {
    %mul3A = arith.constant 640 : i32
    %mul3A_0 = arith.muli %arg1, %mul3A : i32
    %scan3A = arith.constant 0 : i32
    %scan3A_1 = arith.constant 0 : i32
    %scan3A_2 = arith.constant 64 : i32
    %scan3A_3 = arith.addi %scan3A_1, %scan3A_2 : i32
    %scan3A_4 = arith.constant 1 : i32
    scf.for %scan3A_137 = %scan3A_1 to %scan3A_3 step %scan3A_4  : i32 {
      %broadcast_in_dim3A = arith.constant 0.000000e+00 : f32
      %broadcast_in_dim3A_138 = vector.broadcast %broadcast_in_dim3A : f32 to vector<16xf32>
      %jit3A = arith.constant 8 : i32
      %div3A = arith.divsi %scan3A_137, %jit3A : i32
      %sign3A = arith.constant 0 : i32
      %sign3A_139 = arith.cmpi sgt, %scan3A_137, %sign3A : i32
      %sign3A_140 = arith.extui %sign3A_139 : i1 to i32
      %sign3A_141 = arith.constant 0 : i32
      %sign3A_142 = arith.cmpi slt, %scan3A_137, %sign3A_141 : i32
      %sign3A_143 = arith.extui %sign3A_142 : i1 to i32
      %sign3A_144 = arith.subi %sign3A_140, %sign3A_143 : i32
      %sign3A_145 = arith.constant 0 : i32
      %sign3A_146 = arith.cmpi sgt, %jit3A, %sign3A_145 : i32
      %sign3A_147 = arith.extui %sign3A_146 : i1 to i32
      %sign3A_148 = arith.constant 0 : i32
      %sign3A_149 = arith.cmpi slt, %jit3A, %sign3A_148 : i32
      %sign3A_150 = arith.extui %sign3A_149 : i1 to i32
      %sign3A_151 = arith.subi %sign3A_147, %sign3A_150 : i32
      %ne3A = arith.cmpi ne, %sign3A_144, %sign3A_151 : i32
      %rem3A = arith.remsi %scan3A_137, %jit3A : i32
      %ne3A_152 = arith.constant 0 : i32
      %ne3A_153 = arith.cmpi ne, %rem3A, %ne3A_152 : i32
      %and3A = arith.andi %ne3A, %ne3A_153 : i1
      %sub3A = arith.constant 1 : i32
      %sub3A_154 = arith.subi %div3A, %sub3A : i32
      %select_n3A = arith.select %and3A, %sub3A_154, %div3A : i32
      %jit3A_155 = arith.constant 8 : i32
      %eq3A = arith.constant 0 : i32
      %eq3A_156 = arith.cmpi eq, %jit3A_155, %eq3A : i32
      %jit3A_157 = arith.constant 1 : i32
      %select_n3A_158 = arith.select %eq3A_156, %jit3A_157, %jit3A_155 : i32
      %rem3A_159 = arith.remsi %scan3A_137, %select_n3A_158 : i32
      %ne3A_160 = arith.constant 0 : i32
      %ne3A_161 = arith.cmpi ne, %rem3A_159, %ne3A_160 : i32
      %lt3A = arith.constant 0 : i32
      %lt3A_162 = arith.cmpi slt, %rem3A_159, %lt3A : i32
      %lt3A_163 = arith.constant 0 : i32
      %lt3A_164 = arith.cmpi slt, %select_n3A_158, %lt3A_163 : i32
      %ne3A_165 = arith.xori %lt3A_162, %lt3A_164 : i1
      %and3A_166 = arith.andi %ne3A_165, %ne3A_161 : i1
      %add3A_167 = arith.addi %rem3A_159, %select_n3A_158 : i32
      %select_n3A_168 = arith.select %and3A_166, %add3A_167, %rem3A_159 : i32
      %mul3A_169 = arith.constant 16 : i32
      %mul3A_170 = arith.muli %select_n3A_168, %mul3A_169 : i32
      %swap3A = arith.index_cast %select_n3A : i32 to index
      %swap3A_171 = arith.index_cast %mul3A_170 : i32 to index
      %swap3A_172 = tpu.vector_load %arg5[%swap3A, %swap3A_171] {strides = array<i32>} : memref<8x128xf32, #tpu.memory_space<vmem>>, vector<1x16xf32>,
      %swap3A_173 = vector.shape_cast %swap3A_172 : vector<1x16xf32> to vector<16xf32>
      %swap3A_174 = vector.shape_cast %broadcast_in_dim3A_138 : vector<16xf32> to vector<1x16xf32>
      tpu.vector_store %arg5[%swap3A, %swap3A_171], %swap3A_174 {strides = array<i32>} : memref<8x128xf32, #tpu.memory_space<vmem>>, vector<1x16xf32>,
    }
    %scan3A_5 = arith.constant 64 : i32
    %scan3A_6 = arith.constant 0 : i32
    %scan3A_7 = arith.constant 0 : i32
    %scan3A_8 = arith.constant 80 : i32
    %scan3A_9 = arith.addi %scan3A_7, %scan3A_8 : i32
    %scan3A_10 = arith.constant 1 : i32
    scf.for %scan3A_137 = %scan3A_7 to %scan3A_9 step %scan3A_10  : i32 {
      %mul3A_138 = arith.constant 8 : i32
      %mul3A_139 = arith.muli %scan3A_137, %mul3A_138 : i32
      %add3A_140 = arith.addi %mul3A_0, %mul3A_139 : i32
      "tpu.region"() ({
        %run_scoped3A_141 = tpu.sem_alloc : memref<!tpu.dma_semaphore, #tpu.memory_space<semaphore_mem>>
        %dma_start3A_142 = arith.constant 0 : i32
        %dma_start3A_143 = tpu.memref_slice %arg10[%add3A_140, %dma_start3A_142] : memref<10240x128xf32, #tpu.memory_space<vmem_shared>> -> memref<8x128xf32, #tpu.memory_space<vmem_shared>>
        %dma_start3A_144 = arith.constant 0 : i32
        %dma_start3A_145 = tpu.memref_slice %arg10[%add3A_140, %dma_start3A_144] : memref<10240x128xf32, #tpu.memory_space<vmem_shared>> -> memref<8x128xf32, #tpu.memory_space<vmem_shared>>
        tpu.enqueue_dma source(%arg5 : memref<8x128xf32, #tpu.memory_space<vmem>>) target(%dma_start3A_145 : memref<8x128xf32, #tpu.memory_space<vmem_shared>>) target_semaphore(%run_scoped3A_141 : memref<!tpu.dma_semaphore, #tpu.memory_space<semaphore_mem>>)
        %dma_wait3A_146 = arith.constant 0 : i32
        %dma_wait3A_147 = tpu.memref_slice %arg10[%add3A_140, %dma_wait3A_146] : memref<10240x128xf32, #tpu.memory_space<vmem_shared>> -> memref<8x128xf32, #tpu.memory_space<vmem_shared>>
        %dma_wait3A_148 = arith.constant 0 : i32
        %dma_wait3A_149 = tpu.memref_slice %arg10[%add3A_140, %dma_wait3A_148] : memref<10240x128xf32, #tpu.memory_space<vmem_shared>> -> memref<8x128xf32, #tpu.memory_space<vmem_shared>>
        tpu.wait_dma2 semaphore(%run_scoped3A_141 : memref<!tpu.dma_semaphore, #tpu.memory_space<semaphore_mem>>) src(%arg5 : memref<8x128xf32, #tpu.memory_space<vmem>>) dst(%dma_wait3A_149 : memref<8x128xf32, #tpu.memory_space<vmem_shared>>)
        tpu.yield
      }) : () -> ()
    }
    %scan3A_11 = arith.constant 80 : i32
    %mul3A_12 = arith.constant 160000 : i32
    %mul3A_13 = arith.muli %arg0, %mul3A_12 : i32
    %mul3A_14 = arith.constant 10000 : i32
    %mul3A_15 = arith.muli %arg1, %mul3A_14 : i32
    %add3A = arith.addi %mul3A_13, %mul3A_15 : i32
    "tpu.region"() ({
      %run_scoped3A_137 = tpu.sem_alloc : memref<!tpu.dma_semaphore, #tpu.memory_space<semaphore_mem>>
      %dma_start3A_138 = tpu.memref_slice %arg2[%add3A] : memref<640000xi32, #tpu.memory_space<hbm>> -> memref<10000xi32, #tpu.memory_space<hbm>>
      %dma_start3A_139 = tpu.memref_slice %arg2[%add3A] : memref<640000xi32, #tpu.memory_space<hbm>> -> memref<10000xi32, #tpu.memory_space<hbm>>
      tpu.enqueue_dma source(%dma_start3A_139 : memref<10000xi32, #tpu.memory_space<hbm>>) target(%arg7 : memref<10000xi32, #tpu.memory_space<vmem>>) target_semaphore(%run_scoped3A_137 : memref<!tpu.dma_semaphore, #tpu.memory_space<semaphore_mem>>)
      %dma_wait3A_140 = tpu.memref_slice %arg2[%add3A] : memref<640000xi32, #tpu.memory_space<hbm>> -> memref<10000xi32, #tpu.memory_space<hbm>>
      %dma_wait3A_141 = tpu.memref_slice %arg2[%add3A] : memref<640000xi32, #tpu.memory_space<hbm>> -> memref<10000xi32, #tpu.memory_space<hbm>>
      tpu.wait_dma2 semaphore(%run_scoped3A_137 : memref<!tpu.dma_semaphore, #tpu.memory_space<semaphore_mem>>) src(%dma_wait3A_141 : memref<10000xi32, #tpu.memory_space<hbm>>) dst(%arg7 : memref<10000xi32, #tpu.memory_space<vmem>>)
      tpu.yield
    }) : () -> ()
    %barrier3A = arith.constant 0 : index
    tpu.barrier barrier_id(%barrier3A)
    %dma_start3A = arith.constant 0 : i32
    %dma_start3A_16 = arith.constant 0 : i32
    %dma_start3A_17 = arith.constant 0 : i32
    %dma_start3A_18 = tpu.memref_slice %arg6[%dma_start3A, %dma_start3A_16, %dma_start3A_17] : memref<4x64x128xf32, #tpu.memory_space<vmem>> -> memref<1x64x128xf32, #tpu.memory_space<vmem>>
    %dma_start3A_19 = tpu.memref_squeeze %dma_start3A_18 : memref<1x64x128xf32, #tpu.memory_space<vmem>> -> memref<64x128xf32, #tpu.memory_space<vmem>>
    %dma_start3A_20 = arith.constant 0 : i32
    %dma_start3A_21 = tpu.memref_slice %arg7[%dma_start3A_20] : memref<10000xi32, #tpu.memory_space<vmem>> -> memref<64xi32, #tpu.memory_space<vmem>>
    %dma_start3A_22 = arith.constant 0 : i32
    %dma_start3A_23 = arith.constant 0 : i32
    %dma_start3A_24 = tpu.memref_slice %arg3[%dma_start3A_22, %dma_start3A_23] : memref<10000x128xf32, #tpu.memory_space<hbm>> -> memref<10000x128xf32, #tpu.memory_space<hbm>>
    tpu.enqueue_indirect_dma source(%dma_start3A_24 : memref<10000x128xf32, #tpu.memory_space<hbm>>) target(%dma_start3A_19 : memref<64x128xf32, #tpu.memory_space<vmem>>) offsets(%dma_start3A_21 : memref<64xi32, #tpu.memory_space<vmem>>) semaphore(%arg11 : memref<!tpu.dma_semaphore, #tpu.memory_space<semaphore_mem>>)
    %add3A_25 = arith.constant 320000 : i32
    %add3A_26 = arith.addi %add3A_25, %add3A : i32
    %add3A_27 = arith.constant 0 : i32
    %add3A_28 = arith.addi %add3A_26, %add3A_27 : i32
    %dma_start3A_29 = arith.constant 0 : i32
    %dma_start3A_30 = arith.constant 0 : i32
    %dma_start3A_31 = tpu.memref_slice %arg8[%dma_start3A_29, %dma_start3A_30] : memref<4x64xi32, #tpu.memory_space<vmem>> -> memref<1x64xi32, #tpu.memory_space<vmem>>
    %dma_start3A_32 = tpu.memref_squeeze %dma_start3A_31 : memref<1x64xi32, #tpu.memory_space<vmem>> -> memref<64xi32, #tpu.memory_space<vmem>>
    %dma_start3A_33 = tpu.memref_slice %arg2[%add3A_28] : memref<640000xi32, #tpu.memory_space<hbm>> -> memref<64xi32, #tpu.memory_space<hbm>>
    %dma_start3A_34 = arith.constant 0 : i32
    %dma_start3A_35 = tpu.memref_slice %arg8[%dma_start3A_29, %dma_start3A_34] : memref<4x64xi32, #tpu.memory_space<vmem>> -> memref<1x64xi32, #tpu.memory_space<vmem>>
    %dma_start3A_36 = tpu.memref_squeeze %dma_start3A_35 : memref<1x64xi32, #tpu.memory_space<vmem>> -> memref<64xi32, #tpu.memory_space<vmem>>
    %dma_start3A_37 = tpu.memref_slice %arg2[%add3A_28] : memref<640000xi32, #tpu.memory_space<hbm>> -> memref<64xi32, #tpu.memory_space<hbm>>
    tpu.enqueue_dma source(%dma_start3A_37 : memref<64xi32, #tpu.memory_space<hbm>>) target(%dma_start3A_36 : memref<64xi32, #tpu.memory_space<vmem>>) target_semaphore(%arg15 : memref<!tpu.dma_semaphore, #tpu.memory_space<semaphore_mem>>)
    %dma_start3A_38 = arith.constant 1 : i32
    %dma_start3A_39 = arith.constant 0 : i32
    %dma_start3A_40 = arith.constant 0 : i32
    %dma_start3A_41 = tpu.memref_slice %arg6[%dma_start3A_38, %dma_start3A_39, %dma_start3A_40] : memref<4x64x128xf32, #tpu.memory_space<vmem>> -> memref<1x64x128xf32, #tpu.memory_space<vmem>>
    %dma_start3A_42 = tpu.memref_squeeze %dma_start3A_41 : memref<1x64x128xf32, #tpu.memory_space<vmem>> -> memref<64x128xf32, #tpu.memory_space<vmem>>
    %dma_start3A_43 = arith.constant 64 : i32
    %dma_start3A_44 = tpu.memref_slice %arg7[%dma_start3A_43] : memref<10000xi32, #tpu.memory_space<vmem>> -> memref<64xi32, #tpu.memory_space<vmem>>
    %dma_start3A_45 = arith.constant 0 : i32
    %dma_start3A_46 = arith.constant 0 : i32
    %dma_start3A_47 = tpu.memref_slice %arg3[%dma_start3A_45, %dma_start3A_46] : memref<10000x128xf32, #tpu.memory_space<hbm>> -> memref<10000x128xf32, #tpu.memory_space<hbm>>
    tpu.enqueue_indirect_dma source(%dma_start3A_47 : memref<10000x128xf32, #tpu.memory_space<hbm>>) target(%dma_start3A_42 : memref<64x128xf32, #tpu.memory_space<vmem>>) offsets(%dma_start3A_44 : memref<64xi32, #tpu.memory_space<vmem>>) semaphore(%arg12 : memref<!tpu.dma_semaphore, #tpu.memory_space<semaphore_mem>>)
    %add3A_48 = arith.constant 320000 : i32
    %add3A_49 = arith.addi %add3A_48, %add3A : i32
    %add3A_50 = arith.constant 64 : i32
    %add3A_51 = arith.addi %add3A_49, %add3A_50 : i32
    %dma_start3A_52 = arith.constant 1 : i32
    %dma_start3A_53 = arith.constant 0 : i32
    %dma_start3A_54 = tpu.memref_slice %arg8[%dma_start3A_52, %dma_start3A_53] : memref<4x64xi32, #tpu.memory_space<vmem>> -> memref<1x64xi32, #tpu.memory_space<vmem>>
    %dma_start3A_55 = tpu.memref_squeeze %dma_start3A_54 : memref<1x64xi32, #tpu.memory_space<vmem>> -> memref<64xi32, #tpu.memory_space<vmem>>
    %dma_start3A_56 = tpu.memref_slice %arg2[%add3A_51] : memref<640000xi32, #tpu.memory_space<hbm>> -> memref<64xi32, #tpu.memory_space<hbm>>
    %dma_start3A_57 = arith.constant 0 : i32
    %dma_start3A_58 = tpu.memref_slice %arg8[%dma_start3A_52, %dma_start3A_57] : memref<4x64xi32, #tpu.memory_space<vmem>> -> memref<1x64xi32, #tpu.memory_space<vmem>>
    %dma_start3A_59 = tpu.memref_squeeze %dma_start3A_58 : memref<1x64xi32, #tpu.memory_space<vmem>> -> memref<64xi32, #tpu.memory_space<vmem>>
    %dma_start3A_60 = tpu.memref_slice %arg2[%add3A_51] : memref<640000xi32, #tpu.memory_space<hbm>> -> memref<64xi32, #tpu.memory_space<hbm>>
    tpu.enqueue_dma source(%dma_start3A_60 : memref<64xi32, #tpu.memory_space<hbm>>) target(%dma_start3A_59 : memref<64xi32, #tpu.memory_space<vmem>>) target_semaphore(%arg16 : memref<!tpu.dma_semaphore, #tpu.memory_space<semaphore_mem>>)
    %dma_start3A_61 = arith.constant 2 : i32
    %dma_start3A_62 = arith.constant 0 : i32
    %dma_start3A_63 = arith.constant 0 : i32
    %dma_start3A_64 = tpu.memref_slice %arg6[%dma_start3A_61, %dma_start3A_62, %dma_start3A_63] : memref<4x64x128xf32, #tpu.memory_space<vmem>> -> memref<1x64x128xf32, #tpu.memory_space<vmem>>
    %dma_start3A_65 = tpu.memref_squeeze %dma_start3A_64 : memref<1x64x128xf32, #tpu.memory_space<vmem>> -> memref<64x128xf32, #tpu.memory_space<vmem>>
    %dma_start3A_66 = arith.constant 128 : i32
    %dma_start3A_67 = tpu.memref_slice %arg7[%dma_start3A_66] : memref<10000xi32, #tpu.memory_space<vmem>> -> memref<64xi32, #tpu.memory_space<vmem>>
    %dma_start3A_68 = arith.constant 0 : i32
    %dma_start3A_69 = arith.constant 0 : i32
    %dma_start3A_70 = tpu.memref_slice %arg3[%dma_start3A_68, %dma_start3A_69] : memref<10000x128xf32, #tpu.memory_space<hbm>> -> memref<10000x128xf32, #tpu.memory_space<hbm>>
    tpu.enqueue_indirect_dma source(%dma_start3A_70 : memref<10000x128xf32, #tpu.memory_space<hbm>>) target(%dma_start3A_65 : memref<64x128xf32, #tpu.memory_space<vmem>>) offsets(%dma_start3A_67 : memref<64xi32, #tpu.memory_space<vmem>>) semaphore(%arg13 : memref<!tpu.dma_semaphore, #tpu.memory_space<semaphore_mem>>)
    %add3A_71 = arith.constant 320000 : i32
    %add3A_72 = arith.addi %add3A_71, %add3A : i32
    %add3A_73 = arith.constant 128 : i32
    %add3A_74 = arith.addi %add3A_72, %add3A_73 : i32
    %dma_start3A_75 = arith.constant 2 : i32
    %dma_start3A_76 = arith.constant 0 : i32
    %dma_start3A_77 = tpu.memref_slice %arg8[%dma_start3A_75, %dma_start3A_76] : memref<4x64xi32, #tpu.memory_space<vmem>> -> memref<1x64xi32, #tpu.memory_space<vmem>>
    %dma_start3A_78 = tpu.memref_squeeze %dma_start3A_77 : memref<1x64xi32, #tpu.memory_space<vmem>> -> memref<64xi32, #tpu.memory_space<vmem>>
    %dma_start3A_79 = tpu.memref_slice %arg2[%add3A_74] : memref<640000xi32, #tpu.memory_space<hbm>> -> memref<64xi32, #tpu.memory_space<hbm>>
    %dma_start3A_80 = arith.constant 0 : i32
    %dma_start3A_81 = tpu.memref_slice %arg8[%dma_start3A_75, %dma_start3A_80] : memref<4x64xi32, #tpu.memory_space<vmem>> -> memref<1x64xi32, #tpu.memory_space<vmem>>
    %dma_start3A_82 = tpu.memref_squeeze %dma_start3A_81 : memref<1x64xi32, #tpu.memory_space<vmem>> -> memref<64xi32, #tpu.memory_space<vmem>>
    %dma_start3A_83 = tpu.memref_slice %arg2[%add3A_74] : memref<640000xi32, #tpu.memory_space<hbm>> -> memref<64xi32, #tpu.memory_space<hbm>>
    tpu.enqueue_dma source(%dma_start3A_83 : memref<64xi32, #tpu.memory_space<hbm>>) target(%dma_start3A_82 : memref<64xi32, #tpu.memory_space<vmem>>) target_semaphore(%arg17 : memref<!tpu.dma_semaphore, #tpu.memory_space<semaphore_mem>>)
    %dma_start3A_84 = arith.constant 3 : i32
    %dma_start3A_85 = arith.constant 0 : i32
    %dma_start3A_86 = arith.constant 0 : i32
    %dma_start3A_87 = tpu.memref_slice %arg6[%dma_start3A_84, %dma_start3A_85, %dma_start3A_86] : memref<4x64x128xf32, #tpu.memory_space<vmem>> -> memref<1x64x128xf32, #tpu.memory_space<vmem>>
    %dma_start3A_88 = tpu.memref_squeeze %dma_start3A_87 : memref<1x64x128xf32, #tpu.memory_space<vmem>> -> memref<64x128xf32, #tpu.memory_space<vmem>>
    %dma_start3A_89 = arith.constant 192 : i32
    %dma_start3A_90 = tpu.memref_slice %arg7[%dma_start3A_89] : memref<10000xi32, #tpu.memory_space<vmem>> -> memref<64xi32, #tpu.memory_space<vmem>>
    %dma_start3A_91 = arith.constant 0 : i32
    %dma_start3A_92 = arith.constant 0 : i32
    %dma_start3A_93 = tpu.memref_slice %arg3[%dma_start3A_91, %dma_start3A_92] : memref<10000x128xf32, #tpu.memory_space<hbm>> -> memref<10000x128xf32, #tpu.memory_space<hbm>>
    tpu.enqueue_indirect_dma source(%dma_start3A_93 : memref<10000x128xf32, #tpu.memory_space<hbm>>) target(%dma_start3A_88 : memref<64x128xf32, #tpu.memory_space<vmem>>) offsets(%dma_start3A_90 : memref<64xi32, #tpu.memory_space<vmem>>) semaphore(%arg14 : memref<!tpu.dma_semaphore, #tpu.memory_space<semaphore_mem>>)
    %add3A_94 = arith.constant 320000 : i32
    %add3A_95 = arith.addi %add3A_94, %add3A : i32
    %add3A_96 = arith.constant 192 : i32
    %add3A_97 = arith.addi %add3A_95, %add3A_96 : i32
    %dma_start3A_98 = arith.constant 3 : i32
    %dma_start3A_99 = arith.constant 0 : i32
    %dma_start3A_100 = tpu.memref_slice %arg8[%dma_start3A_98, %dma_start3A_99] : memref<4x64xi32, #tpu.memory_space<vmem>> -> memref<1x64xi32, #tpu.memory_space<vmem>>
    %dma_start3A_101 = tpu.memref_squeeze %dma_start3A_100 : memref<1x64xi32, #tpu.memory_space<vmem>> -> memref<64xi32, #tpu.memory_space<vmem>>
    %dma_start3A_102 = tpu.memref_slice %arg2[%add3A_97] : memref<640000xi32, #tpu.memory_space<hbm>> -> memref<64xi32, #tpu.memory_space<hbm>>
    %dma_start3A_103 = arith.constant 0 : i32
    %dma_start3A_104 = tpu.memref_slice %arg8[%dma_start3A_98, %dma_start3A_103] : memref<4x64xi32, #tpu.memory_space<vmem>> -> memref<1x64xi32, #tpu.memory_space<vmem>>
    %dma_start3A_105 = tpu.memref_squeeze %dma_start3A_104 : memref<1x64xi32, #tpu.memory_space<vmem>> -> memref<64xi32, #tpu.memory_space<vmem>>
    %dma_start3A_106 = tpu.memref_slice %arg2[%add3A_97] : memref<640000xi32, #tpu.memory_space<hbm>> -> memref<64xi32, #tpu.memory_space<hbm>>
    tpu.enqueue_dma source(%dma_start3A_106 : memref<64xi32, #tpu.memory_space<hbm>>) target(%dma_start3A_105 : memref<64xi32, #tpu.memory_space<vmem>>) target_semaphore(%arg18 : memref<!tpu.dma_semaphore, #tpu.memory_space<semaphore_mem>>)
    %scan3A_107 = arith.constant 0 : i32
    %scan3A_108 = arith.constant 0 : i32
    %scan3A_109 = arith.constant 39 : i32
    %scan3A_110 = arith.addi %scan3A_108, %scan3A_109 : i32
    %scan3A_111 = arith.constant 1 : i32
    scf.for %scan3A_137 = %scan3A_108 to %scan3A_110 step %scan3A_111  : i32 {
      %mul3A_138 = arith.constant 4 : i32
      %mul3A_139 = arith.muli %scan3A_137, %mul3A_138 : i32
      %add3A_140 = arith.constant 0 : i32
      %add3A_141 = arith.addi %mul3A_139, %add3A_140 : i32
      %lt3A = arith.constant 156 : i32
      %lt3A_142 = arith.cmpi slt, %add3A_141, %lt3A : i32
      %convert_element_type3A = arith.extui %lt3A_142 : i1 to i32
      %cond3A = arith.constant 0 : i32
      %cond3A_143 = arith.cmpi ne, %convert_element_type3A, %cond3A : i32
      scf.if %cond3A_143 {
        %mul3A_171 = arith.constant 64 : i32
        %mul3A_172 = arith.muli %add3A_141, %mul3A_171 : i32
        %dma_wait3A_173 = arith.constant 0 : i32
        %dma_wait3A_174 = arith.constant 0 : i32
        %dma_wait3A_175 = arith.constant 0 : i32
        %dma_wait3A_176 = tpu.memref_slice %arg6[%dma_wait3A_173, %dma_wait3A_174, %dma_wait3A_175] : memref<4x64x128xf32, #tpu.memory_space<vmem>> -> memref<1x64x128xf32, #tpu.memory_space<vmem>>
        %dma_wait3A_177 = tpu.memref_squeeze %dma_wait3A_176 : memref<1x64x128xf32, #tpu.memory_space<vmem>> -> memref<64x128xf32, #tpu.memory_space<vmem>>
        %dma_wait3A_178 = tpu.memref_slice %arg7[%mul3A_172] : memref<10000xi32, #tpu.memory_space<vmem>> -> memref<64xi32, #tpu.memory_space<vmem>>
        %dma_wait3A_179 = arith.constant 0 : i32
        %dma_wait3A_180 = arith.constant 0 : i32
        %dma_wait3A_181 = tpu.memref_slice %arg3[%dma_wait3A_179, %dma_wait3A_180] : memref<10000x128xf32, #tpu.memory_space<hbm>> -> memref<10000x128xf32, #tpu.memory_space<hbm>>
        tpu.wait_indirect_dma semaphore(%arg11 : memref<!tpu.dma_semaphore, #tpu.memory_space<semaphore_mem>>) src(%dma_wait3A_181 : memref<10000x128xf32, #tpu.memory_space<hbm>>) dst(%dma_wait3A_177 : memref<64x128xf32, #tpu.memory_space<vmem>>)
        %add3A_182 = arith.constant 320000 : i32
        %add3A_183 = arith.addi %add3A_182, %add3A : i32
        %mul3A_184 = arith.constant 64 : i32
        %mul3A_185 = arith.muli %add3A_141, %mul3A_184 : i32
        %add3A_186 = arith.addi %add3A_183, %mul3A_185 : i32
        %dma_wait3A_187 = arith.constant 0 : i32
        %dma_wait3A_188 = arith.constant 0 : i32
        %dma_wait3A_189 = tpu.memref_slice %arg8[%dma_wait3A_187, %dma_wait3A_188] : memref<4x64xi32, #tpu.memory_space<vmem>> -> memref<1x64xi32, #tpu.memory_space<vmem>>
        %dma_wait3A_190 = tpu.memref_squeeze %dma_wait3A_189 : memref<1x64xi32, #tpu.memory_space<vmem>> -> memref<64xi32, #tpu.memory_space<vmem>>
        %dma_wait3A_191 = tpu.memref_slice %arg2[%add3A_186] : memref<640000xi32, #tpu.memory_space<hbm>> -> memref<64xi32, #tpu.memory_space<hbm>>
        %dma_wait3A_192 = arith.constant 0 : i32
        %dma_wait3A_193 = tpu.memref_slice %arg8[%dma_wait3A_187, %dma_wait3A_192] : memref<4x64xi32, #tpu.memory_space<vmem>> -> memref<1x64xi32, #tpu.memory_space<vmem>>
        %dma_wait3A_194 = tpu.memref_squeeze %dma_wait3A_193 : memref<1x64xi32, #tpu.memory_space<vmem>> -> memref<64xi32, #tpu.memory_space<vmem>>
        %dma_wait3A_195 = tpu.memref_slice %arg2[%add3A_186] : memref<640000xi32, #tpu.memory_space<hbm>> -> memref<64xi32, #tpu.memory_space<hbm>>
        tpu.wait_dma2 semaphore(%arg15 : memref<!tpu.dma_semaphore, #tpu.memory_space<semaphore_mem>>) src(%dma_wait3A_195 : memref<64xi32, #tpu.memory_space<hbm>>) dst(%dma_wait3A_194 : memref<64xi32, #tpu.memory_space<vmem>>)
        %run_scoped3A_196 = arith.constant 0 : i32
        %run_scoped3A_197 = arith.constant 0 : i32
        "tpu.region"() ({
          %run_scoped3A_205 = tpu.sem_alloc : memref<!tpu.dma_semaphore, #tpu.memory_space<semaphore_mem>>
          %dma_start3A_206 = arith.constant 0 : i32
          %dma_start3A_207 = arith.constant 0 : i32
          %dma_start3A_208 = tpu.memref_slice %arg6[%run_scoped3A_196, %dma_start3A_206, %dma_start3A_207] : memref<4x64x128xf32, #tpu.memory_space<vmem>> -> memref<1x64x128xf32, #tpu.memory_space<vmem>>
          %dma_start3A_209 = tpu.memref_squeeze %dma_start3A_208 : memref<1x64x128xf32, #tpu.memory_space<vmem>> -> memref<64x128xf32, #tpu.memory_space<vmem>>
          %dma_start3A_210 = arith.constant 0 : i32
          %dma_start3A_211 = tpu.memref_slice %arg8[%run_scoped3A_197, %dma_start3A_210] : memref<4x64xi32, #tpu.memory_space<vmem>> -> memref<1x64xi32, #tpu.memory_space<vmem>>
          %dma_start3A_212 = tpu.memref_squeeze %dma_start3A_211 : memref<1x64xi32, #tpu.memory_space<vmem>> -> memref<64xi32, #tpu.memory_space<vmem>>
          %dma_start3A_213 = arith.constant 0 : i32
          %dma_start3A_214 = arith.constant 0 : i32
          %dma_start3A_215 = tpu.memref_slice %arg10[%dma_start3A_213, %dma_start3A_214] : memref<10240x128xf32, #tpu.memory_space<vmem_shared>> -> memref<10240x128xf32, #tpu.memory_space<vmem_shared>>
          tpu.enqueue_indirect_dma source(%dma_start3A_209 : memref<64x128xf32, #tpu.memory_space<vmem>>) target(%dma_start3A_215 : memref<10240x128xf32, #tpu.memory_space<vmem_shared>>) offsets(%dma_start3A_212 : memref<64xi32, #tpu.memory_space<vmem>>) semaphore(%run_scoped3A_205 : memref<!tpu.dma_semaphore, #tpu.memory_space<semaphore_mem>>) {add = true}
          %dma_wait3A_216 = arith.constant 0 : i32
          %dma_wait3A_217 = arith.constant 0 : i32
          %dma_wait3A_218 = tpu.memref_slice %arg6[%run_scoped3A_196, %dma_wait3A_216, %dma_wait3A_217] : memref<4x64x128xf32, #tpu.memory_space<vmem>> -> memref<1x64x128xf32, #tpu.memory_space<vmem>>
          %dma_wait3A_219 = tpu.memref_squeeze %dma_wait3A_218 : memref<1x64x128xf32, #tpu.memory_space<vmem>> -> memref<64x128xf32, #tpu.memory_space<vmem>>
          %dma_wait3A_220 = arith.constant 0 : i32
          %dma_wait3A_221 = tpu.memref_slice %arg8[%run_scoped3A_197, %dma_wait3A_220] : memref<4x64xi32, #tpu.memory_space<vmem>> -> memref<1x64xi32, #tpu.memory_space<vmem>>
          %dma_wait3A_222 = tpu.memref_squeeze %dma_wait3A_221 : memref<1x64xi32, #tpu.memory_space<vmem>> -> memref<64xi32, #tpu.memory_space<vmem>>
          %dma_wait3A_223 = arith.constant 0 : i32
          %dma_wait3A_224 = arith.constant 0 : i32
          %dma_wait3A_225 = tpu.memref_slice %arg10[%dma_wait3A_223, %dma_wait3A_224] : memref<10240x128xf32, #tpu.memory_space<vmem_shared>> -> memref<10240x128xf32, #tpu.memory_space<vmem_shared>>
          tpu.wait_indirect_dma semaphore(%run_scoped3A_205 : memref<!tpu.dma_semaphore, #tpu.memory_space<semaphore_mem>>) src(%dma_wait3A_219 : memref<64x128xf32, #tpu.memory_space<vmem>>) dst(%dma_wait3A_225 : memref<10240x128xf32, #tpu.memory_space<vmem_shared>>)
          tpu.yield
        }) : () -> ()
        %add3A_198 = arith.constant 4 : i32
        %add3A_199 = arith.addi %add3A_141, %add3A_198 : i32
        %lt3A_200 = arith.constant 156 : i32
        %lt3A_201 = arith.cmpi slt, %add3A_199, %lt3A_200 : i32
        %convert_element_type3A_202 = arith.extui %lt3A_201 : i1 to i32
        %cond3A_203 = arith.constant 0 : i32
        %cond3A_204 = arith.cmpi ne, %convert_element_type3A_202, %cond3A_203 : i32
        scf.if %cond3A_204 {
          %add3A_205 = arith.constant 4 : i32
          %add3A_206 = arith.addi %add3A_141, %add3A_205 : i32
          %mul3A_207 = arith.constant 64 : i32
          %mul3A_208 = arith.muli %add3A_206, %mul3A_207 : i32
          %dma_start3A_209 = arith.constant 0 : i32
          %dma_start3A_210 = arith.constant 0 : i32
          %dma_start3A_211 = arith.constant 0 : i32
          %dma_start3A_212 = tpu.memref_slice %arg6[%dma_start3A_209, %dma_start3A_210, %dma_start3A_211] : memref<4x64x128xf32, #tpu.memory_space<vmem>> -> memref<1x64x128xf32, #tpu.memory_space<vmem>>
          %dma_start3A_213 = tpu.memref_squeeze %dma_start3A_212 : memref<1x64x128xf32, #tpu.memory_space<vmem>> -> memref<64x128xf32, #tpu.memory_space<vmem>>
          %dma_start3A_214 = tpu.memref_slice %arg7[%mul3A_208] : memref<10000xi32, #tpu.memory_space<vmem>> -> memref<64xi32, #tpu.memory_space<vmem>>
          %dma_start3A_215 = arith.constant 0 : i32
          %dma_start3A_216 = arith.constant 0 : i32
          %dma_start3A_217 = tpu.memref_slice %arg3[%dma_start3A_215, %dma_start3A_216] : memref<10000x128xf32, #tpu.memory_space<hbm>> -> memref<10000x128xf32, #tpu.memory_space<hbm>>
          tpu.enqueue_indirect_dma source(%dma_start3A_217 : memref<10000x128xf32, #tpu.memory_space<hbm>>) target(%dma_start3A_213 : memref<64x128xf32, #tpu.memory_space<vmem>>) offsets(%dma_start3A_214 : memref<64xi32, #tpu.memory_space<vmem>>) semaphore(%arg11 : memref<!tpu.dma_semaphore, #tpu.memory_space<semaphore_mem>>)
          %add3A_218 = arith.constant 4 : i32
          %add3A_219 = arith.addi %add3A_141, %add3A_218 : i32
          %add3A_220 = arith.constant 320000 : i32
          %add3A_221 = arith.addi %add3A_220, %add3A : i32
          %mul3A_222 = arith.constant 64 : i32
          %mul3A_223 = arith.muli %add3A_219, %mul3A_222 : i32
          %add3A_224 = arith.addi %add3A_221, %mul3A_223 : i32
          %dma_start3A_225 = arith.constant 0 : i32
          %dma_start3A_226 = arith.constant 0 : i32
          %dma_start3A_227 = tpu.memref_slice %arg8[%dma_start3A_225, %dma_start3A_226] : memref<4x64xi32, #tpu.memory_space<vmem>> -> memref<1x64xi32, #tpu.memory_space<vmem>>
          %dma_start3A_228 = tpu.memref_squeeze %dma_start3A_227 : memref<1x64xi32, #tpu.memory_space<vmem>> -> memref<64xi32, #tpu.memory_space<vmem>>
          %dma_start3A_229 = tpu.memref_slice %arg2[%add3A_224] : memref<640000xi32, #tpu.memory_space<hbm>> -> memref<64xi32, #tpu.memory_space<hbm>>
          %dma_start3A_230 = arith.constant 0 : i32
          %dma_start3A_231 = tpu.memref_slice %arg8[%dma_start3A_225, %dma_start3A_230] : memref<4x64xi32, #tpu.memory_space<vmem>> -> memref<1x64xi32, #tpu.memory_space<vmem>>
          %dma_start3A_232 = tpu.memref_squeeze %dma_start3A_231 : memref<1x64xi32, #tpu.memory_space<vmem>> -> memref<64xi32, #tpu.memory_space<vmem>>
          %dma_start3A_233 = tpu.memref_slice %arg2[%add3A_224] : memref<640000xi32, #tpu.memory_space<hbm>> -> memref<64xi32, #tpu.memory_space<hbm>>
          tpu.enqueue_dma source(%dma_start3A_233 : memref<64xi32, #tpu.memory_space<hbm>>) target(%dma_start3A_232 : memref<64xi32, #tpu.memory_space<vmem>>) target_semaphore(%arg15 : memref<!tpu.dma_semaphore, #tpu.memory_space<semaphore_mem>>)
        } else {
        }
      } else {
      }
      %mul3A_144 = arith.constant 4 : i32
      %mul3A_145 = arith.muli %scan3A_137, %mul3A_144 : i32
      %add3A_146 = arith.constant 1 : i32
      %add3A_147 = arith.addi %mul3A_145, %add3A_146 : i32
      %lt3A_148 = arith.constant 156 : i32
      %lt3A_149 = arith.cmpi slt, %add3A_147, %lt3A_148 : i32
      %convert_element_type3A_150 = arith.extui %lt3A_149 : i1 to i32
      %cond3A_151 = arith.constant 0 : i32
      %cond3A_152 = arith.cmpi ne, %convert_element_type3A_150, %cond3A_151 : i32
      scf.if %cond3A_152 {
        %mul3A_171 = arith.constant 64 : i32
        %mul3A_172 = arith.muli %add3A_147, %mul3A_171 : i32
        %dma_wait3A_173 = arith.constant 1 : i32
        %dma_wait3A_174 = arith.constant 0 : i32
        %dma_wait3A_175 = arith.constant 0 : i32
        %dma_wait3A_176 = tpu.memref_slice %arg6[%dma_wait3A_173, %dma_wait3A_174, %dma_wait3A_175] : memref<4x64x128xf32, #tpu.memory_space<vmem>> -> memref<1x64x128xf32, #tpu.memory_space<vmem>>
        %dma_wait3A_177 = tpu.memref_squeeze %dma_wait3A_176 : memref<1x64x128xf32, #tpu.memory_space<vmem>> -> memref<64x128xf32, #tpu.memory_space<vmem>>
        %dma_wait3A_178 = tpu.memref_slice %arg7[%mul3A_172] : memref<10000xi32, #tpu.memory_space<vmem>> -> memref<64xi32, #tpu.memory_space<vmem>>
        %dma_wait3A_179 = arith.constant 0 : i32
        %dma_wait3A_180 = arith.constant 0 : i32
        %dma_wait3A_181 = tpu.memref_slice %arg3[%dma_wait3A_179, %dma_wait3A_180] : memref<10000x128xf32, #tpu.memory_space<hbm>> -> memref<10000x128xf32, #tpu.memory_space<hbm>>
        tpu.wait_indirect_dma semaphore(%arg12 : memref<!tpu.dma_semaphore, #tpu.memory_space<semaphore_mem>>) src(%dma_wait3A_181 : memref<10000x128xf32, #tpu.memory_space<hbm>>) dst(%dma_wait3A_177 : memref<64x128xf32, #tpu.memory_space<vmem>>)
        %add3A_182 = arith.constant 320000 : i32
        %add3A_183 = arith.addi %add3A_182, %add3A : i32
        %mul3A_184 = arith.constant 64 : i32
        %mul3A_185 = arith.muli %add3A_147, %mul3A_184 : i32
        %add3A_186 = arith.addi %add3A_183, %mul3A_185 : i32
        %dma_wait3A_187 = arith.constant 1 : i32
        %dma_wait3A_188 = arith.constant 0 : i32
        %dma_wait3A_189 = tpu.memref_slice %arg8[%dma_wait3A_187, %dma_wait3A_188] : memref<4x64xi32, #tpu.memory_space<vmem>> -> memref<1x64xi32, #tpu.memory_space<vmem>>
        %dma_wait3A_190 = tpu.memref_squeeze %dma_wait3A_189 : memref<1x64xi32, #tpu.memory_space<vmem>> -> memref<64xi32, #tpu.memory_space<vmem>>
        %dma_wait3A_191 = tpu.memref_slice %arg2[%add3A_186] : memref<640000xi32, #tpu.memory_space<hbm>> -> memref<64xi32, #tpu.memory_space<hbm>>
        %dma_wait3A_192 = arith.constant 0 : i32
        %dma_wait3A_193 = tpu.memref_slice %arg8[%dma_wait3A_187, %dma_wait3A_192] : memref<4x64xi32, #tpu.memory_space<vmem>> -> memref<1x64xi32, #tpu.memory_space<vmem>>
        %dma_wait3A_194 = tpu.memref_squeeze %dma_wait3A_193 : memref<1x64xi32, #tpu.memory_space<vmem>> -> memref<64xi32, #tpu.memory_space<vmem>>
        %dma_wait3A_195 = tpu.memref_slice %arg2[%add3A_186] : memref<640000xi32, #tpu.memory_space<hbm>> -> memref<64xi32, #tpu.memory_space<hbm>>
        tpu.wait_dma2 semaphore(%arg16 : memref<!tpu.dma_semaphore, #tpu.memory_space<semaphore_mem>>) src(%dma_wait3A_195 : memref<64xi32, #tpu.memory_space<hbm>>) dst(%dma_wait3A_194 : memref<64xi32, #tpu.memory_space<vmem>>)
        %run_scoped3A_196 = arith.constant 1 : i32
        %run_scoped3A_197 = arith.constant 1 : i32
        "tpu.region"() ({
          %run_scoped3A_205 = tpu.sem_alloc : memref<!tpu.dma_semaphore, #tpu.memory_space<semaphore_mem>>
          %dma_start3A_206 = arith.constant 0 : i32
          %dma_start3A_207 = arith.constant 0 : i32
          %dma_start3A_208 = tpu.memref_slice %arg6[%run_scoped3A_196, %dma_start3A_206, %dma_start3A_207] : memref<4x64x128xf32, #tpu.memory_space<vmem>> -> memref<1x64x128xf32, #tpu.memory_space<vmem>>
          %dma_start3A_209 = tpu.memref_squeeze %dma_start3A_208 : memref<1x64x128xf32, #tpu.memory_space<vmem>> -> memref<64x128xf32, #tpu.memory_space<vmem>>
          %dma_start3A_210 = arith.constant 0 : i32
          %dma_start3A_211 = tpu.memref_slice %arg8[%run_scoped3A_197, %dma_start3A_210] : memref<4x64xi32, #tpu.memory_space<vmem>> -> memref<1x64xi32, #tpu.memory_space<vmem>>
          %dma_start3A_212 = tpu.memref_squeeze %dma_start3A_211 : memref<1x64xi32, #tpu.memory_space<vmem>> -> memref<64xi32, #tpu.memory_space<vmem>>
          %dma_start3A_213 = arith.constant 0 : i32
          %dma_start3A_214 = arith.constant 0 : i32
          %dma_start3A_215 = tpu.memref_slice %arg10[%dma_start3A_213, %dma_start3A_214] : memref<10240x128xf32, #tpu.memory_space<vmem_shared>> -> memref<10240x128xf32, #tpu.memory_space<vmem_shared>>
          tpu.enqueue_indirect_dma source(%dma_start3A_209 : memref<64x128xf32, #tpu.memory_space<vmem>>) target(%dma_start3A_215 : memref<10240x128xf32, #tpu.memory_space<vmem_shared>>) offsets(%dma_start3A_212 : memref<64xi32, #tpu.memory_space<vmem>>) semaphore(%run_scoped3A_205 : memref<!tpu.dma_semaphore, #tpu.memory_space<semaphore_mem>>) {add = true}
          %dma_wait3A_216 = arith.constant 0 : i32
          %dma_wait3A_217 = arith.constant 0 : i32
          %dma_wait3A_218 = tpu.memref_slice %arg6[%run_scoped3A_196, %dma_wait3A_216, %dma_wait3A_217] : memref<4x64x128xf32, #tpu.memory_space<vmem>> -> memref<1x64x128xf32, #tpu.memory_space<vmem>>
          %dma_wait3A_219 = tpu.memref_squeeze %dma_wait3A_218 : memref<1x64x128xf32, #tpu.memory_space<vmem>> -> memref<64x128xf32, #tpu.memory_space<vmem>>
          %dma_wait3A_220 = arith.constant 0 : i32
          %dma_wait3A_221 = tpu.memref_slice %arg8[%run_scoped3A_197, %dma_wait3A_220] : memref<4x64xi32, #tpu.memory_space<vmem>> -> memref<1x64xi32, #tpu.memory_space<vmem>>
          %dma_wait3A_222 = tpu.memref_squeeze %dma_wait3A_221 : memref<1x64xi32, #tpu.memory_space<vmem>> -> memref<64xi32, #tpu.memory_space<vmem>>
          %dma_wait3A_223 = arith.constant 0 : i32
          %dma_wait3A_224 = arith.constant 0 : i32
          %dma_wait3A_225 = tpu.memref_slice %arg10[%dma_wait3A_223, %dma_wait3A_224] : memref<10240x128xf32, #tpu.memory_space<vmem_shared>> -> memref<10240x128xf32, #tpu.memory_space<vmem_shared>>
          tpu.wait_indirect_dma semaphore(%run_scoped3A_205 : memref<!tpu.dma_semaphore, #tpu.memory_space<semaphore_mem>>) src(%dma_wait3A_219 : memref<64x128xf32, #tpu.memory_space<vmem>>) dst(%dma_wait3A_225 : memref<10240x128xf32, #tpu.memory_space<vmem_shared>>)
          tpu.yield
        }) : () -> ()
        %add3A_198 = arith.constant 4 : i32
        %add3A_199 = arith.addi %add3A_147, %add3A_198 : i32
        %lt3A_200 = arith.constant 156 : i32
        %lt3A_201 = arith.cmpi slt, %add3A_199, %lt3A_200 : i32
        %convert_element_type3A_202 = arith.extui %lt3A_201 : i1 to i32
        %cond3A_203 = arith.constant 0 : i32
        %cond3A_204 = arith.cmpi ne, %convert_element_type3A_202, %cond3A_203 : i32
        scf.if %cond3A_204 {
          %add3A_205 = arith.constant 4 : i32
          %add3A_206 = arith.addi %add3A_147, %add3A_205 : i32
          %mul3A_207 = arith.constant 64 : i32
          %mul3A_208 = arith.muli %add3A_206, %mul3A_207 : i32
          %dma_start3A_209 = arith.constant 1 : i32
          %dma_start3A_210 = arith.constant 0 : i32
          %dma_start3A_211 = arith.constant 0 : i32
          %dma_start3A_212 = tpu.memref_slice %arg6[%dma_start3A_209, %dma_start3A_210, %dma_start3A_211] : memref<4x64x128xf32, #tpu.memory_space<vmem>> -> memref<1x64x128xf32, #tpu.memory_space<vmem>>
          %dma_start3A_213 = tpu.memref_squeeze %dma_start3A_212 : memref<1x64x128xf32, #tpu.memory_space<vmem>> -> memref<64x128xf32, #tpu.memory_space<vmem>>
          %dma_start3A_214 = tpu.memref_slice %arg7[%mul3A_208] : memref<10000xi32, #tpu.memory_space<vmem>> -> memref<64xi32, #tpu.memory_space<vmem>>
          %dma_start3A_215 = arith.constant 0 : i32
          %dma_start3A_216 = arith.constant 0 : i32
          %dma_start3A_217 = tpu.memref_slice %arg3[%dma_start3A_215, %dma_start3A_216] : memref<10000x128xf32, #tpu.memory_space<hbm>> -> memref<10000x128xf32, #tpu.memory_space<hbm>>
          tpu.enqueue_indirect_dma source(%dma_start3A_217 : memref<10000x128xf32, #tpu.memory_space<hbm>>) target(%dma_start3A_213 : memref<64x128xf32, #tpu.memory_space<vmem>>) offsets(%dma_start3A_214 : memref<64xi32, #tpu.memory_space<vmem>>) semaphore(%arg12 : memref<!tpu.dma_semaphore, #tpu.memory_space<semaphore_mem>>)
          %add3A_218 = arith.constant 4 : i32
          %add3A_219 = arith.addi %add3A_147, %add3A_218 : i32
          %add3A_220 = arith.constant 320000 : i32
          %add3A_221 = arith.addi %add3A_220, %add3A : i32
          %mul3A_222 = arith.constant 64 : i32
          %mul3A_223 = arith.muli %add3A_219, %mul3A_222 : i32
          %add3A_224 = arith.addi %add3A_221, %mul3A_223 : i32
          %dma_start3A_225 = arith.constant 1 : i32
          %dma_start3A_226 = arith.constant 0 : i32
          %dma_start3A_227 = tpu.memref_slice %arg8[%dma_start3A_225, %dma_start3A_226] : memref<4x64xi32, #tpu.memory_space<vmem>> -> memref<1x64xi32, #tpu.memory_space<vmem>>
          %dma_start3A_228 = tpu.memref_squeeze %dma_start3A_227 : memref<1x64xi32, #tpu.memory_space<vmem>> -> memref<64xi32, #tpu.memory_space<vmem>>
          %dma_start3A_229 = tpu.memref_slice %arg2[%add3A_224] : memref<640000xi32, #tpu.memory_space<hbm>> -> memref<64xi32, #tpu.memory_space<hbm>>
          %dma_start3A_230 = arith.constant 0 : i32
          %dma_start3A_231 = tpu.memref_slice %arg8[%dma_start3A_225, %dma_start3A_230] : memref<4x64xi32, #tpu.memory_space<vmem>> -> memref<1x64xi32, #tpu.memory_space<vmem>>
          %dma_start3A_232 = tpu.memref_squeeze %dma_start3A_231 : memref<1x64xi32, #tpu.memory_space<vmem>> -> memref<64xi32, #tpu.memory_space<vmem>>
          %dma_start3A_233 = tpu.memref_slice %arg2[%add3A_224] : memref<640000xi32, #tpu.memory_space<hbm>> -> memref<64xi32, #tpu.memory_space<hbm>>
          tpu.enqueue_dma source(%dma_start3A_233 : memref<64xi32, #tpu.memory_space<hbm>>) target(%dma_start3A_232 : memref<64xi32, #tpu.memory_space<vmem>>) target_semaphore(%arg16 : memref<!tpu.dma_semaphore, #tpu.memory_space<semaphore_mem>>)
        } else {
        }
      } else {
      }
      %mul3A_153 = arith.constant 4 : i32
      %mul3A_154 = arith.muli %scan3A_137, %mul3A_153 : i32
      %add3A_155 = arith.constant 2 : i32
      %add3A_156 = arith.addi %mul3A_154, %add3A_155 : i32
      %lt3A_157 = arith.constant 156 : i32
      %lt3A_158 = arith.cmpi slt, %add3A_156, %lt3A_157 : i32
      %convert_element_type3A_159 = arith.extui %lt3A_158 : i1 to i32
      %cond3A_160 = arith.constant 0 : i32
      %cond3A_161 = arith.cmpi ne, %convert_element_type3A_159, %cond3A_160 : i32
      scf.if %cond3A_161 {
        %mul3A_171 = arith.constant 64 : i32
        %mul3A_172 = arith.muli %add3A_156, %mul3A_171 : i32
        %dma_wait3A_173 = arith.constant 2 : i32
        %dma_wait3A_174 = arith.constant 0 : i32
        %dma_wait3A_175 = arith.constant 0 : i32
        %dma_wait3A_176 = tpu.memref_slice %arg6[%dma_wait3A_173, %dma_wait3A_174, %dma_wait3A_175] : memref<4x64x128xf32, #tpu.memory_space<vmem>> -> memref<1x64x128xf32, #tpu.memory_space<vmem>>
        %dma_wait3A_177 = tpu.memref_squeeze %dma_wait3A_176 : memref<1x64x128xf32, #tpu.memory_space<vmem>> -> memref<64x128xf32, #tpu.memory_space<vmem>>
        %dma_wait3A_178 = tpu.memref_slice %arg7[%mul3A_172] : memref<10000xi32, #tpu.memory_space<vmem>> -> memref<64xi32, #tpu.memory_space<vmem>>
        %dma_wait3A_179 = arith.constant 0 : i32
        %dma_wait3A_180 = arith.constant 0 : i32
        %dma_wait3A_181 = tpu.memref_slice %arg3[%dma_wait3A_179, %dma_wait3A_180] : memref<10000x128xf32, #tpu.memory_space<hbm>> -> memref<10000x128xf32, #tpu.memory_space<hbm>>
        tpu.wait_indirect_dma semaphore(%arg13 : memref<!tpu.dma_semaphore, #tpu.memory_space<semaphore_mem>>) src(%dma_wait3A_181 : memref<10000x128xf32, #tpu.memory_space<hbm>>) dst(%dma_wait3A_177 : memref<64x128xf32, #tpu.memory_space<vmem>>)
        %add3A_182 = arith.constant 320000 : i32
        %add3A_183 = arith.addi %add3A_182, %add3A : i32
        %mul3A_184 = arith.constant 64 : i32
        %mul3A_185 = arith.muli %add3A_156, %mul3A_184 : i32
        %add3A_186 = arith.addi %add3A_183, %mul3A_185 : i32
        %dma_wait3A_187 = arith.constant 2 : i32
        %dma_wait3A_188 = arith.constant 0 : i32
        %dma_wait3A_189 = tpu.memref_slice %arg8[%dma_wait3A_187, %dma_wait3A_188] : memref<4x64xi32, #tpu.memory_space<vmem>> -> memref<1x64xi32, #tpu.memory_space<vmem>>
        %dma_wait3A_190 = tpu.memref_squeeze %dma_wait3A_189 : memref<1x64xi32, #tpu.memory_space<vmem>> -> memref<64xi32, #tpu.memory_space<vmem>>
        %dma_wait3A_191 = tpu.memref_slice %arg2[%add3A_186] : memref<640000xi32, #tpu.memory_space<hbm>> -> memref<64xi32, #tpu.memory_space<hbm>>
        %dma_wait3A_192 = arith.constant 0 : i32
        %dma_wait3A_193 = tpu.memref_slice %arg8[%dma_wait3A_187, %dma_wait3A_192] : memref<4x64xi32, #tpu.memory_space<vmem>> -> memref<1x64xi32, #tpu.memory_space<vmem>>
        %dma_wait3A_194 = tpu.memref_squeeze %dma_wait3A_193 : memref<1x64xi32, #tpu.memory_space<vmem>> -> memref<64xi32, #tpu.memory_space<vmem>>
        %dma_wait3A_195 = tpu.memref_slice %arg2[%add3A_186] : memref<640000xi32, #tpu.memory_space<hbm>> -> memref<64xi32, #tpu.memory_space<hbm>>
        tpu.wait_dma2 semaphore(%arg17 : memref<!tpu.dma_semaphore, #tpu.memory_space<semaphore_mem>>) src(%dma_wait3A_195 : memref<64xi32, #tpu.memory_space<hbm>>) dst(%dma_wait3A_194 : memref<64xi32, #tpu.memory_space<vmem>>)
        %run_scoped3A_196 = arith.constant 2 : i32
        %run_scoped3A_197 = arith.constant 2 : i32
        "tpu.region"() ({
          %run_scoped3A_205 = tpu.sem_alloc : memref<!tpu.dma_semaphore, #tpu.memory_space<semaphore_mem>>
          %dma_start3A_206 = arith.constant 0 : i32
          %dma_start3A_207 = arith.constant 0 : i32
          %dma_start3A_208 = tpu.memref_slice %arg6[%run_scoped3A_196, %dma_start3A_206, %dma_start3A_207] : memref<4x64x128xf32, #tpu.memory_space<vmem>> -> memref<1x64x128xf32, #tpu.memory_space<vmem>>
          %dma_start3A_209 = tpu.memref_squeeze %dma_start3A_208 : memref<1x64x128xf32, #tpu.memory_space<vmem>> -> memref<64x128xf32, #tpu.memory_space<vmem>>
          %dma_start3A_210 = arith.constant 0 : i32
          %dma_start3A_211 = tpu.memref_slice %arg8[%run_scoped3A_197, %dma_start3A_210] : memref<4x64xi32, #tpu.memory_space<vmem>> -> memref<1x64xi32, #tpu.memory_space<vmem>>
          %dma_start3A_212 = tpu.memref_squeeze %dma_start3A_211 : memref<1x64xi32, #tpu.memory_space<vmem>> -> memref<64xi32, #tpu.memory_space<vmem>>
          %dma_start3A_213 = arith.constant 0 : i32
          %dma_start3A_214 = arith.constant 0 : i32
          %dma_start3A_215 = tpu.memref_slice %arg10[%dma_start3A_213, %dma_start3A_214] : memref<10240x128xf32, #tpu.memory_space<vmem_shared>> -> memref<10240x128xf32, #tpu.memory_space<vmem_shared>>
          tpu.enqueue_indirect_dma source(%dma_start3A_209 : memref<64x128xf32, #tpu.memory_space<vmem>>) target(%dma_start3A_215 : memref<10240x128xf32, #tpu.memory_space<vmem_shared>>) offsets(%dma_start3A_212 : memref<64xi32, #tpu.memory_space<vmem>>) semaphore(%run_scoped3A_205 : memref<!tpu.dma_semaphore, #tpu.memory_space<semaphore_mem>>) {add = true}
          %dma_wait3A_216 = arith.constant 0 : i32
          %dma_wait3A_217 = arith.constant 0 : i32
          %dma_wait3A_218 = tpu.memref_slice %arg6[%run_scoped3A_196, %dma_wait3A_216, %dma_wait3A_217] : memref<4x64x128xf32, #tpu.memory_space<vmem>> -> memref<1x64x128xf32, #tpu.memory_space<vmem>>
          %dma_wait3A_219 = tpu.memref_squeeze %dma_wait3A_218 : memref<1x64x128xf32, #tpu.memory_space<vmem>> -> memref<64x128xf32, #tpu.memory_space<vmem>>
          %dma_wait3A_220 = arith.constant 0 : i32
          %dma_wait3A_221 = tpu.memref_slice %arg8[%run_scoped3A_197, %dma_wait3A_220] : memref<4x64xi32, #tpu.memory_space<vmem>> -> memref<1x64xi32, #tpu.memory_space<vmem>>
          %dma_wait3A_222 = tpu.memref_squeeze %dma_wait3A_221 : memref<1x64xi32, #tpu.memory_space<vmem>> -> memref<64xi32, #tpu.memory_space<vmem>>
          %dma_wait3A_223 = arith.constant 0 : i32
          %dma_wait3A_224 = arith.constant 0 : i32
          %dma_wait3A_225 = tpu.memref_slice %arg10[%dma_wait3A_223, %dma_wait3A_224] : memref<10240x128xf32, #tpu.memory_space<vmem_shared>> -> memref<10240x128xf32, #tpu.memory_space<vmem_shared>>
          tpu.wait_indirect_dma semaphore(%run_scoped3A_205 : memref<!tpu.dma_semaphore, #tpu.memory_space<semaphore_mem>>) src(%dma_wait3A_219 : memref<64x128xf32, #tpu.memory_space<vmem>>) dst(%dma_wait3A_225 : memref<10240x128xf32, #tpu.memory_space<vmem_shared>>)
          tpu.yield
        }) : () -> ()
        %add3A_198 = arith.constant 4 : i32
        %add3A_199 = arith.addi %add3A_156, %add3A_198 : i32
        %lt3A_200 = arith.constant 156 : i32
        %lt3A_201 = arith.cmpi slt, %add3A_199, %lt3A_200 : i32
        %convert_element_type3A_202 = arith.extui %lt3A_201 : i1 to i32
        %cond3A_203 = arith.constant 0 : i32
        %cond3A_204 = arith.cmpi ne, %convert_element_type3A_202, %cond3A_203 : i32
        scf.if %cond3A_204 {
          %add3A_205 = arith.constant 4 : i32
          %add3A_206 = arith.addi %add3A_156, %add3A_205 : i32
          %mul3A_207 = arith.constant 64 : i32
          %mul3A_208 = arith.muli %add3A_206, %mul3A_207 : i32
          %dma_start3A_209 = arith.constant 2 : i32
          %dma_start3A_210 = arith.constant 0 : i32
          %dma_start3A_211 = arith.constant 0 : i32
          %dma_start3A_212 = tpu.memref_slice %arg6[%dma_start3A_209, %dma_start3A_210, %dma_start3A_211] : memref<4x64x128xf32, #tpu.memory_space<vmem>> -> memref<1x64x128xf32, #tpu.memory_space<vmem>>
          %dma_start3A_213 = tpu.memref_squeeze %dma_start3A_212 : memref<1x64x128xf32, #tpu.memory_space<vmem>> -> memref<64x128xf32, #tpu.memory_space<vmem>>
          %dma_start3A_214 = tpu.memref_slice %arg7[%mul3A_208] : memref<10000xi32, #tpu.memory_space<vmem>> -> memref<64xi32, #tpu.memory_space<vmem>>
          %dma_start3A_215 = arith.constant 0 : i32
          %dma_start3A_216 = arith.constant 0 : i32
          %dma_start3A_217 = tpu.memref_slice %arg3[%dma_start3A_215, %dma_start3A_216] : memref<10000x128xf32, #tpu.memory_space<hbm>> -> memref<10000x128xf32, #tpu.memory_space<hbm>>
          tpu.enqueue_indirect_dma source(%dma_start3A_217 : memref<10000x128xf32, #tpu.memory_space<hbm>>) target(%dma_start3A_213 : memref<64x128xf32, #tpu.memory_space<vmem>>) offsets(%dma_start3A_214 : memref<64xi32, #tpu.memory_space<vmem>>) semaphore(%arg13 : memref<!tpu.dma_semaphore, #tpu.memory_space<semaphore_mem>>)
          %add3A_218 = arith.constant 4 : i32
          %add3A_219 = arith.addi %add3A_156, %add3A_218 : i32
          %add3A_220 = arith.constant 320000 : i32
          %add3A_221 = arith.addi %add3A_220, %add3A : i32
          %mul3A_222 = arith.constant 64 : i32
          %mul3A_223 = arith.muli %add3A_219, %mul3A_222 : i32
          %add3A_224 = arith.addi %add3A_221, %mul3A_223 : i32
          %dma_start3A_225 = arith.constant 2 : i32
          %dma_start3A_226 = arith.constant 0 : i32
          %dma_start3A_227 = tpu.memref_slice %arg8[%dma_start3A_225, %dma_start3A_226] : memref<4x64xi32, #tpu.memory_space<vmem>> -> memref<1x64xi32, #tpu.memory_space<vmem>>
          %dma_start3A_228 = tpu.memref_squeeze %dma_start3A_227 : memref<1x64xi32, #tpu.memory_space<vmem>> -> memref<64xi32, #tpu.memory_space<vmem>>
          %dma_start3A_229 = tpu.memref_slice %arg2[%add3A_224] : memref<640000xi32, #tpu.memory_space<hbm>> -> memref<64xi32, #tpu.memory_space<hbm>>
          %dma_start3A_230 = arith.constant 0 : i32
          %dma_start3A_231 = tpu.memref_slice %arg8[%dma_start3A_225, %dma_start3A_230] : memref<4x64xi32, #tpu.memory_space<vmem>> -> memref<1x64xi32, #tpu.memory_space<vmem>>
          %dma_start3A_232 = tpu.memref_squeeze %dma_start3A_231 : memref<1x64xi32, #tpu.memory_space<vmem>> -> memref<64xi32, #tpu.memory_space<vmem>>
          %dma_start3A_233 = tpu.memref_slice %arg2[%add3A_224] : memref<640000xi32, #tpu.memory_space<hbm>> -> memref<64xi32, #tpu.memory_space<hbm>>
          tpu.enqueue_dma source(%dma_start3A_233 : memref<64xi32, #tpu.memory_space<hbm>>) target(%dma_start3A_232 : memref<64xi32, #tpu.memory_space<vmem>>) target_semaphore(%arg17 : memref<!tpu.dma_semaphore, #tpu.memory_space<semaphore_mem>>)
        } else {
        }
      } else {
      }
      %mul3A_162 = arith.constant 4 : i32
      %mul3A_163 = arith.muli %scan3A_137, %mul3A_162 : i32
      %add3A_164 = arith.constant 3 : i32
      %add3A_165 = arith.addi %mul3A_163, %add3A_164 : i32
      %lt3A_166 = arith.constant 156 : i32
      %lt3A_167 = arith.cmpi slt, %add3A_165, %lt3A_166 : i32
      %convert_element_type3A_168 = arith.extui %lt3A_167 : i1 to i32
      %cond3A_169 = arith.constant 0 : i32
      %cond3A_170 = arith.cmpi ne, %convert_element_type3A_168, %cond3A_169 : i32
      scf.if %cond3A_170 {
        %mul3A_171 = arith.constant 64 : i32
        %mul3A_172 = arith.muli %add3A_165, %mul3A_171 : i32
        %dma_wait3A_173 = arith.constant 3 : i32
        %dma_wait3A_174 = arith.constant 0 : i32
        %dma_wait3A_175 = arith.constant 0 : i32
        %dma_wait3A_176 = tpu.memref_slice %arg6[%dma_wait3A_173, %dma_wait3A_174, %dma_wait3A_175] : memref<4x64x128xf32, #tpu.memory_space<vmem>> -> memref<1x64x128xf32, #tpu.memory_space<vmem>>
        %dma_wait3A_177 = tpu.memref_squeeze %dma_wait3A_176 : memref<1x64x128xf32, #tpu.memory_space<vmem>> -> memref<64x128xf32, #tpu.memory_space<vmem>>
        %dma_wait3A_178 = tpu.memref_slice %arg7[%mul3A_172] : memref<10000xi32, #tpu.memory_space<vmem>> -> memref<64xi32, #tpu.memory_space<vmem>>
        %dma_wait3A_179 = arith.constant 0 : i32
        %dma_wait3A_180 = arith.constant 0 : i32
        %dma_wait3A_181 = tpu.memref_slice %arg3[%dma_wait3A_179, %dma_wait3A_180] : memref<10000x128xf32, #tpu.memory_space<hbm>> -> memref<10000x128xf32, #tpu.memory_space<hbm>>
        tpu.wait_indirect_dma semaphore(%arg14 : memref<!tpu.dma_semaphore, #tpu.memory_space<semaphore_mem>>) src(%dma_wait3A_181 : memref<10000x128xf32, #tpu.memory_space<hbm>>) dst(%dma_wait3A_177 : memref<64x128xf32, #tpu.memory_space<vmem>>)
        %add3A_182 = arith.constant 320000 : i32
        %add3A_183 = arith.addi %add3A_182, %add3A : i32
        %mul3A_184 = arith.constant 64 : i32
        %mul3A_185 = arith.muli %add3A_165, %mul3A_184 : i32
        %add3A_186 = arith.addi %add3A_183, %mul3A_185 : i32
        %dma_wait3A_187 = arith.constant 3 : i32
        %dma_wait3A_188 = arith.constant 0 : i32
        %dma_wait3A_189 = tpu.memref_slice %arg8[%dma_wait3A_187, %dma_wait3A_188] : memref<4x64xi32, #tpu.memory_space<vmem>> -> memref<1x64xi32, #tpu.memory_space<vmem>>
        %dma_wait3A_190 = tpu.memref_squeeze %dma_wait3A_189 : memref<1x64xi32, #tpu.memory_space<vmem>> -> memref<64xi32, #tpu.memory_space<vmem>>
        %dma_wait3A_191 = tpu.memref_slice %arg2[%add3A_186] : memref<640000xi32, #tpu.memory_space<hbm>> -> memref<64xi32, #tpu.memory_space<hbm>>
        %dma_wait3A_192 = arith.constant 0 : i32
        %dma_wait3A_193 = tpu.memref_slice %arg8[%dma_wait3A_187, %dma_wait3A_192] : memref<4x64xi32, #tpu.memory_space<vmem>> -> memref<1x64xi32, #tpu.memory_space<vmem>>
        %dma_wait3A_194 = tpu.memref_squeeze %dma_wait3A_193 : memref<1x64xi32, #tpu.memory_space<vmem>> -> memref<64xi32, #tpu.memory_space<vmem>>
        %dma_wait3A_195 = tpu.memref_slice %arg2[%add3A_186] : memref<640000xi32, #tpu.memory_space<hbm>> -> memref<64xi32, #tpu.memory_space<hbm>>
        tpu.wait_dma2 semaphore(%arg18 : memref<!tpu.dma_semaphore, #tpu.memory_space<semaphore_mem>>) src(%dma_wait3A_195 : memref<64xi32, #tpu.memory_space<hbm>>) dst(%dma_wait3A_194 : memref<64xi32, #tpu.memory_space<vmem>>)
        %run_scoped3A_196 = arith.constant 3 : i32
        %run_scoped3A_197 = arith.constant 3 : i32
        "tpu.region"() ({
          %run_scoped3A_205 = tpu.sem_alloc : memref<!tpu.dma_semaphore, #tpu.memory_space<semaphore_mem>>
          %dma_start3A_206 = arith.constant 0 : i32
          %dma_start3A_207 = arith.constant 0 : i32
          %dma_start3A_208 = tpu.memref_slice %arg6[%run_scoped3A_196, %dma_start3A_206, %dma_start3A_207] : memref<4x64x128xf32, #tpu.memory_space<vmem>> -> memref<1x64x128xf32, #tpu.memory_space<vmem>>
          %dma_start3A_209 = tpu.memref_squeeze %dma_start3A_208 : memref<1x64x128xf32, #tpu.memory_space<vmem>> -> memref<64x128xf32, #tpu.memory_space<vmem>>
          %dma_start3A_210 = arith.constant 0 : i32
          %dma_start3A_211 = tpu.memref_slice %arg8[%run_scoped3A_197, %dma_start3A_210] : memref<4x64xi32, #tpu.memory_space<vmem>> -> memref<1x64xi32, #tpu.memory_space<vmem>>
          %dma_start3A_212 = tpu.memref_squeeze %dma_start3A_211 : memref<1x64xi32, #tpu.memory_space<vmem>> -> memref<64xi32, #tpu.memory_space<vmem>>
          %dma_start3A_213 = arith.constant 0 : i32
          %dma_start3A_214 = arith.constant 0 : i32
          %dma_start3A_215 = tpu.memref_slice %arg10[%dma_start3A_213, %dma_start3A_214] : memref<10240x128xf32, #tpu.memory_space<vmem_shared>> -> memref<10240x128xf32, #tpu.memory_space<vmem_shared>>
          tpu.enqueue_indirect_dma source(%dma_start3A_209 : memref<64x128xf32, #tpu.memory_space<vmem>>) target(%dma_start3A_215 : memref<10240x128xf32, #tpu.memory_space<vmem_shared>>) offsets(%dma_start3A_212 : memref<64xi32, #tpu.memory_space<vmem>>) semaphore(%run_scoped3A_205 : memref<!tpu.dma_semaphore, #tpu.memory_space<semaphore_mem>>) {add = true}
          %dma_wait3A_216 = arith.constant 0 : i32
          %dma_wait3A_217 = arith.constant 0 : i32
          %dma_wait3A_218 = tpu.memref_slice %arg6[%run_scoped3A_196, %dma_wait3A_216, %dma_wait3A_217] : memref<4x64x128xf32, #tpu.memory_space<vmem>> -> memref<1x64x128xf32, #tpu.memory_space<vmem>>
          %dma_wait3A_219 = tpu.memref_squeeze %dma_wait3A_218 : memref<1x64x128xf32, #tpu.memory_space<vmem>> -> memref<64x128xf32, #tpu.memory_space<vmem>>
          %dma_wait3A_220 = arith.constant 0 : i32
          %dma_wait3A_221 = tpu.memref_slice %arg8[%run_scoped3A_197, %dma_wait3A_220] : memref<4x64xi32, #tpu.memory_space<vmem>> -> memref<1x64xi32, #tpu.memory_space<vmem>>
          %dma_wait3A_222 = tpu.memref_squeeze %dma_wait3A_221 : memref<1x64xi32, #tpu.memory_space<vmem>> -> memref<64xi32, #tpu.memory_space<vmem>>
          %dma_wait3A_223 = arith.constant 0 : i32
          %dma_wait3A_224 = arith.constant 0 : i32
          %dma_wait3A_225 = tpu.memref_slice %arg10[%dma_wait3A_223, %dma_wait3A_224] : memref<10240x128xf32, #tpu.memory_space<vmem_shared>> -> memref<10240x128xf32, #tpu.memory_space<vmem_shared>>
          tpu.wait_indirect_dma semaphore(%run_scoped3A_205 : memref<!tpu.dma_semaphore, #tpu.memory_space<semaphore_mem>>) src(%dma_wait3A_219 : memref<64x128xf32, #tpu.memory_space<vmem>>) dst(%dma_wait3A_225 : memref<10240x128xf32, #tpu.memory_space<vmem_shared>>)
          tpu.yield
        }) : () -> ()
        %add3A_198 = arith.constant 4 : i32
        %add3A_199 = arith.addi %add3A_165, %add3A_198 : i32
        %lt3A_200 = arith.constant 156 : i32
        %lt3A_201 = arith.cmpi slt, %add3A_199, %lt3A_200 : i32
        %convert_element_type3A_202 = arith.extui %lt3A_201 : i1 to i32
        %cond3A_203 = arith.constant 0 : i32
        %cond3A_204 = arith.cmpi ne, %convert_element_type3A_202, %cond3A_203 : i32
        scf.if %cond3A_204 {
          %add3A_205 = arith.constant 4 : i32
          %add3A_206 = arith.addi %add3A_165, %add3A_205 : i32
          %mul3A_207 = arith.constant 64 : i32
          %mul3A_208 = arith.muli %add3A_206, %mul3A_207 : i32
          %dma_start3A_209 = arith.constant 3 : i32
          %dma_start3A_210 = arith.constant 0 : i32
          %dma_start3A_211 = arith.constant 0 : i32
          %dma_start3A_212 = tpu.memref_slice %arg6[%dma_start3A_209, %dma_start3A_210, %dma_start3A_211] : memref<4x64x128xf32, #tpu.memory_space<vmem>> -> memref<1x64x128xf32, #tpu.memory_space<vmem>>
          %dma_start3A_213 = tpu.memref_squeeze %dma_start3A_212 : memref<1x64x128xf32, #tpu.memory_space<vmem>> -> memref<64x128xf32, #tpu.memory_space<vmem>>
          %dma_start3A_214 = tpu.memref_slice %arg7[%mul3A_208] : memref<10000xi32, #tpu.memory_space<vmem>> -> memref<64xi32, #tpu.memory_space<vmem>>
          %dma_start3A_215 = arith.constant 0 : i32
          %dma_start3A_216 = arith.constant 0 : i32
          %dma_start3A_217 = tpu.memref_slice %arg3[%dma_start3A_215, %dma_start3A_216] : memref<10000x128xf32, #tpu.memory_space<hbm>> -> memref<10000x128xf32, #tpu.memory_space<hbm>>
          tpu.enqueue_indirect_dma source(%dma_start3A_217 : memref<10000x128xf32, #tpu.memory_space<hbm>>) target(%dma_start3A_213 : memref<64x128xf32, #tpu.memory_space<vmem>>) offsets(%dma_start3A_214 : memref<64xi32, #tpu.memory_space<vmem>>) semaphore(%arg14 : memref<!tpu.dma_semaphore, #tpu.memory_space<semaphore_mem>>)
          %add3A_218 = arith.constant 4 : i32
          %add3A_219 = arith.addi %add3A_165, %add3A_218 : i32
          %add3A_220 = arith.constant 320000 : i32
          %add3A_221 = arith.addi %add3A_220, %add3A : i32
          %mul3A_222 = arith.constant 64 : i32
          %mul3A_223 = arith.muli %add3A_219, %mul3A_222 : i32
          %add3A_224 = arith.addi %add3A_221, %mul3A_223 : i32
          %dma_start3A_225 = arith.constant 3 : i32
          %dma_start3A_226 = arith.constant 0 : i32
          %dma_start3A_227 = tpu.memref_slice %arg8[%dma_start3A_225, %dma_start3A_226] : memref<4x64xi32, #tpu.memory_space<vmem>> -> memref<1x64xi32, #tpu.memory_space<vmem>>
          %dma_start3A_228 = tpu.memref_squeeze %dma_start3A_227 : memref<1x64xi32, #tpu.memory_space<vmem>> -> memref<64xi32, #tpu.memory_space<vmem>>
          %dma_start3A_229 = tpu.memref_slice %arg2[%add3A_224] : memref<640000xi32, #tpu.memory_space<hbm>> -> memref<64xi32, #tpu.memory_space<hbm>>
          %dma_start3A_230 = arith.constant 0 : i32
          %dma_start3A_231 = tpu.memref_slice %arg8[%dma_start3A_225, %dma_start3A_230] : memref<4x64xi32, #tpu.memory_space<vmem>> -> memref<1x64xi32, #tpu.memory_space<vmem>>
          %dma_start3A_232 = tpu.memref_squeeze %dma_start3A_231 : memref<1x64xi32, #tpu.memory_space<vmem>> -> memref<64xi32, #tpu.memory_space<vmem>>
          %dma_start3A_233 = tpu.memref_slice %arg2[%add3A_224] : memref<640000xi32, #tpu.memory_space<hbm>> -> memref<64xi32, #tpu.memory_space<hbm>>
          tpu.enqueue_dma source(%dma_start3A_233 : memref<64xi32, #tpu.memory_space<hbm>>) target(%dma_start3A_232 : memref<64xi32, #tpu.memory_space<vmem>>) target_semaphore(%arg18 : memref<!tpu.dma_semaphore, #tpu.memory_space<semaphore_mem>>)
        } else {
        }
      } else {
      }
    }
    %scan3A_112 = arith.constant 39 : i32
    %add3A_113 = arith.constant 320000 : i32
    %add3A_114 = arith.addi %add3A_113, %add3A : i32
    %add3A_115 = arith.constant 9984 : i32
    %add3A_116 = arith.addi %add3A_114, %add3A_115 : i32
    "tpu.region"() ({
      %run_scoped3A_137 = tpu.sem_alloc : memref<!tpu.dma_semaphore, #tpu.memory_space<semaphore_mem>>
      %dma_start3A_138 = tpu.memref_slice %arg2[%add3A_116] : memref<640000xi32, #tpu.memory_space<hbm>> -> memref<16xi32, #tpu.memory_space<hbm>>
      %dma_start3A_139 = tpu.memref_slice %arg2[%add3A_116] : memref<640000xi32, #tpu.memory_space<hbm>> -> memref<16xi32, #tpu.memory_space<hbm>>
      tpu.enqueue_dma source(%dma_start3A_139 : memref<16xi32, #tpu.memory_space<hbm>>) target(%arg9 : memref<16xi32, #tpu.memory_space<vmem>>) target_semaphore(%run_scoped3A_137 : memref<!tpu.dma_semaphore, #tpu.memory_space<semaphore_mem>>)
      %dma_wait3A_140 = tpu.memref_slice %arg2[%add3A_116] : memref<640000xi32, #tpu.memory_space<hbm>> -> memref<16xi32, #tpu.memory_space<hbm>>
      %dma_wait3A_141 = tpu.memref_slice %arg2[%add3A_116] : memref<640000xi32, #tpu.memory_space<hbm>> -> memref<16xi32, #tpu.memory_space<hbm>>
      tpu.wait_dma2 semaphore(%run_scoped3A_137 : memref<!tpu.dma_semaphore, #tpu.memory_space<semaphore_mem>>) src(%dma_wait3A_141 : memref<16xi32, #tpu.memory_space<hbm>>) dst(%arg9 : memref<16xi32, #tpu.memory_space<vmem>>)
      tpu.yield
    }) : () -> ()
    %dma_start3A_117 = arith.constant 0 : i32
    %dma_start3A_118 = arith.constant 0 : i32
    %dma_start3A_119 = arith.constant 0 : i32
    %dma_start3A_120 = tpu.memref_slice %arg6[%dma_start3A_117, %dma_start3A_118, %dma_start3A_119] : memref<4x64x128xf32, #tpu.memory_space<vmem>> -> memref<1x16x128xf32, #tpu.memory_space<vmem>>
    %dma_start3A_121 = tpu.memref_squeeze %dma_start3A_120 : memref<1x16x128xf32, #tpu.memory_space<vmem>> -> memref<16x128xf32, #tpu.memory_space<vmem>>
    %dma_start3A_122 = arith.constant 9984 : i32
    %dma_start3A_123 = tpu.memref_slice %arg7[%dma_start3A_122] : memref<10000xi32, #tpu.memory_space<vmem>> -> memref<16xi32, #tpu.memory_space<vmem>>
    %dma_start3A_124 = arith.constant 0 : i32
    %dma_start3A_125 = arith.constant 0 : i32
    %dma_start3A_126 = tpu.memref_slice %arg3[%dma_start3A_124, %dma_start3A_125] : memref<10000x128xf32, #tpu.memory_space<hbm>> -> memref<10000x128xf32, #tpu.memory_space<hbm>>
    tpu.enqueue_indirect_dma source(%dma_start3A_126 : memref<10000x128xf32, #tpu.memory_space<hbm>>) target(%dma_start3A_121 : memref<16x128xf32, #tpu.memory_space<vmem>>) offsets(%dma_start3A_123 : memref<16xi32, #tpu.memory_space<vmem>>) semaphore(%arg11 : memref<!tpu.dma_semaphore, #tpu.memory_space<semaphore_mem>>)
    %dma_wait3A = arith.constant 0 : i32
    %dma_wait3A_127 = arith.constant 0 : i32
    %dma_wait3A_128 = arith.constant 0 : i32
    %dma_wait3A_129 = tpu.memref_slice %arg6[%dma_wait3A, %dma_wait3A_127, %dma_wait3A_128] : memref<4x64x128xf32, #tpu.memory_space<vmem>> -> memref<1x16x128xf32, #tpu.memory_space<vmem>>
    %dma_wait3A_130 = tpu.memref_squeeze %dma_wait3A_129 : memref<1x16x128xf32, #tpu.memory_space<vmem>> -> memref<16x128xf32, #tpu.memory_space<vmem>>
    %dma_wait3A_131 = arith.constant 9984 : i32
    %dma_wait3A_132 = tpu.memref_slice %arg7[%dma_wait3A_131] : memref<10000xi32, #tpu.memory_space<vmem>> -> memref<16xi32, #tpu.memory_space<vmem>>
    %dma_wait3A_133 = arith.constant 0 : i32
    %dma_wait3A_134 = arith.constant 0 : i32
    %dma_wait3A_135 = tpu.memref_slice %arg3[%dma_wait3A_133, %dma_wait3A_134] : memref<10000x128xf32, #tpu.memory_space<hbm>> -> memref<10000x128xf32, #tpu.memory_space<hbm>>
    tpu.wait_indirect_dma semaphore(%arg11 : memref<!tpu.dma_semaphore, #tpu.memory_space<semaphore_mem>>) src(%dma_wait3A_135 : memref<10000x128xf32, #tpu.memory_space<hbm>>) dst(%dma_wait3A_130 : memref<16x128xf32, #tpu.memory_space<vmem>>)
    %run_scoped3A = arith.constant 0 : i32
    "tpu.region"() ({
      %run_scoped3A_137 = tpu.sem_alloc : memref<!tpu.dma_semaphore, #tpu.memory_space<semaphore_mem>>
      %dma_start3A_138 = arith.constant 0 : i32
      %dma_start3A_139 = arith.constant 0 : i32
      %dma_start3A_140 = tpu.memref_slice %arg6[%run_scoped3A, %dma_start3A_138, %dma_start3A_139] : memref<4x64x128xf32, #tpu.memory_space<vmem>> -> memref<1x16x128xf32, #tpu.memory_space<vmem>>
      %dma_start3A_141 = tpu.memref_squeeze %dma_start3A_140 : memref<1x16x128xf32, #tpu.memory_space<vmem>> -> memref<16x128xf32, #tpu.memory_space<vmem>>
      %dma_start3A_142 = arith.constant 0 : i32
      %dma_start3A_143 = arith.constant 0 : i32
      %dma_start3A_144 = tpu.memref_slice %arg10[%dma_start3A_142, %dma_start3A_143] : memref<10240x128xf32, #tpu.memory_space<vmem_shared>> -> memref<10240x128xf32, #tpu.memory_space<vmem_shared>>
      tpu.enqueue_indirect_dma source(%dma_start3A_141 : memref<16x128xf32, #tpu.memory_space<vmem>>) target(%dma_start3A_144 : memref<10240x128xf32, #tpu.memory_space<vmem_shared>>) offsets(%arg9 : memref<16xi32, #tpu.memory_space<vmem>>) semaphore(%run_scoped3A_137 : memref<!tpu.dma_semaphore, #tpu.memory_space<semaphore_mem>>) {add = true}
      %dma_wait3A_145 = arith.constant 0 : i32
      %dma_wait3A_146 = arith.constant 0 : i32
      %dma_wait3A_147 = tpu.memref_slice %arg6[%run_scoped3A, %dma_wait3A_145, %dma_wait3A_146] : memref<4x64x128xf32, #tpu.memory_space<vmem>> -> memref<1x16x128xf32, #tpu.memory_space<vmem>>
      %dma_wait3A_148 = tpu.memref_squeeze %dma_wait3A_147 : memref<1x16x128xf32, #tpu.memory_space<vmem>> -> memref<16x128xf32, #tpu.memory_space<vmem>>
      %dma_wait3A_149 = arith.constant 0 : i32
      %dma_wait3A_150 = arith.constant 0 : i32
      %dma_wait3A_151 = tpu.memref_slice %arg10[%dma_wait3A_149, %dma_wait3A_150] : memref<10240x128xf32, #tpu.memory_space<vmem_shared>> -> memref<10240x128xf32, #tpu.memory_space<vmem_shared>>
      tpu.wait_indirect_dma semaphore(%run_scoped3A_137 : memref<!tpu.dma_semaphore, #tpu.memory_space<semaphore_mem>>) src(%dma_wait3A_148 : memref<16x128xf32, #tpu.memory_space<vmem>>) dst(%dma_wait3A_151 : memref<10240x128xf32, #tpu.memory_space<vmem_shared>>)
      tpu.yield
    }) : () -> ()
    %barrier3A_136 = arith.constant 0 : index
    tpu.barrier barrier_id(%barrier3A_136)
    "tpu.region"() ({
      %run_scoped3A_137 = tpu.sem_alloc : memref<!tpu.dma_semaphore, #tpu.memory_space<semaphore_mem>>
      %dma_start3A_138 = arith.constant 0 : i32
      %dma_start3A_139 = tpu.memref_slice %arg4[%arg0, %mul3A_0, %dma_start3A_138] : memref<2x10240x128xf32, #tpu.memory_space<hbm>> -> memref<1x640x128xf32, #tpu.memory_space<hbm>>
      %dma_start3A_140 = tpu.memref_squeeze %dma_start3A_139 : memref<1x640x128xf32, #tpu.memory_space<hbm>> -> memref<640x128xf32, #tpu.memory_space<hbm>>
      %dma_start3A_141 = arith.constant 0 : i32
      %dma_start3A_142 = tpu.memref_slice %arg10[%mul3A_0, %dma_start3A_141] : memref<10240x128xf32, #tpu.memory_space<vmem_shared>> -> memref<640x128xf32, #tpu.memory_space<vmem_shared>>
      tpu.enqueue_dma source(%dma_start3A_142 : memref<640x128xf32, #tpu.memory_space<vmem_shared>>) target(%dma_start3A_140 : memref<640x128xf32, #tpu.memory_space<hbm>>) target_semaphore(%run_scoped3A_137 : memref<!tpu.dma_semaphore, #tpu.memory_space<semaphore_mem>>)
      %dma_wait3A_143 = arith.constant 0 : i32
      %dma_wait3A_144 = tpu.memref_slice %arg4[%arg0, %mul3A_0, %dma_wait3A_143] : memref<2x10240x128xf32, #tpu.memory_space<hbm>> -> memref<1x640x128xf32, #tpu.memory_space<hbm>>
      %dma_wait3A_145 = tpu.memref_squeeze %dma_wait3A_144 : memref<1x640x128xf32, #tpu.memory_space<hbm>> -> memref<640x128xf32, #tpu.memory_space<hbm>>
      %dma_wait3A_146 = arith.constant 0 : i32
      %dma_wait3A_147 = tpu.memref_slice %arg10[%mul3A_0, %dma_wait3A_146] : memref<10240x128xf32, #tpu.memory_space<vmem_shared>> -> memref<640x128xf32, #tpu.memory_space<vmem_shared>>
      tpu.wait_dma2 semaphore(%run_scoped3A_137 : memref<!tpu.dma_semaphore, #tpu.memory_space<semaphore_mem>>) src(%dma_wait3A_147 : memref<640x128xf32, #tpu.memory_space<vmem_shared>>) dst(%dma_wait3A_145 : memref<640x128xf32, #tpu.memory_space<hbm>>)
      tpu.yield
    }) : () -> ()
    return
  }
}

#map = affine_map<(d0, d1) -> (0)>
#map1 = affine_map<(d0, d1) -> (0, 0)>
module attributes {stable_mosaic.version = 14 : i64} {
  func.func @deg_k(%arg0: i32, %arg1: i32, %arg2: memref<640000xi32, #tpu.memory_space<hbm>>, %arg3: memref<2x10240xf32, #tpu.memory_space<hbm>>, %arg4: memref<10256xf32, #tpu.memory_space<vmem>>, %arg5: memref<10256xf32, #tpu.memory_space<vmem>>, %arg6: memref<10256xf32, #tpu.memory_space<vmem>>, %arg7: memref<10256xf32, #tpu.memory_space<vmem>>, %arg8: memref<10256xf32, #tpu.memory_space<vmem>>, %arg9: memref<10000xi32, #tpu.memory_space<vmem>>, %arg10: memref<640xf32, #tpu.memory_space<vmem>>, %arg11: memref<640xf32, #tpu.memory_space<vmem>>, %arg12: memref<16x10240xf32, #tpu.memory_space<vmem_shared>>) attributes {dimension_semantics = [#tpu.dimension_semantics<core_parallel>, #tpu.dimension_semantics<subcore_parallel>], iteration_bounds = array<i64: 2, 16>, scalar_prefetch = 0 : i64, scratch_operands = 9 : i64, tpu.core_type = #tpu.core_type<sc_vector_subcore>, window_params = [{transform_indices = #map}, {transform_indices = #map1}]} {
    %mul3A = arith.constant 640 : i32
    %mul3A_0 = arith.muli %arg1, %mul3A : i32
    %scan3A = arith.constant 0 : i32
    %scan3A_1 = arith.constant 0 : i32
    %scan3A_2 = arith.constant 641 : i32
    %scan3A_3 = arith.addi %scan3A_1, %scan3A_2 : i32
    %scan3A_4 = arith.constant 1 : i32
    scf.for %scan3A_38 = %scan3A_1 to %scan3A_3 step %scan3A_4  : i32 {
      %broadcast_in_dim3A_39 = arith.constant 0.000000e+00 : f32
      %broadcast_in_dim3A_40 = vector.broadcast %broadcast_in_dim3A_39 : f32 to vector<16xf32>
      %mul3A_41 = arith.constant 16 : i32
      %mul3A_42 = arith.muli %scan3A_38, %mul3A_41 : i32
      %swap3A = arith.index_cast %mul3A_42 : i32 to index
      %swap3A_43 = tpu.vector_load %arg4[%swap3A] {strides = array<i32>} : memref<10256xf32, #tpu.memory_space<vmem>>, vector<16xf32>,
      %swap3A_44 = vector.shape_cast %swap3A_43 : vector<16xf32> to vector<16xf32>
      %swap3A_45 = vector.shape_cast %broadcast_in_dim3A_40 : vector<16xf32> to vector<16xf32>
      tpu.vector_store %arg4[%swap3A], %swap3A_45 {strides = array<i32>} : memref<10256xf32, #tpu.memory_space<vmem>>, vector<16xf32>,
      %broadcast_in_dim3A_46 = arith.constant 0.000000e+00 : f32
      %broadcast_in_dim3A_47 = vector.broadcast %broadcast_in_dim3A_46 : f32 to vector<16xf32>
      %mul3A_48 = arith.constant 16 : i32
      %mul3A_49 = arith.muli %scan3A_38, %mul3A_48 : i32
      %swap3A_50 = arith.index_cast %mul3A_49 : i32 to index
      %swap3A_51 = tpu.vector_load %arg5[%swap3A_50] {strides = array<i32>} : memref<10256xf32, #tpu.memory_space<vmem>>, vector<16xf32>,
      %swap3A_52 = vector.shape_cast %swap3A_51 : vector<16xf32> to vector<16xf32>
      %swap3A_53 = vector.shape_cast %broadcast_in_dim3A_47 : vector<16xf32> to vector<16xf32>
      tpu.vector_store %arg5[%swap3A_50], %swap3A_53 {strides = array<i32>} : memref<10256xf32, #tpu.memory_space<vmem>>, vector<16xf32>,
      %broadcast_in_dim3A_54 = arith.constant 0.000000e+00 : f32
      %broadcast_in_dim3A_55 = vector.broadcast %broadcast_in_dim3A_54 : f32 to vector<16xf32>
      %mul3A_56 = arith.constant 16 : i32
      %mul3A_57 = arith.muli %scan3A_38, %mul3A_56 : i32
      %swap3A_58 = arith.index_cast %mul3A_57 : i32 to index
      %swap3A_59 = tpu.vector_load %arg6[%swap3A_58] {strides = array<i32>} : memref<10256xf32, #tpu.memory_space<vmem>>, vector<16xf32>,
      %swap3A_60 = vector.shape_cast %swap3A_59 : vector<16xf32> to vector<16xf32>
      %swap3A_61 = vector.shape_cast %broadcast_in_dim3A_55 : vector<16xf32> to vector<16xf32>
      tpu.vector_store %arg6[%swap3A_58], %swap3A_61 {strides = array<i32>} : memref<10256xf32, #tpu.memory_space<vmem>>, vector<16xf32>,
      %broadcast_in_dim3A_62 = arith.constant 0.000000e+00 : f32
      %broadcast_in_dim3A_63 = vector.broadcast %broadcast_in_dim3A_62 : f32 to vector<16xf32>
      %mul3A_64 = arith.constant 16 : i32
      %mul3A_65 = arith.muli %scan3A_38, %mul3A_64 : i32
      %swap3A_66 = arith.index_cast %mul3A_65 : i32 to index
      %swap3A_67 = tpu.vector_load %arg7[%swap3A_66] {strides = array<i32>} : memref<10256xf32, #tpu.memory_space<vmem>>, vector<16xf32>,
      %swap3A_68 = vector.shape_cast %swap3A_67 : vector<16xf32> to vector<16xf32>
      %swap3A_69 = vector.shape_cast %broadcast_in_dim3A_63 : vector<16xf32> to vector<16xf32>
      tpu.vector_store %arg7[%swap3A_66], %swap3A_69 {strides = array<i32>} : memref<10256xf32, #tpu.memory_space<vmem>>, vector<16xf32>,
      %broadcast_in_dim3A_70 = arith.constant 0.000000e+00 : f32
      %broadcast_in_dim3A_71 = vector.broadcast %broadcast_in_dim3A_70 : f32 to vector<16xf32>
      %mul3A_72 = arith.constant 16 : i32
      %mul3A_73 = arith.muli %scan3A_38, %mul3A_72 : i32
      %swap3A_74 = arith.index_cast %mul3A_73 : i32 to index
      %swap3A_75 = tpu.vector_load %arg8[%swap3A_74] {strides = array<i32>} : memref<10256xf32, #tpu.memory_space<vmem>>, vector<16xf32>,
      %swap3A_76 = vector.shape_cast %swap3A_75 : vector<16xf32> to vector<16xf32>
      %swap3A_77 = vector.shape_cast %broadcast_in_dim3A_71 : vector<16xf32> to vector<16xf32>
      tpu.vector_store %arg8[%swap3A_74], %swap3A_77 {strides = array<i32>} : memref<10256xf32, #tpu.memory_space<vmem>>, vector<16xf32>,
    }
    %scan3A_5 = arith.constant 641 : i32
    %mul3A_6 = arith.constant 16 : i32
    %mul3A_7 = arith.muli %arg0, %mul3A_6 : i32
    %add3A = arith.addi %mul3A_7, %arg1 : i32
    %mul3A_8 = arith.constant 10000 : i32
    %mul3A_9 = arith.muli %add3A, %mul3A_8 : i32
    "tpu.region"() ({
      %run_scoped3A = tpu.sem_alloc : memref<!tpu.dma_semaphore, #tpu.memory_space<semaphore_mem>>
      %dma_start3A = tpu.memref_slice %arg2[%mul3A_9] : memref<640000xi32, #tpu.memory_space<hbm>> -> memref<10000xi32, #tpu.memory_space<hbm>>
      %dma_start3A_38 = tpu.memref_slice %arg2[%mul3A_9] : memref<640000xi32, #tpu.memory_space<hbm>> -> memref<10000xi32, #tpu.memory_space<hbm>>
      tpu.enqueue_dma source(%dma_start3A_38 : memref<10000xi32, #tpu.memory_space<hbm>>) target(%arg9 : memref<10000xi32, #tpu.memory_space<vmem>>) target_semaphore(%run_scoped3A : memref<!tpu.dma_semaphore, #tpu.memory_space<semaphore_mem>>)
      %dma_wait3A = tpu.memref_slice %arg2[%mul3A_9] : memref<640000xi32, #tpu.memory_space<hbm>> -> memref<10000xi32, #tpu.memory_space<hbm>>
      %dma_wait3A_39 = tpu.memref_slice %arg2[%mul3A_9] : memref<640000xi32, #tpu.memory_space<hbm>> -> memref<10000xi32, #tpu.memory_space<hbm>>
      tpu.wait_dma2 semaphore(%run_scoped3A : memref<!tpu.dma_semaphore, #tpu.memory_space<semaphore_mem>>) src(%dma_wait3A_39 : memref<10000xi32, #tpu.memory_space<hbm>>) dst(%arg9 : memref<10000xi32, #tpu.memory_space<vmem>>)
      tpu.yield
    }) : () -> ()
    %iota3A = tpu.iota {dimensions = array<i32: 0>} : vector<16xi32>
    %eq3A = arith.constant 0 : i32
    %eq3A_10 = vector.broadcast %eq3A : i32 to vector<16xi32>
    %eq3A_11 = arith.cmpi eq, %iota3A, %eq3A_10 : vector<16xi32>
    %jit3A = arith.constant 1.000000e+00 : f32
    %jit3A_12 = arith.constant 0.000000e+00 : f32
    %broadcast_in_dim3A = vector.broadcast %jit3A : f32 to vector<16xf32>
    %broadcast_in_dim3A_13 = vector.broadcast %jit3A_12 : f32 to vector<16xf32>
    %select_n3A = arith.select %eq3A_11, %broadcast_in_dim3A, %broadcast_in_dim3A_13 : vector<16xi1>, vector<16xf32>
    %scan3A_14 = arith.constant 0 : i32
    %scan3A_15 = arith.constant 0 : i32
    %scan3A_16 = arith.constant 125 : i32
    %scan3A_17 = arith.addi %scan3A_15, %scan3A_16 : i32
    %scan3A_18 = arith.constant 1 : i32
    scf.for %scan3A_38 = %scan3A_15 to %scan3A_17 step %scan3A_18  : i32 {
      %mul3A_39 = arith.constant 16 : i32
      %mul3A_40 = arith.muli %scan3A_38, %mul3A_39 : i32
      %add3A_41 = arith.constant 0 : i32
      %add3A_42 = arith.addi %add3A_41, %mul3A_40 : i32
      %get3A = arith.index_cast %add3A_42 : i32 to index
      %get3A_43 = tpu.vector_load %arg9[%get3A] {strides = array<i32>} : memref<10000xi32, #tpu.memory_space<vmem>>, vector<16xi32>,
      %get3A_44 = vector.shape_cast %get3A_43 : vector<16xi32> to vector<16xi32>
      %mul3A_45 = arith.constant 16 : i32
      %mul3A_46 = arith.muli %scan3A_38, %mul3A_45 : i32
      %add3A_47 = arith.constant 2000 : i32
      %add3A_48 = arith.addi %add3A_47, %mul3A_46 : i32
      %get3A_49 = arith.index_cast %add3A_48 : i32 to index
      %get3A_50 = tpu.vector_load %arg9[%get3A_49] {strides = array<i32>} : memref<10000xi32, #tpu.memory_space<vmem>>, vector<16xi32>,
      %get3A_51 = vector.shape_cast %get3A_50 : vector<16xi32> to vector<16xi32>
      %mul3A_52 = arith.constant 16 : i32
      %mul3A_53 = arith.muli %scan3A_38, %mul3A_52 : i32
      %add3A_54 = arith.constant 4000 : i32
      %add3A_55 = arith.addi %add3A_54, %mul3A_53 : i32
      %get3A_56 = arith.index_cast %add3A_55 : i32 to index
      %get3A_57 = tpu.vector_load %arg9[%get3A_56] {strides = array<i32>} : memref<10000xi32, #tpu.memory_space<vmem>>, vector<16xi32>,
      %get3A_58 = vector.shape_cast %get3A_57 : vector<16xi32> to vector<16xi32>
      %mul3A_59 = arith.constant 16 : i32
      %mul3A_60 = arith.muli %scan3A_38, %mul3A_59 : i32
      %add3A_61 = arith.constant 6000 : i32
      %add3A_62 = arith.addi %add3A_61, %mul3A_60 : i32
      %get3A_63 = arith.index_cast %add3A_62 : i32 to index
      %get3A_64 = tpu.vector_load %arg9[%get3A_63] {strides = array<i32>} : memref<10000xi32, #tpu.memory_space<vmem>>, vector<16xi32>,
      %get3A_65 = vector.shape_cast %get3A_64 : vector<16xi32> to vector<16xi32>
      %mul3A_66 = arith.constant 16 : i32
      %mul3A_67 = arith.muli %scan3A_38, %mul3A_66 : i32
      %add3A_68 = arith.constant 8000 : i32
      %add3A_69 = arith.addi %add3A_68, %mul3A_67 : i32
      %get3A_70 = arith.index_cast %add3A_69 : i32 to index
      %get3A_71 = tpu.vector_load %arg9[%get3A_70] {strides = array<i32>} : memref<10000xi32, #tpu.memory_space<vmem>>, vector<16xi32>,
      %get3A_72 = vector.shape_cast %get3A_71 : vector<16xi32> to vector<16xi32>
      %slice3A = vector.extract_strided_slice %get3A_44 {offsets = [0], sizes = [1], strides = [1]} : vector<16xi32> to vector<1xi32>
      %squeeze3A = vector.extract %slice3A[0] : i32 from vector<1xi32>
      %get3A_73 = arith.index_cast %squeeze3A : i32 to index
      %get3A_74 = tpu.vector_load %arg4[%get3A_73] {strides = array<i32>} : memref<10256xf32, #tpu.memory_space<vmem>>, vector<16xf32>,
      %get3A_75 = vector.shape_cast %get3A_74 : vector<16xf32> to vector<16xf32>
      %add3A_76 = arith.addf %get3A_75, %select_n3A : vector<16xf32>
      %swap3A = arith.index_cast %squeeze3A : i32 to index
      %swap3A_77 = tpu.vector_load %arg4[%swap3A] {strides = array<i32>} : memref<10256xf32, #tpu.memory_space<vmem>>, vector<16xf32>,
      %swap3A_78 = vector.shape_cast %swap3A_77 : vector<16xf32> to vector<16xf32>
      %swap3A_79 = vector.shape_cast %add3A_76 : vector<16xf32> to vector<16xf32>
      tpu.vector_store %arg4[%swap3A], %swap3A_79 {strides = array<i32>} : memref<10256xf32, #tpu.memory_space<vmem>>, vector<16xf32>,
      %slice3A_80 = vector.extract_strided_slice %get3A_51 {offsets = [0], sizes = [1], strides = [1]} : vector<16xi32> to vector<1xi32>
      %squeeze3A_81 = vector.extract %slice3A_80[0] : i32 from vector<1xi32>
      %get3A_82 = arith.index_cast %squeeze3A_81 : i32 to index
      %get3A_83 = tpu.vector_load %arg5[%get3A_82] {strides = array<i32>} : memref<10256xf32, #tpu.memory_space<vmem>>, vector<16xf32>,
      %get3A_84 = vector.shape_cast %get3A_83 : vector<16xf32> to vector<16xf32>
      %add3A_85 = arith.addf %get3A_84, %select_n3A : vector<16xf32>
      %swap3A_86 = arith.index_cast %squeeze3A_81 : i32 to index
      %swap3A_87 = tpu.vector_load %arg5[%swap3A_86] {strides = array<i32>} : memref<10256xf32, #tpu.memory_space<vmem>>, vector<16xf32>,
      %swap3A_88 = vector.shape_cast %swap3A_87 : vector<16xf32> to vector<16xf32>
      %swap3A_89 = vector.shape_cast %add3A_85 : vector<16xf32> to vector<16xf32>
      tpu.vector_store %arg5[%swap3A_86], %swap3A_89 {strides = array<i32>} : memref<10256xf32, #tpu.memory_space<vmem>>, vector<16xf32>,
      %slice3A_90 = vector.extract_strided_slice %get3A_58 {offsets = [0], sizes = [1], strides = [1]} : vector<16xi32> to vector<1xi32>
      %squeeze3A_91 = vector.extract %slice3A_90[0] : i32 from vector<1xi32>
      %get3A_92 = arith.index_cast %squeeze3A_91 : i32 to index
      %get3A_93 = tpu.vector_load %arg6[%get3A_92] {strides = array<i32>} : memref<10256xf32, #tpu.memory_space<vmem>>, vector<16xf32>,
      %get3A_94 = vector.shape_cast %get3A_93 : vector<16xf32> to vector<16xf32>
      %add3A_95 = arith.addf %get3A_94, %select_n3A : vector<16xf32>
      %swap3A_96 = arith.index_cast %squeeze3A_91 : i32 to index
      %swap3A_97 = tpu.vector_load %arg6[%swap3A_96] {strides = array<i32>} : memref<10256xf32, #tpu.memory_space<vmem>>, vector<16xf32>,
      %swap3A_98 = vector.shape_cast %swap3A_97 : vector<16xf32> to vector<16xf32>
      %swap3A_99 = vector.shape_cast %add3A_95 : vector<16xf32> to vector<16xf32>
      tpu.vector_store %arg6[%swap3A_96], %swap3A_99 {strides = array<i32>} : memref<10256xf32, #tpu.memory_space<vmem>>, vector<16xf32>,
      %slice3A_100 = vector.extract_strided_slice %get3A_65 {offsets = [0], sizes = [1], strides = [1]} : vector<16xi32> to vector<1xi32>
      %squeeze3A_101 = vector.extract %slice3A_100[0] : i32 from vector<1xi32>
      %get3A_102 = arith.index_cast %squeeze3A_101 : i32 to index
      %get3A_103 = tpu.vector_load %arg7[%get3A_102] {strides = array<i32>} : memref<10256xf32, #tpu.memory_space<vmem>>, vector<16xf32>,
      %get3A_104 = vector.shape_cast %get3A_103 : vector<16xf32> to vector<16xf32>
      %add3A_105 = arith.addf %get3A_104, %select_n3A : vector<16xf32>
      %swap3A_106 = arith.index_cast %squeeze3A_101 : i32 to index
      %swap3A_107 = tpu.vector_load %arg7[%swap3A_106] {strides = array<i32>} : memref<10256xf32, #tpu.memory_space<vmem>>, vector<16xf32>,
      %swap3A_108 = vector.shape_cast %swap3A_107 : vector<16xf32> to vector<16xf32>
      %swap3A_109 = vector.shape_cast %add3A_105 : vector<16xf32> to vector<16xf32>
      tpu.vector_store %arg7[%swap3A_106], %swap3A_109 {strides = array<i32>} : memref<10256xf32, #tpu.memory_space<vmem>>, vector<16xf32>,
      %slice3A_110 = vector.extract_strided_slice %get3A_72 {offsets = [0], sizes = [1], strides = [1]} : vector<16xi32> to vector<1xi32>
      %squeeze3A_111 = vector.extract %slice3A_110[0] : i32 from vector<1xi32>
      %get3A_112 = arith.index_cast %squeeze3A_111 : i32 to index
      %get3A_113 = tpu.vector_load %arg8[%get3A_112] {strides = array<i32>} : memref<10256xf32, #tpu.memory_space<vmem>>, vector<16xf32>,
      %get3A_114 = vector.shape_cast %get3A_113 : vector<16xf32> to vector<16xf32>
      %add3A_115 = arith.addf %get3A_114, %select_n3A : vector<16xf32>
      %swap3A_116 = arith.index_cast %squeeze3A_111 : i32 to index
      %swap3A_117 = tpu.vector_load %arg8[%swap3A_116] {strides = array<i32>} : memref<10256xf32, #tpu.memory_space<vmem>>, vector<16xf32>,
      %swap3A_118 = vector.shape_cast %swap3A_117 : vector<16xf32> to vector<16xf32>
      %swap3A_119 = vector.shape_cast %add3A_115 : vector<16xf32> to vector<16xf32>
      tpu.vector_store %arg8[%swap3A_116], %swap3A_119 {strides = array<i32>} : memref<10256xf32, #tpu.memory_space<vmem>>, vector<16xf32>,
      %slice3A_120 = vector.extract_strided_slice %get3A_44 {offsets = [1], sizes = [1], strides = [1]} : vector<16xi32> to vector<1xi32>
      %squeeze3A_121 = vector.extract %slice3A_120[0] : i32 from vector<1xi32>
      %get3A_122 = arith.index_cast %squeeze3A_121 : i32 to index
      %get3A_123 = tpu.vector_load %arg4[%get3A_122] {strides = array<i32>} : memref<10256xf32, #tpu.memory_space<vmem>>, vector<16xf32>,
      %get3A_124 = vector.shape_cast %get3A_123 : vector<16xf32> to vector<16xf32>
      %add3A_125 = arith.addf %get3A_124, %select_n3A : vector<16xf32>
      %swap3A_126 = arith.index_cast %squeeze3A_121 : i32 to index
      %swap3A_127 = tpu.vector_load %arg4[%swap3A_126] {strides = array<i32>} : memref<10256xf32, #tpu.memory_space<vmem>>, vector<16xf32>,
      %swap3A_128 = vector.shape_cast %swap3A_127 : vector<16xf32> to vector<16xf32>
      %swap3A_129 = vector.shape_cast %add3A_125 : vector<16xf32> to vector<16xf32>
      tpu.vector_store %arg4[%swap3A_126], %swap3A_129 {strides = array<i32>} : memref<10256xf32, #tpu.memory_space<vmem>>, vector<16xf32>,
      %slice3A_130 = vector.extract_strided_slice %get3A_51 {offsets = [1], sizes = [1], strides = [1]} : vector<16xi32> to vector<1xi32>
      %squeeze3A_131 = vector.extract %slice3A_130[0] : i32 from vector<1xi32>
      %get3A_132 = arith.index_cast %squeeze3A_131 : i32 to index
      %get3A_133 = tpu.vector_load %arg5[%get3A_132] {strides = array<i32>} : memref<10256xf32, #tpu.memory_space<vmem>>, vector<16xf32>,
      %get3A_134 = vector.shape_cast %get3A_133 : vector<16xf32> to vector<16xf32>
      %add3A_135 = arith.addf %get3A_134, %select_n3A : vector<16xf32>
      %swap3A_136 = arith.index_cast %squeeze3A_131 : i32 to index
      %swap3A_137 = tpu.vector_load %arg5[%swap3A_136] {strides = array<i32>} : memref<10256xf32, #tpu.memory_space<vmem>>, vector<16xf32>,
      %swap3A_138 = vector.shape_cast %swap3A_137 : vector<16xf32> to vector<16xf32>
      %swap3A_139 = vector.shape_cast %add3A_135 : vector<16xf32> to vector<16xf32>
      tpu.vector_store %arg5[%swap3A_136], %swap3A_139 {strides = array<i32>} : memref<10256xf32, #tpu.memory_space<vmem>>, vector<16xf32>,
      %slice3A_140 = vector.extract_strided_slice %get3A_58 {offsets = [1], sizes = [1], strides = [1]} : vector<16xi32> to vector<1xi32>
      %squeeze3A_141 = vector.extract %slice3A_140[0] : i32 from vector<1xi32>
      %get3A_142 = arith.index_cast %squeeze3A_141 : i32 to index
      %get3A_143 = tpu.vector_load %arg6[%get3A_142] {strides = array<i32>} : memref<10256xf32, #tpu.memory_space<vmem>>, vector<16xf32>,
      %get3A_144 = vector.shape_cast %get3A_143 : vector<16xf32> to vector<16xf32>
      %add3A_145 = arith.addf %get3A_144, %select_n3A : vector<16xf32>
      %swap3A_146 = arith.index_cast %squeeze3A_141 : i32 to index
      %swap3A_147 = tpu.vector_load %arg6[%swap3A_146] {strides = array<i32>} : memref<10256xf32, #tpu.memory_space<vmem>>, vector<16xf32>,
      %swap3A_148 = vector.shape_cast %swap3A_147 : vector<16xf32> to vector<16xf32>
      %swap3A_149 = vector.shape_cast %add3A_145 : vector<16xf32> to vector<16xf32>
      tpu.vector_store %arg6[%swap3A_146], %swap3A_149 {strides = array<i32>} : memref<10256xf32, #tpu.memory_space<vmem>>, vector<16xf32>,
      %slice3A_150 = vector.extract_strided_slice %get3A_65 {offsets = [1], sizes = [1], strides = [1]} : vector<16xi32> to vector<1xi32>
      %squeeze3A_151 = vector.extract %slice3A_150[0] : i32 from vector<1xi32>
      %get3A_152 = arith.index_cast %squeeze3A_151 : i32 to index
      %get3A_153 = tpu.vector_load %arg7[%get3A_152] {strides = array<i32>} : memref<10256xf32, #tpu.memory_space<vmem>>, vector<16xf32>,
      %get3A_154 = vector.shape_cast %get3A_153 : vector<16xf32> to vector<16xf32>
      %add3A_155 = arith.addf %get3A_154, %select_n3A : vector<16xf32>
      %swap3A_156 = arith.index_cast %squeeze3A_151 : i32 to index
      %swap3A_157 = tpu.vector_load %arg7[%swap3A_156] {strides = array<i32>} : memref<10256xf32, #tpu.memory_space<vmem>>, vector<16xf32>,
      %swap3A_158 = vector.shape_cast %swap3A_157 : vector<16xf32> to vector<16xf32>
      %swap3A_159 = vector.shape_cast %add3A_155 : vector<16xf32> to vector<16xf32>
      tpu.vector_store %arg7[%swap3A_156], %swap3A_159 {strides = array<i32>} : memref<10256xf32, #tpu.memory_space<vmem>>, vector<16xf32>,
      %slice3A_160 = vector.extract_strided_slice %get3A_72 {offsets = [1], sizes = [1], strides = [1]} : vector<16xi32> to vector<1xi32>
      %squeeze3A_161 = vector.extract %slice3A_160[0] : i32 from vector<1xi32>
      %get3A_162 = arith.index_cast %squeeze3A_161 : i32 to index
      %get3A_163 = tpu.vector_load %arg8[%get3A_162] {strides = array<i32>} : memref<10256xf32, #tpu.memory_space<vmem>>, vector<16xf32>,
      %get3A_164 = vector.shape_cast %get3A_163 : vector<16xf32> to vector<16xf32>
      %add3A_165 = arith.addf %get3A_164, %select_n3A : vector<16xf32>
      %swap3A_166 = arith.index_cast %squeeze3A_161 : i32 to index
      %swap3A_167 = tpu.vector_load %arg8[%swap3A_166] {strides = array<i32>} : memref<10256xf32, #tpu.memory_space<vmem>>, vector<16xf32>,
      %swap3A_168 = vector.shape_cast %swap3A_167 : vector<16xf32> to vector<16xf32>
      %swap3A_169 = vector.shape_cast %add3A_165 : vector<16xf32> to vector<16xf32>
      tpu.vector_store %arg8[%swap3A_166], %swap3A_169 {strides = array<i32>} : memref<10256xf32, #tpu.memory_space<vmem>>, vector<16xf32>,
      %slice3A_170 = vector.extract_strided_slice %get3A_44 {offsets = [2], sizes = [1], strides = [1]} : vector<16xi32> to vector<1xi32>
      %squeeze3A_171 = vector.extract %slice3A_170[0] : i32 from vector<1xi32>
      %get3A_172 = arith.index_cast %squeeze3A_171 : i32 to index
      %get3A_173 = tpu.vector_load %arg4[%get3A_172] {strides = array<i32>} : memref<10256xf32, #tpu.memory_space<vmem>>, vector<16xf32>,
      %get3A_174 = vector.shape_cast %get3A_173 : vector<16xf32> to vector<16xf32>
      %add3A_175 = arith.addf %get3A_174, %select_n3A : vector<16xf32>
      %swap3A_176 = arith.index_cast %squeeze3A_171 : i32 to index
      %swap3A_177 = tpu.vector_load %arg4[%swap3A_176] {strides = array<i32>} : memref<10256xf32, #tpu.memory_space<vmem>>, vector<16xf32>,
      %swap3A_178 = vector.shape_cast %swap3A_177 : vector<16xf32> to vector<16xf32>
      %swap3A_179 = vector.shape_cast %add3A_175 : vector<16xf32> to vector<16xf32>
      tpu.vector_store %arg4[%swap3A_176], %swap3A_179 {strides = array<i32>} : memref<10256xf32, #tpu.memory_space<vmem>>, vector<16xf32>,
      %slice3A_180 = vector.extract_strided_slice %get3A_51 {offsets = [2], sizes = [1], strides = [1]} : vector<16xi32> to vector<1xi32>
      %squeeze3A_181 = vector.extract %slice3A_180[0] : i32 from vector<1xi32>
      %get3A_182 = arith.index_cast %squeeze3A_181 : i32 to index
      %get3A_183 = tpu.vector_load %arg5[%get3A_182] {strides = array<i32>} : memref<10256xf32, #tpu.memory_space<vmem>>, vector<16xf32>,
      %get3A_184 = vector.shape_cast %get3A_183 : vector<16xf32> to vector<16xf32>
      %add3A_185 = arith.addf %get3A_184, %select_n3A : vector<16xf32>
      %swap3A_186 = arith.index_cast %squeeze3A_181 : i32 to index
      %swap3A_187 = tpu.vector_load %arg5[%swap3A_186] {strides = array<i32>} : memref<10256xf32, #tpu.memory_space<vmem>>, vector<16xf32>,
      %swap3A_188 = vector.shape_cast %swap3A_187 : vector<16xf32> to vector<16xf32>
      %swap3A_189 = vector.shape_cast %add3A_185 : vector<16xf32> to vector<16xf32>
      tpu.vector_store %arg5[%swap3A_186], %swap3A_189 {strides = array<i32>} : memref<10256xf32, #tpu.memory_space<vmem>>, vector<16xf32>,
      %slice3A_190 = vector.extract_strided_slice %get3A_58 {offsets = [2], sizes = [1], strides = [1]} : vector<16xi32> to vector<1xi32>
      %squeeze3A_191 = vector.extract %slice3A_190[0] : i32 from vector<1xi32>
      %get3A_192 = arith.index_cast %squeeze3A_191 : i32 to index
      %get3A_193 = tpu.vector_load %arg6[%get3A_192] {strides = array<i32>} : memref<10256xf32, #tpu.memory_space<vmem>>, vector<16xf32>,
      %get3A_194 = vector.shape_cast %get3A_193 : vector<16xf32> to vector<16xf32>
      %add3A_195 = arith.addf %get3A_194, %select_n3A : vector<16xf32>
      %swap3A_196 = arith.index_cast %squeeze3A_191 : i32 to index
      %swap3A_197 = tpu.vector_load %arg6[%swap3A_196] {strides = array<i32>} : memref<10256xf32, #tpu.memory_space<vmem>>, vector<16xf32>,
      %swap3A_198 = vector.shape_cast %swap3A_197 : vector<16xf32> to vector<16xf32>
      %swap3A_199 = vector.shape_cast %add3A_195 : vector<16xf32> to vector<16xf32>
      tpu.vector_store %arg6[%swap3A_196], %swap3A_199 {strides = array<i32>} : memref<10256xf32, #tpu.memory_space<vmem>>, vector<16xf32>,
      %slice3A_200 = vector.extract_strided_slice %get3A_65 {offsets = [2], sizes = [1], strides = [1]} : vector<16xi32> to vector<1xi32>
      %squeeze3A_201 = vector.extract %slice3A_200[0] : i32 from vector<1xi32>
      %get3A_202 = arith.index_cast %squeeze3A_201 : i32 to index
      %get3A_203 = tpu.vector_load %arg7[%get3A_202] {strides = array<i32>} : memref<10256xf32, #tpu.memory_space<vmem>>, vector<16xf32>,
      %get3A_204 = vector.shape_cast %get3A_203 : vector<16xf32> to vector<16xf32>
      %add3A_205 = arith.addf %get3A_204, %select_n3A : vector<16xf32>
      %swap3A_206 = arith.index_cast %squeeze3A_201 : i32 to index
      %swap3A_207 = tpu.vector_load %arg7[%swap3A_206] {strides = array<i32>} : memref<10256xf32, #tpu.memory_space<vmem>>, vector<16xf32>,
      %swap3A_208 = vector.shape_cast %swap3A_207 : vector<16xf32> to vector<16xf32>
      %swap3A_209 = vector.shape_cast %add3A_205 : vector<16xf32> to vector<16xf32>
      tpu.vector_store %arg7[%swap3A_206], %swap3A_209 {strides = array<i32>} : memref<10256xf32, #tpu.memory_space<vmem>>, vector<16xf32>,
      %slice3A_210 = vector.extract_strided_slice %get3A_72 {offsets = [2], sizes = [1], strides = [1]} : vector<16xi32> to vector<1xi32>
      %squeeze3A_211 = vector.extract %slice3A_210[0] : i32 from vector<1xi32>
      %get3A_212 = arith.index_cast %squeeze3A_211 : i32 to index
      %get3A_213 = tpu.vector_load %arg8[%get3A_212] {strides = array<i32>} : memref<10256xf32, #tpu.memory_space<vmem>>, vector<16xf32>,
      %get3A_214 = vector.shape_cast %get3A_213 : vector<16xf32> to vector<16xf32>
      %add3A_215 = arith.addf %get3A_214, %select_n3A : vector<16xf32>
      %swap3A_216 = arith.index_cast %squeeze3A_211 : i32 to index
      %swap3A_217 = tpu.vector_load %arg8[%swap3A_216] {strides = array<i32>} : memref<10256xf32, #tpu.memory_space<vmem>>, vector<16xf32>,
      %swap3A_218 = vector.shape_cast %swap3A_217 : vector<16xf32> to vector<16xf32>
      %swap3A_219 = vector.shape_cast %add3A_215 : vector<16xf32> to vector<16xf32>
      tpu.vector_store %arg8[%swap3A_216], %swap3A_219 {strides = array<i32>} : memref<10256xf32, #tpu.memory_space<vmem>>, vector<16xf32>,
      %slice3A_220 = vector.extract_strided_slice %get3A_44 {offsets = [3], sizes = [1], strides = [1]} : vector<16xi32> to vector<1xi32>
      %squeeze3A_221 = vector.extract %slice3A_220[0] : i32 from vector<1xi32>
      %get3A_222 = arith.index_cast %squeeze3A_221 : i32 to index
      %get3A_223 = tpu.vector_load %arg4[%get3A_222] {strides = array<i32>} : memref<10256xf32, #tpu.memory_space<vmem>>, vector<16xf32>,
      %get3A_224 = vector.shape_cast %get3A_223 : vector<16xf32> to vector<16xf32>
      %add3A_225 = arith.addf %get3A_224, %select_n3A : vector<16xf32>
      %swap3A_226 = arith.index_cast %squeeze3A_221 : i32 to index
      %swap3A_227 = tpu.vector_load %arg4[%swap3A_226] {strides = array<i32>} : memref<10256xf32, #tpu.memory_space<vmem>>, vector<16xf32>,
      %swap3A_228 = vector.shape_cast %swap3A_227 : vector<16xf32> to vector<16xf32>
      %swap3A_229 = vector.shape_cast %add3A_225 : vector<16xf32> to vector<16xf32>
      tpu.vector_store %arg4[%swap3A_226], %swap3A_229 {strides = array<i32>} : memref<10256xf32, #tpu.memory_space<vmem>>, vector<16xf32>,
      %slice3A_230 = vector.extract_strided_slice %get3A_51 {offsets = [3], sizes = [1], strides = [1]} : vector<16xi32> to vector<1xi32>
      %squeeze3A_231 = vector.extract %slice3A_230[0] : i32 from vector<1xi32>
      %get3A_232 = arith.index_cast %squeeze3A_231 : i32 to index
      %get3A_233 = tpu.vector_load %arg5[%get3A_232] {strides = array<i32>} : memref<10256xf32, #tpu.memory_space<vmem>>, vector<16xf32>,
      %get3A_234 = vector.shape_cast %get3A_233 : vector<16xf32> to vector<16xf32>
      %add3A_235 = arith.addf %get3A_234, %select_n3A : vector<16xf32>
      %swap3A_236 = arith.index_cast %squeeze3A_231 : i32 to index
      %swap3A_237 = tpu.vector_load %arg5[%swap3A_236] {strides = array<i32>} : memref<10256xf32, #tpu.memory_space<vmem>>, vector<16xf32>,
      %swap3A_238 = vector.shape_cast %swap3A_237 : vector<16xf32> to vector<16xf32>
      %swap3A_239 = vector.shape_cast %add3A_235 : vector<16xf32> to vector<16xf32>
      tpu.vector_store %arg5[%swap3A_236], %swap3A_239 {strides = array<i32>} : memref<10256xf32, #tpu.memory_space<vmem>>, vector<16xf32>,
      %slice3A_240 = vector.extract_strided_slice %get3A_58 {offsets = [3], sizes = [1], strides = [1]} : vector<16xi32> to vector<1xi32>
      %squeeze3A_241 = vector.extract %slice3A_240[0] : i32 from vector<1xi32>
      %get3A_242 = arith.index_cast %squeeze3A_241 : i32 to index
      %get3A_243 = tpu.vector_load %arg6[%get3A_242] {strides = array<i32>} : memref<10256xf32, #tpu.memory_space<vmem>>, vector<16xf32>,
      %get3A_244 = vector.shape_cast %get3A_243 : vector<16xf32> to vector<16xf32>
      %add3A_245 = arith.addf %get3A_244, %select_n3A : vector<16xf32>
      %swap3A_246 = arith.index_cast %squeeze3A_241 : i32 to index
      %swap3A_247 = tpu.vector_load %arg6[%swap3A_246] {strides = array<i32>} : memref<10256xf32, #tpu.memory_space<vmem>>, vector<16xf32>,
      %swap3A_248 = vector.shape_cast %swap3A_247 : vector<16xf32> to vector<16xf32>
      %swap3A_249 = vector.shape_cast %add3A_245 : vector<16xf32> to vector<16xf32>
      tpu.vector_store %arg6[%swap3A_246], %swap3A_249 {strides = array<i32>} : memref<10256xf32, #tpu.memory_space<vmem>>, vector<16xf32>,
      %slice3A_250 = vector.extract_strided_slice %get3A_65 {offsets = [3], sizes = [1], strides = [1]} : vector<16xi32> to vector<1xi32>
      %squeeze3A_251 = vector.extract %slice3A_250[0] : i32 from vector<1xi32>
      %get3A_252 = arith.index_cast %squeeze3A_251 : i32 to index
      %get3A_253 = tpu.vector_load %arg7[%get3A_252] {strides = array<i32>} : memref<10256xf32, #tpu.memory_space<vmem>>, vector<16xf32>,
      %get3A_254 = vector.shape_cast %get3A_253 : vector<16xf32> to vector<16xf32>
      %add3A_255 = arith.addf %get3A_254, %select_n3A : vector<16xf32>
      %swap3A_256 = arith.index_cast %squeeze3A_251 : i32 to index
      %swap3A_257 = tpu.vector_load %arg7[%swap3A_256] {strides = array<i32>} : memref<10256xf32, #tpu.memory_space<vmem>>, vector<16xf32>,
      %swap3A_258 = vector.shape_cast %swap3A_257 : vector<16xf32> to vector<16xf32>
      %swap3A_259 = vector.shape_cast %add3A_255 : vector<16xf32> to vector<16xf32>
      tpu.vector_store %arg7[%swap3A_256], %swap3A_259 {strides = array<i32>} : memref<10256xf32, #tpu.memory_space<vmem>>, vector<16xf32>,
      %slice3A_260 = vector.extract_strided_slice %get3A_72 {offsets = [3], sizes = [1], strides = [1]} : vector<16xi32> to vector<1xi32>
      %squeeze3A_261 = vector.extract %slice3A_260[0] : i32 from vector<1xi32>
      %get3A_262 = arith.index_cast %squeeze3A_261 : i32 to index
      %get3A_263 = tpu.vector_load %arg8[%get3A_262] {strides = array<i32>} : memref<10256xf32, #tpu.memory_space<vmem>>, vector<16xf32>,
      %get3A_264 = vector.shape_cast %get3A_263 : vector<16xf32> to vector<16xf32>
      %add3A_265 = arith.addf %get3A_264, %select_n3A : vector<16xf32>
      %swap3A_266 = arith.index_cast %squeeze3A_261 : i32 to index
      %swap3A_267 = tpu.vector_load %arg8[%swap3A_266] {strides = array<i32>} : memref<10256xf32, #tpu.memory_space<vmem>>, vector<16xf32>,
      %swap3A_268 = vector.shape_cast %swap3A_267 : vector<16xf32> to vector<16xf32>
      %swap3A_269 = vector.shape_cast %add3A_265 : vector<16xf32> to vector<16xf32>
      tpu.vector_store %arg8[%swap3A_266], %swap3A_269 {strides = array<i32>} : memref<10256xf32, #tpu.memory_space<vmem>>, vector<16xf32>,
      %slice3A_270 = vector.extract_strided_slice %get3A_44 {offsets = [4], sizes = [1], strides = [1]} : vector<16xi32> to vector<1xi32>
      %squeeze3A_271 = vector.extract %slice3A_270[0] : i32 from vector<1xi32>
      %get3A_272 = arith.index_cast %squeeze3A_271 : i32 to index
      %get3A_273 = tpu.vector_load %arg4[%get3A_272] {strides = array<i32>} : memref<10256xf32, #tpu.memory_space<vmem>>, vector<16xf32>,
      %get3A_274 = vector.shape_cast %get3A_273 : vector<16xf32> to vector<16xf32>
      %add3A_275 = arith.addf %get3A_274, %select_n3A : vector<16xf32>
      %swap3A_276 = arith.index_cast %squeeze3A_271 : i32 to index
      %swap3A_277 = tpu.vector_load %arg4[%swap3A_276] {strides = array<i32>} : memref<10256xf32, #tpu.memory_space<vmem>>, vector<16xf32>,
      %swap3A_278 = vector.shape_cast %swap3A_277 : vector<16xf32> to vector<16xf32>
      %swap3A_279 = vector.shape_cast %add3A_275 : vector<16xf32> to vector<16xf32>
      tpu.vector_store %arg4[%swap3A_276], %swap3A_279 {strides = array<i32>} : memref<10256xf32, #tpu.memory_space<vmem>>, vector<16xf32>,
      %slice3A_280 = vector.extract_strided_slice %get3A_51 {offsets = [4], sizes = [1], strides = [1]} : vector<16xi32> to vector<1xi32>
      %squeeze3A_281 = vector.extract %slice3A_280[0] : i32 from vector<1xi32>
      %get3A_282 = arith.index_cast %squeeze3A_281 : i32 to index
      %get3A_283 = tpu.vector_load %arg5[%get3A_282] {strides = array<i32>} : memref<10256xf32, #tpu.memory_space<vmem>>, vector<16xf32>,
      %get3A_284 = vector.shape_cast %get3A_283 : vector<16xf32> to vector<16xf32>
      %add3A_285 = arith.addf %get3A_284, %select_n3A : vector<16xf32>
      %swap3A_286 = arith.index_cast %squeeze3A_281 : i32 to index
      %swap3A_287 = tpu.vector_load %arg5[%swap3A_286] {strides = array<i32>} : memref<10256xf32, #tpu.memory_space<vmem>>, vector<16xf32>,
      %swap3A_288 = vector.shape_cast %swap3A_287 : vector<16xf32> to vector<16xf32>
      %swap3A_289 = vector.shape_cast %add3A_285 : vector<16xf32> to vector<16xf32>
      tpu.vector_store %arg5[%swap3A_286], %swap3A_289 {strides = array<i32>} : memref<10256xf32, #tpu.memory_space<vmem>>, vector<16xf32>,
      %slice3A_290 = vector.extract_strided_slice %get3A_58 {offsets = [4], sizes = [1], strides = [1]} : vector<16xi32> to vector<1xi32>
      %squeeze3A_291 = vector.extract %slice3A_290[0] : i32 from vector<1xi32>
      %get3A_292 = arith.index_cast %squeeze3A_291 : i32 to index
      %get3A_293 = tpu.vector_load %arg6[%get3A_292] {strides = array<i32>} : memref<10256xf32, #tpu.memory_space<vmem>>, vector<16xf32>,
      %get3A_294 = vector.shape_cast %get3A_293 : vector<16xf32> to vector<16xf32>
      %add3A_295 = arith.addf %get3A_294, %select_n3A : vector<16xf32>
      %swap3A_296 = arith.index_cast %squeeze3A_291 : i32 to index
      %swap3A_297 = tpu.vector_load %arg6[%swap3A_296] {strides = array<i32>} : memref<10256xf32, #tpu.memory_space<vmem>>, vector<16xf32>,
      %swap3A_298 = vector.shape_cast %swap3A_297 : vector<16xf32> to vector<16xf32>
      %swap3A_299 = vector.shape_cast %add3A_295 : vector<16xf32> to vector<16xf32>
      tpu.vector_store %arg6[%swap3A_296], %swap3A_299 {strides = array<i32>} : memref<10256xf32, #tpu.memory_space<vmem>>, vector<16xf32>,
      %slice3A_300 = vector.extract_strided_slice %get3A_65 {offsets = [4], sizes = [1], strides = [1]} : vector<16xi32> to vector<1xi32>
      %squeeze3A_301 = vector.extract %slice3A_300[0] : i32 from vector<1xi32>
      %get3A_302 = arith.index_cast %squeeze3A_301 : i32 to index
      %get3A_303 = tpu.vector_load %arg7[%get3A_302] {strides = array<i32>} : memref<10256xf32, #tpu.memory_space<vmem>>, vector<16xf32>,
      %get3A_304 = vector.shape_cast %get3A_303 : vector<16xf32> to vector<16xf32>
      %add3A_305 = arith.addf %get3A_304, %select_n3A : vector<16xf32>
      %swap3A_306 = arith.index_cast %squeeze3A_301 : i32 to index
      %swap3A_307 = tpu.vector_load %arg7[%swap3A_306] {strides = array<i32>} : memref<10256xf32, #tpu.memory_space<vmem>>, vector<16xf32>,
      %swap3A_308 = vector.shape_cast %swap3A_307 : vector<16xf32> to vector<16xf32>
      %swap3A_309 = vector.shape_cast %add3A_305 : vector<16xf32> to vector<16xf32>
      tpu.vector_store %arg7[%swap3A_306], %swap3A_309 {strides = array<i32>} : memref<10256xf32, #tpu.memory_space<vmem>>, vector<16xf32>,
      %slice3A_310 = vector.extract_strided_slice %get3A_72 {offsets = [4], sizes = [1], strides = [1]} : vector<16xi32> to vector<1xi32>
      %squeeze3A_311 = vector.extract %slice3A_310[0] : i32 from vector<1xi32>
      %get3A_312 = arith.index_cast %squeeze3A_311 : i32 to index
      %get3A_313 = tpu.vector_load %arg8[%get3A_312] {strides = array<i32>} : memref<10256xf32, #tpu.memory_space<vmem>>, vector<16xf32>,
      %get3A_314 = vector.shape_cast %get3A_313 : vector<16xf32> to vector<16xf32>
      %add3A_315 = arith.addf %get3A_314, %select_n3A : vector<16xf32>
      %swap3A_316 = arith.index_cast %squeeze3A_311 : i32 to index
      %swap3A_317 = tpu.vector_load %arg8[%swap3A_316] {strides = array<i32>} : memref<10256xf32, #tpu.memory_space<vmem>>, vector<16xf32>,
      %swap3A_318 = vector.shape_cast %swap3A_317 : vector<16xf32> to vector<16xf32>
      %swap3A_319 = vector.shape_cast %add3A_315 : vector<16xf32> to vector<16xf32>
      tpu.vector_store %arg8[%swap3A_316], %swap3A_319 {strides = array<i32>} : memref<10256xf32, #tpu.memory_space<vmem>>, vector<16xf32>,
      %slice3A_320 = vector.extract_strided_slice %get3A_44 {offsets = [5], sizes = [1], strides = [1]} : vector<16xi32> to vector<1xi32>
      %squeeze3A_321 = vector.extract %slice3A_320[0] : i32 from vector<1xi32>
      %get3A_322 = arith.index_cast %squeeze3A_321 : i32 to index
      %get3A_323 = tpu.vector_load %arg4[%get3A_322] {strides = array<i32>} : memref<10256xf32, #tpu.memory_space<vmem>>, vector<16xf32>,
      %get3A_324 = vector.shape_cast %get3A_323 : vector<16xf32> to vector<16xf32>
      %add3A_325 = arith.addf %get3A_324, %select_n3A : vector<16xf32>
      %swap3A_326 = arith.index_cast %squeeze3A_321 : i32 to index
      %swap3A_327 = tpu.vector_load %arg4[%swap3A_326] {strides = array<i32>} : memref<10256xf32, #tpu.memory_space<vmem>>, vector<16xf32>,
      %swap3A_328 = vector.shape_cast %swap3A_327 : vector<16xf32> to vector<16xf32>
      %swap3A_329 = vector.shape_cast %add3A_325 : vector<16xf32> to vector<16xf32>
      tpu.vector_store %arg4[%swap3A_326], %swap3A_329 {strides = array<i32>} : memref<10256xf32, #tpu.memory_space<vmem>>, vector<16xf32>,
      %slice3A_330 = vector.extract_strided_slice %get3A_51 {offsets = [5], sizes = [1], strides = [1]} : vector<16xi32> to vector<1xi32>
      %squeeze3A_331 = vector.extract %slice3A_330[0] : i32 from vector<1xi32>
      %get3A_332 = arith.index_cast %squeeze3A_331 : i32 to index
      %get3A_333 = tpu.vector_load %arg5[%get3A_332] {strides = array<i32>} : memref<10256xf32, #tpu.memory_space<vmem>>, vector<16xf32>,
      %get3A_334 = vector.shape_cast %get3A_333 : vector<16xf32> to vector<16xf32>
      %add3A_335 = arith.addf %get3A_334, %select_n3A : vector<16xf32>
      %swap3A_336 = arith.index_cast %squeeze3A_331 : i32 to index
      %swap3A_337 = tpu.vector_load %arg5[%swap3A_336] {strides = array<i32>} : memref<10256xf32, #tpu.memory_space<vmem>>, vector<16xf32>,
      %swap3A_338 = vector.shape_cast %swap3A_337 : vector<16xf32> to vector<16xf32>
      %swap3A_339 = vector.shape_cast %add3A_335 : vector<16xf32> to vector<16xf32>
      tpu.vector_store %arg5[%swap3A_336], %swap3A_339 {strides = array<i32>} : memref<10256xf32, #tpu.memory_space<vmem>>, vector<16xf32>,
      %slice3A_340 = vector.extract_strided_slice %get3A_58 {offsets = [5], sizes = [1], strides = [1]} : vector<16xi32> to vector<1xi32>
      %squeeze3A_341 = vector.extract %slice3A_340[0] : i32 from vector<1xi32>
      %get3A_342 = arith.index_cast %squeeze3A_341 : i32 to index
      %get3A_343 = tpu.vector_load %arg6[%get3A_342] {strides = array<i32>} : memref<10256xf32, #tpu.memory_space<vmem>>, vector<16xf32>,
      %get3A_344 = vector.shape_cast %get3A_343 : vector<16xf32> to vector<16xf32>
      %add3A_345 = arith.addf %get3A_344, %select_n3A : vector<16xf32>
      %swap3A_346 = arith.index_cast %squeeze3A_341 : i32 to index
      %swap3A_347 = tpu.vector_load %arg6[%swap3A_346] {strides = array<i32>} : memref<10256xf32, #tpu.memory_space<vmem>>, vector<16xf32>,
      %swap3A_348 = vector.shape_cast %swap3A_347 : vector<16xf32> to vector<16xf32>
      %swap3A_349 = vector.shape_cast %add3A_345 : vector<16xf32> to vector<16xf32>
      tpu.vector_store %arg6[%swap3A_346], %swap3A_349 {strides = array<i32>} : memref<10256xf32, #tpu.memory_space<vmem>>, vector<16xf32>,
      %slice3A_350 = vector.extract_strided_slice %get3A_65 {offsets = [5], sizes = [1], strides = [1]} : vector<16xi32> to vector<1xi32>
      %squeeze3A_351 = vector.extract %slice3A_350[0] : i32 from vector<1xi32>
      %get3A_352 = arith.index_cast %squeeze3A_351 : i32 to index
      %get3A_353 = tpu.vector_load %arg7[%get3A_352] {strides = array<i32>} : memref<10256xf32, #tpu.memory_space<vmem>>, vector<16xf32>,
      %get3A_354 = vector.shape_cast %get3A_353 : vector<16xf32> to vector<16xf32>
      %add3A_355 = arith.addf %get3A_354, %select_n3A : vector<16xf32>
      %swap3A_356 = arith.index_cast %squeeze3A_351 : i32 to index
      %swap3A_357 = tpu.vector_load %arg7[%swap3A_356] {strides = array<i32>} : memref<10256xf32, #tpu.memory_space<vmem>>, vector<16xf32>,
      %swap3A_358 = vector.shape_cast %swap3A_357 : vector<16xf32> to vector<16xf32>
      %swap3A_359 = vector.shape_cast %add3A_355 : vector<16xf32> to vector<16xf32>
      tpu.vector_store %arg7[%swap3A_356], %swap3A_359 {strides = array<i32>} : memref<10256xf32, #tpu.memory_space<vmem>>, vector<16xf32>,
      %slice3A_360 = vector.extract_strided_slice %get3A_72 {offsets = [5], sizes = [1], strides = [1]} : vector<16xi32> to vector<1xi32>
      %squeeze3A_361 = vector.extract %slice3A_360[0] : i32 from vector<1xi32>
      %get3A_362 = arith.index_cast %squeeze3A_361 : i32 to index
      %get3A_363 = tpu.vector_load %arg8[%get3A_362] {strides = array<i32>} : memref<10256xf32, #tpu.memory_space<vmem>>, vector<16xf32>,
      %get3A_364 = vector.shape_cast %get3A_363 : vector<16xf32> to vector<16xf32>
      %add3A_365 = arith.addf %get3A_364, %select_n3A : vector<16xf32>
      %swap3A_366 = arith.index_cast %squeeze3A_361 : i32 to index
      %swap3A_367 = tpu.vector_load %arg8[%swap3A_366] {strides = array<i32>} : memref<10256xf32, #tpu.memory_space<vmem>>, vector<16xf32>,
      %swap3A_368 = vector.shape_cast %swap3A_367 : vector<16xf32> to vector<16xf32>
      %swap3A_369 = vector.shape_cast %add3A_365 : vector<16xf32> to vector<16xf32>
      tpu.vector_store %arg8[%swap3A_366], %swap3A_369 {strides = array<i32>} : memref<10256xf32, #tpu.memory_space<vmem>>, vector<16xf32>,
      %slice3A_370 = vector.extract_strided_slice %get3A_44 {offsets = [6], sizes = [1], strides = [1]} : vector<16xi32> to vector<1xi32>
      %squeeze3A_371 = vector.extract %slice3A_370[0] : i32 from vector<1xi32>
      %get3A_372 = arith.index_cast %squeeze3A_371 : i32 to index
      %get3A_373 = tpu.vector_load %arg4[%get3A_372] {strides = array<i32>} : memref<10256xf32, #tpu.memory_space<vmem>>, vector<16xf32>,
      %get3A_374 = vector.shape_cast %get3A_373 : vector<16xf32> to vector<16xf32>
      %add3A_375 = arith.addf %get3A_374, %select_n3A : vector<16xf32>
      %swap3A_376 = arith.index_cast %squeeze3A_371 : i32 to index
      %swap3A_377 = tpu.vector_load %arg4[%swap3A_376] {strides = array<i32>} : memref<10256xf32, #tpu.memory_space<vmem>>, vector<16xf32>,
      %swap3A_378 = vector.shape_cast %swap3A_377 : vector<16xf32> to vector<16xf32>
      %swap3A_379 = vector.shape_cast %add3A_375 : vector<16xf32> to vector<16xf32>
      tpu.vector_store %arg4[%swap3A_376], %swap3A_379 {strides = array<i32>} : memref<10256xf32, #tpu.memory_space<vmem>>, vector<16xf32>,
      %slice3A_380 = vector.extract_strided_slice %get3A_51 {offsets = [6], sizes = [1], strides = [1]} : vector<16xi32> to vector<1xi32>
      %squeeze3A_381 = vector.extract %slice3A_380[0] : i32 from vector<1xi32>
      %get3A_382 = arith.index_cast %squeeze3A_381 : i32 to index
      %get3A_383 = tpu.vector_load %arg5[%get3A_382] {strides = array<i32>} : memref<10256xf32, #tpu.memory_space<vmem>>, vector<16xf32>,
      %get3A_384 = vector.shape_cast %get3A_383 : vector<16xf32> to vector<16xf32>
      %add3A_385 = arith.addf %get3A_384, %select_n3A : vector<16xf32>
      %swap3A_386 = arith.index_cast %squeeze3A_381 : i32 to index
      %swap3A_387 = tpu.vector_load %arg5[%swap3A_386] {strides = array<i32>} : memref<10256xf32, #tpu.memory_space<vmem>>, vector<16xf32>,
      %swap3A_388 = vector.shape_cast %swap3A_387 : vector<16xf32> to vector<16xf32>
      %swap3A_389 = vector.shape_cast %add3A_385 : vector<16xf32> to vector<16xf32>
      tpu.vector_store %arg5[%swap3A_386], %swap3A_389 {strides = array<i32>} : memref<10256xf32, #tpu.memory_space<vmem>>, vector<16xf32>,
      %slice3A_390 = vector.extract_strided_slice %get3A_58 {offsets = [6], sizes = [1], strides = [1]} : vector<16xi32> to vector<1xi32>
      %squeeze3A_391 = vector.extract %slice3A_390[0] : i32 from vector<1xi32>
      %get3A_392 = arith.index_cast %squeeze3A_391 : i32 to index
      %get3A_393 = tpu.vector_load %arg6[%get3A_392] {strides = array<i32>} : memref<10256xf32, #tpu.memory_space<vmem>>, vector<16xf32>,
      %get3A_394 = vector.shape_cast %get3A_393 : vector<16xf32> to vector<16xf32>
      %add3A_395 = arith.addf %get3A_394, %select_n3A : vector<16xf32>
      %swap3A_396 = arith.index_cast %squeeze3A_391 : i32 to index
      %swap3A_397 = tpu.vector_load %arg6[%swap3A_396] {strides = array<i32>} : memref<10256xf32, #tpu.memory_space<vmem>>, vector<16xf32>,
      %swap3A_398 = vector.shape_cast %swap3A_397 : vector<16xf32> to vector<16xf32>
      %swap3A_399 = vector.shape_cast %add3A_395 : vector<16xf32> to vector<16xf32>
      tpu.vector_store %arg6[%swap3A_396], %swap3A_399 {strides = array<i32>} : memref<10256xf32, #tpu.memory_space<vmem>>, vector<16xf32>,
      %slice3A_400 = vector.extract_strided_slice %get3A_65 {offsets = [6], sizes = [1], strides = [1]} : vector<16xi32> to vector<1xi32>
      %squeeze3A_401 = vector.extract %slice3A_400[0] : i32 from vector<1xi32>
      %get3A_402 = arith.index_cast %squeeze3A_401 : i32 to index
      %get3A_403 = tpu.vector_load %arg7[%get3A_402] {strides = array<i32>} : memref<10256xf32, #tpu.memory_space<vmem>>, vector<16xf32>,
      %get3A_404 = vector.shape_cast %get3A_403 : vector<16xf32> to vector<16xf32>
      %add3A_405 = arith.addf %get3A_404, %select_n3A : vector<16xf32>
      %swap3A_406 = arith.index_cast %squeeze3A_401 : i32 to index
      %swap3A_407 = tpu.vector_load %arg7[%swap3A_406] {strides = array<i32>} : memref<10256xf32, #tpu.memory_space<vmem>>, vector<16xf32>,
      %swap3A_408 = vector.shape_cast %swap3A_407 : vector<16xf32> to vector<16xf32>
      %swap3A_409 = vector.shape_cast %add3A_405 : vector<16xf32> to vector<16xf32>
      tpu.vector_store %arg7[%swap3A_406], %swap3A_409 {strides = array<i32>} : memref<10256xf32, #tpu.memory_space<vmem>>, vector<16xf32>,
      %slice3A_410 = vector.extract_strided_slice %get3A_72 {offsets = [6], sizes = [1], strides = [1]} : vector<16xi32> to vector<1xi32>
      %squeeze3A_411 = vector.extract %slice3A_410[0] : i32 from vector<1xi32>
      %get3A_412 = arith.index_cast %squeeze3A_411 : i32 to index
      %get3A_413 = tpu.vector_load %arg8[%get3A_412] {strides = array<i32>} : memref<10256xf32, #tpu.memory_space<vmem>>, vector<16xf32>,
      %get3A_414 = vector.shape_cast %get3A_413 : vector<16xf32> to vector<16xf32>
      %add3A_415 = arith.addf %get3A_414, %select_n3A : vector<16xf32>
      %swap3A_416 = arith.index_cast %squeeze3A_411 : i32 to index
      %swap3A_417 = tpu.vector_load %arg8[%swap3A_416] {strides = array<i32>} : memref<10256xf32, #tpu.memory_space<vmem>>, vector<16xf32>,
      %swap3A_418 = vector.shape_cast %swap3A_417 : vector<16xf32> to vector<16xf32>
      %swap3A_419 = vector.shape_cast %add3A_415 : vector<16xf32> to vector<16xf32>
      tpu.vector_store %arg8[%swap3A_416], %swap3A_419 {strides = array<i32>} : memref<10256xf32, #tpu.memory_space<vmem>>, vector<16xf32>,
      %slice3A_420 = vector.extract_strided_slice %get3A_44 {offsets = [7], sizes = [1], strides = [1]} : vector<16xi32> to vector<1xi32>
      %squeeze3A_421 = vector.extract %slice3A_420[0] : i32 from vector<1xi32>
      %get3A_422 = arith.index_cast %squeeze3A_421 : i32 to index
      %get3A_423 = tpu.vector_load %arg4[%get3A_422] {strides = array<i32>} : memref<10256xf32, #tpu.memory_space<vmem>>, vector<16xf32>,
      %get3A_424 = vector.shape_cast %get3A_423 : vector<16xf32> to vector<16xf32>
      %add3A_425 = arith.addf %get3A_424, %select_n3A : vector<16xf32>
      %swap3A_426 = arith.index_cast %squeeze3A_421 : i32 to index
      %swap3A_427 = tpu.vector_load %arg4[%swap3A_426] {strides = array<i32>} : memref<10256xf32, #tpu.memory_space<vmem>>, vector<16xf32>,
      %swap3A_428 = vector.shape_cast %swap3A_427 : vector<16xf32> to vector<16xf32>
      %swap3A_429 = vector.shape_cast %add3A_425 : vector<16xf32> to vector<16xf32>
      tpu.vector_store %arg4[%swap3A_426], %swap3A_429 {strides = array<i32>} : memref<10256xf32, #tpu.memory_space<vmem>>, vector<16xf32>,
      %slice3A_430 = vector.extract_strided_slice %get3A_51 {offsets = [7], sizes = [1], strides = [1]} : vector<16xi32> to vector<1xi32>
      %squeeze3A_431 = vector.extract %slice3A_430[0] : i32 from vector<1xi32>
      %get3A_432 = arith.index_cast %squeeze3A_431 : i32 to index
      %get3A_433 = tpu.vector_load %arg5[%get3A_432] {strides = array<i32>} : memref<10256xf32, #tpu.memory_space<vmem>>, vector<16xf32>,
      %get3A_434 = vector.shape_cast %get3A_433 : vector<16xf32> to vector<16xf32>
      %add3A_435 = arith.addf %get3A_434, %select_n3A : vector<16xf32>
      %swap3A_436 = arith.index_cast %squeeze3A_431 : i32 to index
      %swap3A_437 = tpu.vector_load %arg5[%swap3A_436] {strides = array<i32>} : memref<10256xf32, #tpu.memory_space<vmem>>, vector<16xf32>,
      %swap3A_438 = vector.shape_cast %swap3A_437 : vector<16xf32> to vector<16xf32>
      %swap3A_439 = vector.shape_cast %add3A_435 : vector<16xf32> to vector<16xf32>
      tpu.vector_store %arg5[%swap3A_436], %swap3A_439 {strides = array<i32>} : memref<10256xf32, #tpu.memory_space<vmem>>, vector<16xf32>,
      %slice3A_440 = vector.extract_strided_slice %get3A_58 {offsets = [7], sizes = [1], strides = [1]} : vector<16xi32> to vector<1xi32>
      %squeeze3A_441 = vector.extract %slice3A_440[0] : i32 from vector<1xi32>
      %get3A_442 = arith.index_cast %squeeze3A_441 : i32 to index
      %get3A_443 = tpu.vector_load %arg6[%get3A_442] {strides = array<i32>} : memref<10256xf32, #tpu.memory_space<vmem>>, vector<16xf32>,
      %get3A_444 = vector.shape_cast %get3A_443 : vector<16xf32> to vector<16xf32>
      %add3A_445 = arith.addf %get3A_444, %select_n3A : vector<16xf32>
      %swap3A_446 = arith.index_cast %squeeze3A_441 : i32 to index
      %swap3A_447 = tpu.vector_load %arg6[%swap3A_446] {strides = array<i32>} : memref<10256xf32, #tpu.memory_space<vmem>>, vector<16xf32>,
      %swap3A_448 = vector.shape_cast %swap3A_447 : vector<16xf32> to vector<16xf32>
      %swap3A_449 = vector.shape_cast %add3A_445 : vector<16xf32> to vector<16xf32>
      tpu.vector_store %arg6[%swap3A_446], %swap3A_449 {strides = array<i32>} : memref<10256xf32, #tpu.memory_space<vmem>>, vector<16xf32>,
      %slice3A_450 = vector.extract_strided_slice %get3A_65 {offsets = [7], sizes = [1], strides = [1]} : vector<16xi32> to vector<1xi32>
      %squeeze3A_451 = vector.extract %slice3A_450[0] : i32 from vector<1xi32>
      %get3A_452 = arith.index_cast %squeeze3A_451 : i32 to index
      %get3A_453 = tpu.vector_load %arg7[%get3A_452] {strides = array<i32>} : memref<10256xf32, #tpu.memory_space<vmem>>, vector<16xf32>,
      %get3A_454 = vector.shape_cast %get3A_453 : vector<16xf32> to vector<16xf32>
      %add3A_455 = arith.addf %get3A_454, %select_n3A : vector<16xf32>
      %swap3A_456 = arith.index_cast %squeeze3A_451 : i32 to index
      %swap3A_457 = tpu.vector_load %arg7[%swap3A_456] {strides = array<i32>} : memref<10256xf32, #tpu.memory_space<vmem>>, vector<16xf32>,
      %swap3A_458 = vector.shape_cast %swap3A_457 : vector<16xf32> to vector<16xf32>
      %swap3A_459 = vector.shape_cast %add3A_455 : vector<16xf32> to vector<16xf32>
      tpu.vector_store %arg7[%swap3A_456], %swap3A_459 {strides = array<i32>} : memref<10256xf32, #tpu.memory_space<vmem>>, vector<16xf32>,
      %slice3A_460 = vector.extract_strided_slice %get3A_72 {offsets = [7], sizes = [1], strides = [1]} : vector<16xi32> to vector<1xi32>
      %squeeze3A_461 = vector.extract %slice3A_460[0] : i32 from vector<1xi32>
      %get3A_462 = arith.index_cast %squeeze3A_461 : i32 to index
      %get3A_463 = tpu.vector_load %arg8[%get3A_462] {strides = array<i32>} : memref<10256xf32, #tpu.memory_space<vmem>>, vector<16xf32>,
      %get3A_464 = vector.shape_cast %get3A_463 : vector<16xf32> to vector<16xf32>
      %add3A_465 = arith.addf %get3A_464, %select_n3A : vector<16xf32>
      %swap3A_466 = arith.index_cast %squeeze3A_461 : i32 to index
      %swap3A_467 = tpu.vector_load %arg8[%swap3A_466] {strides = array<i32>} : memref<10256xf32, #tpu.memory_space<vmem>>, vector<16xf32>,
      %swap3A_468 = vector.shape_cast %swap3A_467 : vector<16xf32> to vector<16xf32>
      %swap3A_469 = vector.shape_cast %add3A_465 : vector<16xf32> to vector<16xf32>
      tpu.vector_store %arg8[%swap3A_466], %swap3A_469 {strides = array<i32>} : memref<10256xf32, #tpu.memory_space<vmem>>, vector<16xf32>,
      %slice3A_470 = vector.extract_strided_slice %get3A_44 {offsets = [8], sizes = [1], strides = [1]} : vector<16xi32> to vector<1xi32>
      %squeeze3A_471 = vector.extract %slice3A_470[0] : i32 from vector<1xi32>
      %get3A_472 = arith.index_cast %squeeze3A_471 : i32 to index
      %get3A_473 = tpu.vector_load %arg4[%get3A_472] {strides = array<i32>} : memref<10256xf32, #tpu.memory_space<vmem>>, vector<16xf32>,
      %get3A_474 = vector.shape_cast %get3A_473 : vector<16xf32> to vector<16xf32>
      %add3A_475 = arith.addf %get3A_474, %select_n3A : vector<16xf32>
      %swap3A_476 = arith.index_cast %squeeze3A_471 : i32 to index
      %swap3A_477 = tpu.vector_load %arg4[%swap3A_476] {strides = array<i32>} : memref<10256xf32, #tpu.memory_space<vmem>>, vector<16xf32>,
      %swap3A_478 = vector.shape_cast %swap3A_477 : vector<16xf32> to vector<16xf32>
      %swap3A_479 = vector.shape_cast %add3A_475 : vector<16xf32> to vector<16xf32>
      tpu.vector_store %arg4[%swap3A_476], %swap3A_479 {strides = array<i32>} : memref<10256xf32, #tpu.memory_space<vmem>>, vector<16xf32>,
      %slice3A_480 = vector.extract_strided_slice %get3A_51 {offsets = [8], sizes = [1], strides = [1]} : vector<16xi32> to vector<1xi32>
      %squeeze3A_481 = vector.extract %slice3A_480[0] : i32 from vector<1xi32>
      %get3A_482 = arith.index_cast %squeeze3A_481 : i32 to index
      %get3A_483 = tpu.vector_load %arg5[%get3A_482] {strides = array<i32>} : memref<10256xf32, #tpu.memory_space<vmem>>, vector<16xf32>,
      %get3A_484 = vector.shape_cast %get3A_483 : vector<16xf32> to vector<16xf32>
      %add3A_485 = arith.addf %get3A_484, %select_n3A : vector<16xf32>
      %swap3A_486 = arith.index_cast %squeeze3A_481 : i32 to index
      %swap3A_487 = tpu.vector_load %arg5[%swap3A_486] {strides = array<i32>} : memref<10256xf32, #tpu.memory_space<vmem>>, vector<16xf32>,
      %swap3A_488 = vector.shape_cast %swap3A_487 : vector<16xf32> to vector<16xf32>
      %swap3A_489 = vector.shape_cast %add3A_485 : vector<16xf32> to vector<16xf32>
      tpu.vector_store %arg5[%swap3A_486], %swap3A_489 {strides = array<i32>} : memref<10256xf32, #tpu.memory_space<vmem>>, vector<16xf32>,
      %slice3A_490 = vector.extract_strided_slice %get3A_58 {offsets = [8], sizes = [1], strides = [1]} : vector<16xi32> to vector<1xi32>
      %squeeze3A_491 = vector.extract %slice3A_490[0] : i32 from vector<1xi32>
      %get3A_492 = arith.index_cast %squeeze3A_491 : i32 to index
      %get3A_493 = tpu.vector_load %arg6[%get3A_492] {strides = array<i32>} : memref<10256xf32, #tpu.memory_space<vmem>>, vector<16xf32>,
      %get3A_494 = vector.shape_cast %get3A_493 : vector<16xf32> to vector<16xf32>
      %add3A_495 = arith.addf %get3A_494, %select_n3A : vector<16xf32>
      %swap3A_496 = arith.index_cast %squeeze3A_491 : i32 to index
      %swap3A_497 = tpu.vector_load %arg6[%swap3A_496] {strides = array<i32>} : memref<10256xf32, #tpu.memory_space<vmem>>, vector<16xf32>,
      %swap3A_498 = vector.shape_cast %swap3A_497 : vector<16xf32> to vector<16xf32>
      %swap3A_499 = vector.shape_cast %add3A_495 : vector<16xf32> to vector<16xf32>
      tpu.vector_store %arg6[%swap3A_496], %swap3A_499 {strides = array<i32>} : memref<10256xf32, #tpu.memory_space<vmem>>, vector<16xf32>,
      %slice3A_500 = vector.extract_strided_slice %get3A_65 {offsets = [8], sizes = [1], strides = [1]} : vector<16xi32> to vector<1xi32>
      %squeeze3A_501 = vector.extract %slice3A_500[0] : i32 from vector<1xi32>
      %get3A_502 = arith.index_cast %squeeze3A_501 : i32 to index
      %get3A_503 = tpu.vector_load %arg7[%get3A_502] {strides = array<i32>} : memref<10256xf32, #tpu.memory_space<vmem>>, vector<16xf32>,
      %get3A_504 = vector.shape_cast %get3A_503 : vector<16xf32> to vector<16xf32>
      %add3A_505 = arith.addf %get3A_504, %select_n3A : vector<16xf32>
      %swap3A_506 = arith.index_cast %squeeze3A_501 : i32 to index
      %swap3A_507 = tpu.vector_load %arg7[%swap3A_506] {strides = array<i32>} : memref<10256xf32, #tpu.memory_space<vmem>>, vector<16xf32>,
      %swap3A_508 = vector.shape_cast %swap3A_507 : vector<16xf32> to vector<16xf32>
      %swap3A_509 = vector.shape_cast %add3A_505 : vector<16xf32> to vector<16xf32>
      tpu.vector_store %arg7[%swap3A_506], %swap3A_509 {strides = array<i32>} : memref<10256xf32, #tpu.memory_space<vmem>>, vector<16xf32>,
      %slice3A_510 = vector.extract_strided_slice %get3A_72 {offsets = [8], sizes = [1], strides = [1]} : vector<16xi32> to vector<1xi32>
      %squeeze3A_511 = vector.extract %slice3A_510[0] : i32 from vector<1xi32>
      %get3A_512 = arith.index_cast %squeeze3A_511 : i32 to index
      %get3A_513 = tpu.vector_load %arg8[%get3A_512] {strides = array<i32>} : memref<10256xf32, #tpu.memory_space<vmem>>, vector<16xf32>,
      %get3A_514 = vector.shape_cast %get3A_513 : vector<16xf32> to vector<16xf32>
      %add3A_515 = arith.addf %get3A_514, %select_n3A : vector<16xf32>
      %swap3A_516 = arith.index_cast %squeeze3A_511 : i32 to index
      %swap3A_517 = tpu.vector_load %arg8[%swap3A_516] {strides = array<i32>} : memref<10256xf32, #tpu.memory_space<vmem>>, vector<16xf32>,
      %swap3A_518 = vector.shape_cast %swap3A_517 : vector<16xf32> to vector<16xf32>
      %swap3A_519 = vector.shape_cast %add3A_515 : vector<16xf32> to vector<16xf32>
      tpu.vector_store %arg8[%swap3A_516], %swap3A_519 {strides = array<i32>} : memref<10256xf32, #tpu.memory_space<vmem>>, vector<16xf32>,
      %slice3A_520 = vector.extract_strided_slice %get3A_44 {offsets = [9], sizes = [1], strides = [1]} : vector<16xi32> to vector<1xi32>
      %squeeze3A_521 = vector.extract %slice3A_520[0] : i32 from vector<1xi32>
      %get3A_522 = arith.index_cast %squeeze3A_521 : i32 to index
      %get3A_523 = tpu.vector_load %arg4[%get3A_522] {strides = array<i32>} : memref<10256xf32, #tpu.memory_space<vmem>>, vector<16xf32>,
      %get3A_524 = vector.shape_cast %get3A_523 : vector<16xf32> to vector<16xf32>
      %add3A_525 = arith.addf %get3A_524, %select_n3A : vector<16xf32>
      %swap3A_526 = arith.index_cast %squeeze3A_521 : i32 to index
      %swap3A_527 = tpu.vector_load %arg4[%swap3A_526] {strides = array<i32>} : memref<10256xf32, #tpu.memory_space<vmem>>, vector<16xf32>,
      %swap3A_528 = vector.shape_cast %swap3A_527 : vector<16xf32> to vector<16xf32>
      %swap3A_529 = vector.shape_cast %add3A_525 : vector<16xf32> to vector<16xf32>
      tpu.vector_store %arg4[%swap3A_526], %swap3A_529 {strides = array<i32>} : memref<10256xf32, #tpu.memory_space<vmem>>, vector<16xf32>,
      %slice3A_530 = vector.extract_strided_slice %get3A_51 {offsets = [9], sizes = [1], strides = [1]} : vector<16xi32> to vector<1xi32>
      %squeeze3A_531 = vector.extract %slice3A_530[0] : i32 from vector<1xi32>
      %get3A_532 = arith.index_cast %squeeze3A_531 : i32 to index
      %get3A_533 = tpu.vector_load %arg5[%get3A_532] {strides = array<i32>} : memref<10256xf32, #tpu.memory_space<vmem>>, vector<16xf32>,
      %get3A_534 = vector.shape_cast %get3A_533 : vector<16xf32> to vector<16xf32>
      %add3A_535 = arith.addf %get3A_534, %select_n3A : vector<16xf32>
      %swap3A_536 = arith.index_cast %squeeze3A_531 : i32 to index
      %swap3A_537 = tpu.vector_load %arg5[%swap3A_536] {strides = array<i32>} : memref<10256xf32, #tpu.memory_space<vmem>>, vector<16xf32>,
      %swap3A_538 = vector.shape_cast %swap3A_537 : vector<16xf32> to vector<16xf32>
      %swap3A_539 = vector.shape_cast %add3A_535 : vector<16xf32> to vector<16xf32>
      tpu.vector_store %arg5[%swap3A_536], %swap3A_539 {strides = array<i32>} : memref<10256xf32, #tpu.memory_space<vmem>>, vector<16xf32>,
      %slice3A_540 = vector.extract_strided_slice %get3A_58 {offsets = [9], sizes = [1], strides = [1]} : vector<16xi32> to vector<1xi32>
      %squeeze3A_541 = vector.extract %slice3A_540[0] : i32 from vector<1xi32>
      %get3A_542 = arith.index_cast %squeeze3A_541 : i32 to index
      %get3A_543 = tpu.vector_load %arg6[%get3A_542] {strides = array<i32>} : memref<10256xf32, #tpu.memory_space<vmem>>, vector<16xf32>,
      %get3A_544 = vector.shape_cast %get3A_543 : vector<16xf32> to vector<16xf32>
      %add3A_545 = arith.addf %get3A_544, %select_n3A : vector<16xf32>
      %swap3A_546 = arith.index_cast %squeeze3A_541 : i32 to index
      %swap3A_547 = tpu.vector_load %arg6[%swap3A_546] {strides = array<i32>} : memref<10256xf32, #tpu.memory_space<vmem>>, vector<16xf32>,
      %swap3A_548 = vector.shape_cast %swap3A_547 : vector<16xf32> to vector<16xf32>
      %swap3A_549 = vector.shape_cast %add3A_545 : vector<16xf32> to vector<16xf32>
      tpu.vector_store %arg6[%swap3A_546], %swap3A_549 {strides = array<i32>} : memref<10256xf32, #tpu.memory_space<vmem>>, vector<16xf32>,
      %slice3A_550 = vector.extract_strided_slice %get3A_65 {offsets = [9], sizes = [1], strides = [1]} : vector<16xi32> to vector<1xi32>
      %squeeze3A_551 = vector.extract %slice3A_550[0] : i32 from vector<1xi32>
      %get3A_552 = arith.index_cast %squeeze3A_551 : i32 to index
      %get3A_553 = tpu.vector_load %arg7[%get3A_552] {strides = array<i32>} : memref<10256xf32, #tpu.memory_space<vmem>>, vector<16xf32>,
      %get3A_554 = vector.shape_cast %get3A_553 : vector<16xf32> to vector<16xf32>
      %add3A_555 = arith.addf %get3A_554, %select_n3A : vector<16xf32>
      %swap3A_556 = arith.index_cast %squeeze3A_551 : i32 to index
      %swap3A_557 = tpu.vector_load %arg7[%swap3A_556] {strides = array<i32>} : memref<10256xf32, #tpu.memory_space<vmem>>, vector<16xf32>,
      %swap3A_558 = vector.shape_cast %swap3A_557 : vector<16xf32> to vector<16xf32>
      %swap3A_559 = vector.shape_cast %add3A_555 : vector<16xf32> to vector<16xf32>
      tpu.vector_store %arg7[%swap3A_556], %swap3A_559 {strides = array<i32>} : memref<10256xf32, #tpu.memory_space<vmem>>, vector<16xf32>,
      %slice3A_560 = vector.extract_strided_slice %get3A_72 {offsets = [9], sizes = [1], strides = [1]} : vector<16xi32> to vector<1xi32>
      %squeeze3A_561 = vector.extract %slice3A_560[0] : i32 from vector<1xi32>
      %get3A_562 = arith.index_cast %squeeze3A_561 : i32 to index
      %get3A_563 = tpu.vector_load %arg8[%get3A_562] {strides = array<i32>} : memref<10256xf32, #tpu.memory_space<vmem>>, vector<16xf32>,
      %get3A_564 = vector.shape_cast %get3A_563 : vector<16xf32> to vector<16xf32>
      %add3A_565 = arith.addf %get3A_564, %select_n3A : vector<16xf32>
      %swap3A_566 = arith.index_cast %squeeze3A_561 : i32 to index
      %swap3A_567 = tpu.vector_load %arg8[%swap3A_566] {strides = array<i32>} : memref<10256xf32, #tpu.memory_space<vmem>>, vector<16xf32>,
      %swap3A_568 = vector.shape_cast %swap3A_567 : vector<16xf32> to vector<16xf32>
      %swap3A_569 = vector.shape_cast %add3A_565 : vector<16xf32> to vector<16xf32>
      tpu.vector_store %arg8[%swap3A_566], %swap3A_569 {strides = array<i32>} : memref<10256xf32, #tpu.memory_space<vmem>>, vector<16xf32>,
      %slice3A_570 = vector.extract_strided_slice %get3A_44 {offsets = [10], sizes = [1], strides = [1]} : vector<16xi32> to vector<1xi32>
      %squeeze3A_571 = vector.extract %slice3A_570[0] : i32 from vector<1xi32>
      %get3A_572 = arith.index_cast %squeeze3A_571 : i32 to index
      %get3A_573 = tpu.vector_load %arg4[%get3A_572] {strides = array<i32>} : memref<10256xf32, #tpu.memory_space<vmem>>, vector<16xf32>,
      %get3A_574 = vector.shape_cast %get3A_573 : vector<16xf32> to vector<16xf32>
      %add3A_575 = arith.addf %get3A_574, %select_n3A : vector<16xf32>
      %swap3A_576 = arith.index_cast %squeeze3A_571 : i32 to index
      %swap3A_577 = tpu.vector_load %arg4[%swap3A_576] {strides = array<i32>} : memref<10256xf32, #tpu.memory_space<vmem>>, vector<16xf32>,
      %swap3A_578 = vector.shape_cast %swap3A_577 : vector<16xf32> to vector<16xf32>
      %swap3A_579 = vector.shape_cast %add3A_575 : vector<16xf32> to vector<16xf32>
      tpu.vector_store %arg4[%swap3A_576], %swap3A_579 {strides = array<i32>} : memref<10256xf32, #tpu.memory_space<vmem>>, vector<16xf32>,
      %slice3A_580 = vector.extract_strided_slice %get3A_51 {offsets = [10], sizes = [1], strides = [1]} : vector<16xi32> to vector<1xi32>
      %squeeze3A_581 = vector.extract %slice3A_580[0] : i32 from vector<1xi32>
      %get3A_582 = arith.index_cast %squeeze3A_581 : i32 to index
      %get3A_583 = tpu.vector_load %arg5[%get3A_582] {strides = array<i32>} : memref<10256xf32, #tpu.memory_space<vmem>>, vector<16xf32>,
      %get3A_584 = vector.shape_cast %get3A_583 : vector<16xf32> to vector<16xf32>
      %add3A_585 = arith.addf %get3A_584, %select_n3A : vector<16xf32>
      %swap3A_586 = arith.index_cast %squeeze3A_581 : i32 to index
      %swap3A_587 = tpu.vector_load %arg5[%swap3A_586] {strides = array<i32>} : memref<10256xf32, #tpu.memory_space<vmem>>, vector<16xf32>,
      %swap3A_588 = vector.shape_cast %swap3A_587 : vector<16xf32> to vector<16xf32>
      %swap3A_589 = vector.shape_cast %add3A_585 : vector<16xf32> to vector<16xf32>
      tpu.vector_store %arg5[%swap3A_586], %swap3A_589 {strides = array<i32>} : memref<10256xf32, #tpu.memory_space<vmem>>, vector<16xf32>,
      %slice3A_590 = vector.extract_strided_slice %get3A_58 {offsets = [10], sizes = [1], strides = [1]} : vector<16xi32> to vector<1xi32>
      %squeeze3A_591 = vector.extract %slice3A_590[0] : i32 from vector<1xi32>
      %get3A_592 = arith.index_cast %squeeze3A_591 : i32 to index
      %get3A_593 = tpu.vector_load %arg6[%get3A_592] {strides = array<i32>} : memref<10256xf32, #tpu.memory_space<vmem>>, vector<16xf32>,
      %get3A_594 = vector.shape_cast %get3A_593 : vector<16xf32> to vector<16xf32>
      %add3A_595 = arith.addf %get3A_594, %select_n3A : vector<16xf32>
      %swap3A_596 = arith.index_cast %squeeze3A_591 : i32 to index
      %swap3A_597 = tpu.vector_load %arg6[%swap3A_596] {strides = array<i32>} : memref<10256xf32, #tpu.memory_space<vmem>>, vector<16xf32>,
      %swap3A_598 = vector.shape_cast %swap3A_597 : vector<16xf32> to vector<16xf32>
      %swap3A_599 = vector.shape_cast %add3A_595 : vector<16xf32> to vector<16xf32>
      tpu.vector_store %arg6[%swap3A_596], %swap3A_599 {strides = array<i32>} : memref<10256xf32, #tpu.memory_space<vmem>>, vector<16xf32>,
      %slice3A_600 = vector.extract_strided_slice %get3A_65 {offsets = [10], sizes = [1], strides = [1]} : vector<16xi32> to vector<1xi32>
      %squeeze3A_601 = vector.extract %slice3A_600[0] : i32 from vector<1xi32>
      %get3A_602 = arith.index_cast %squeeze3A_601 : i32 to index
      %get3A_603 = tpu.vector_load %arg7[%get3A_602] {strides = array<i32>} : memref<10256xf32, #tpu.memory_space<vmem>>, vector<16xf32>,
      %get3A_604 = vector.shape_cast %get3A_603 : vector<16xf32> to vector<16xf32>
      %add3A_605 = arith.addf %get3A_604, %select_n3A : vector<16xf32>
      %swap3A_606 = arith.index_cast %squeeze3A_601 : i32 to index
      %swap3A_607 = tpu.vector_load %arg7[%swap3A_606] {strides = array<i32>} : memref<10256xf32, #tpu.memory_space<vmem>>, vector<16xf32>,
      %swap3A_608 = vector.shape_cast %swap3A_607 : vector<16xf32> to vector<16xf32>
      %swap3A_609 = vector.shape_cast %add3A_605 : vector<16xf32> to vector<16xf32>
      tpu.vector_store %arg7[%swap3A_606], %swap3A_609 {strides = array<i32>} : memref<10256xf32, #tpu.memory_space<vmem>>, vector<16xf32>,
      %slice3A_610 = vector.extract_strided_slice %get3A_72 {offsets = [10], sizes = [1], strides = [1]} : vector<16xi32> to vector<1xi32>
      %squeeze3A_611 = vector.extract %slice3A_610[0] : i32 from vector<1xi32>
      %get3A_612 = arith.index_cast %squeeze3A_611 : i32 to index
      %get3A_613 = tpu.vector_load %arg8[%get3A_612] {strides = array<i32>} : memref<10256xf32, #tpu.memory_space<vmem>>, vector<16xf32>,
      %get3A_614 = vector.shape_cast %get3A_613 : vector<16xf32> to vector<16xf32>
      %add3A_615 = arith.addf %get3A_614, %select_n3A : vector<16xf32>
      %swap3A_616 = arith.index_cast %squeeze3A_611 : i32 to index
      %swap3A_617 = tpu.vector_load %arg8[%swap3A_616] {strides = array<i32>} : memref<10256xf32, #tpu.memory_space<vmem>>, vector<16xf32>,
      %swap3A_618 = vector.shape_cast %swap3A_617 : vector<16xf32> to vector<16xf32>
      %swap3A_619 = vector.shape_cast %add3A_615 : vector<16xf32> to vector<16xf32>
      tpu.vector_store %arg8[%swap3A_616], %swap3A_619 {strides = array<i32>} : memref<10256xf32, #tpu.memory_space<vmem>>, vector<16xf32>,
      %slice3A_620 = vector.extract_strided_slice %get3A_44 {offsets = [11], sizes = [1], strides = [1]} : vector<16xi32> to vector<1xi32>
      %squeeze3A_621 = vector.extract %slice3A_620[0] : i32 from vector<1xi32>
      %get3A_622 = arith.index_cast %squeeze3A_621 : i32 to index
      %get3A_623 = tpu.vector_load %arg4[%get3A_622] {strides = array<i32>} : memref<10256xf32, #tpu.memory_space<vmem>>, vector<16xf32>,
      %get3A_624 = vector.shape_cast %get3A_623 : vector<16xf32> to vector<16xf32>
      %add3A_625 = arith.addf %get3A_624, %select_n3A : vector<16xf32>
      %swap3A_626 = arith.index_cast %squeeze3A_621 : i32 to index
      %swap3A_627 = tpu.vector_load %arg4[%swap3A_626] {strides = array<i32>} : memref<10256xf32, #tpu.memory_space<vmem>>, vector<16xf32>,
      %swap3A_628 = vector.shape_cast %swap3A_627 : vector<16xf32> to vector<16xf32>
      %swap3A_629 = vector.shape_cast %add3A_625 : vector<16xf32> to vector<16xf32>
      tpu.vector_store %arg4[%swap3A_626], %swap3A_629 {strides = array<i32>} : memref<10256xf32, #tpu.memory_space<vmem>>, vector<16xf32>,
      %slice3A_630 = vector.extract_strided_slice %get3A_51 {offsets = [11], sizes = [1], strides = [1]} : vector<16xi32> to vector<1xi32>
      %squeeze3A_631 = vector.extract %slice3A_630[0] : i32 from vector<1xi32>
      %get3A_632 = arith.index_cast %squeeze3A_631 : i32 to index
      %get3A_633 = tpu.vector_load %arg5[%get3A_632] {strides = array<i32>} : memref<10256xf32, #tpu.memory_space<vmem>>, vector<16xf32>,
      %get3A_634 = vector.shape_cast %get3A_633 : vector<16xf32> to vector<16xf32>
      %add3A_635 = arith.addf %get3A_634, %select_n3A : vector<16xf32>
      %swap3A_636 = arith.index_cast %squeeze3A_631 : i32 to index
      %swap3A_637 = tpu.vector_load %arg5[%swap3A_636] {strides = array<i32>} : memref<10256xf32, #tpu.memory_space<vmem>>, vector<16xf32>,
      %swap3A_638 = vector.shape_cast %swap3A_637 : vector<16xf32> to vector<16xf32>
      %swap3A_639 = vector.shape_cast %add3A_635 : vector<16xf32> to vector<16xf32>
      tpu.vector_store %arg5[%swap3A_636], %swap3A_639 {strides = array<i32>} : memref<10256xf32, #tpu.memory_space<vmem>>, vector<16xf32>,
      %slice3A_640 = vector.extract_strided_slice %get3A_58 {offsets = [11], sizes = [1], strides = [1]} : vector<16xi32> to vector<1xi32>
      %squeeze3A_641 = vector.extract %slice3A_640[0] : i32 from vector<1xi32>
      %get3A_642 = arith.index_cast %squeeze3A_641 : i32 to index
      %get3A_643 = tpu.vector_load %arg6[%get3A_642] {strides = array<i32>} : memref<10256xf32, #tpu.memory_space<vmem>>, vector<16xf32>,
      %get3A_644 = vector.shape_cast %get3A_643 : vector<16xf32> to vector<16xf32>
      %add3A_645 = arith.addf %get3A_644, %select_n3A : vector<16xf32>
      %swap3A_646 = arith.index_cast %squeeze3A_641 : i32 to index
      %swap3A_647 = tpu.vector_load %arg6[%swap3A_646] {strides = array<i32>} : memref<10256xf32, #tpu.memory_space<vmem>>, vector<16xf32>,
      %swap3A_648 = vector.shape_cast %swap3A_647 : vector<16xf32> to vector<16xf32>
      %swap3A_649 = vector.shape_cast %add3A_645 : vector<16xf32> to vector<16xf32>
      tpu.vector_store %arg6[%swap3A_646], %swap3A_649 {strides = array<i32>} : memref<10256xf32, #tpu.memory_space<vmem>>, vector<16xf32>,
      %slice3A_650 = vector.extract_strided_slice %get3A_65 {offsets = [11], sizes = [1], strides = [1]} : vector<16xi32> to vector<1xi32>
      %squeeze3A_651 = vector.extract %slice3A_650[0] : i32 from vector<1xi32>
      %get3A_652 = arith.index_cast %squeeze3A_651 : i32 to index
      %get3A_653 = tpu.vector_load %arg7[%get3A_652] {strides = array<i32>} : memref<10256xf32, #tpu.memory_space<vmem>>, vector<16xf32>,
      %get3A_654 = vector.shape_cast %get3A_653 : vector<16xf32> to vector<16xf32>
      %add3A_655 = arith.addf %get3A_654, %select_n3A : vector<16xf32>
      %swap3A_656 = arith.index_cast %squeeze3A_651 : i32 to index
      %swap3A_657 = tpu.vector_load %arg7[%swap3A_656] {strides = array<i32>} : memref<10256xf32, #tpu.memory_space<vmem>>, vector<16xf32>,
      %swap3A_658 = vector.shape_cast %swap3A_657 : vector<16xf32> to vector<16xf32>
      %swap3A_659 = vector.shape_cast %add3A_655 : vector<16xf32> to vector<16xf32>
      tpu.vector_store %arg7[%swap3A_656], %swap3A_659 {strides = array<i32>} : memref<10256xf32, #tpu.memory_space<vmem>>, vector<16xf32>,
      %slice3A_660 = vector.extract_strided_slice %get3A_72 {offsets = [11], sizes = [1], strides = [1]} : vector<16xi32> to vector<1xi32>
      %squeeze3A_661 = vector.extract %slice3A_660[0] : i32 from vector<1xi32>
      %get3A_662 = arith.index_cast %squeeze3A_661 : i32 to index
      %get3A_663 = tpu.vector_load %arg8[%get3A_662] {strides = array<i32>} : memref<10256xf32, #tpu.memory_space<vmem>>, vector<16xf32>,
      %get3A_664 = vector.shape_cast %get3A_663 : vector<16xf32> to vector<16xf32>
      %add3A_665 = arith.addf %get3A_664, %select_n3A : vector<16xf32>
      %swap3A_666 = arith.index_cast %squeeze3A_661 : i32 to index
      %swap3A_667 = tpu.vector_load %arg8[%swap3A_666] {strides = array<i32>} : memref<10256xf32, #tpu.memory_space<vmem>>, vector<16xf32>,
      %swap3A_668 = vector.shape_cast %swap3A_667 : vector<16xf32> to vector<16xf32>
      %swap3A_669 = vector.shape_cast %add3A_665 : vector<16xf32> to vector<16xf32>
      tpu.vector_store %arg8[%swap3A_666], %swap3A_669 {strides = array<i32>} : memref<10256xf32, #tpu.memory_space<vmem>>, vector<16xf32>,
      %slice3A_670 = vector.extract_strided_slice %get3A_44 {offsets = [12], sizes = [1], strides = [1]} : vector<16xi32> to vector<1xi32>
      %squeeze3A_671 = vector.extract %slice3A_670[0] : i32 from vector<1xi32>
      %get3A_672 = arith.index_cast %squeeze3A_671 : i32 to index
      %get3A_673 = tpu.vector_load %arg4[%get3A_672] {strides = array<i32>} : memref<10256xf32, #tpu.memory_space<vmem>>, vector<16xf32>,
      %get3A_674 = vector.shape_cast %get3A_673 : vector<16xf32> to vector<16xf32>
      %add3A_675 = arith.addf %get3A_674, %select_n3A : vector<16xf32>
      %swap3A_676 = arith.index_cast %squeeze3A_671 : i32 to index
      %swap3A_677 = tpu.vector_load %arg4[%swap3A_676] {strides = array<i32>} : memref<10256xf32, #tpu.memory_space<vmem>>, vector<16xf32>,
      %swap3A_678 = vector.shape_cast %swap3A_677 : vector<16xf32> to vector<16xf32>
      %swap3A_679 = vector.shape_cast %add3A_675 : vector<16xf32> to vector<16xf32>
      tpu.vector_store %arg4[%swap3A_676], %swap3A_679 {strides = array<i32>} : memref<10256xf32, #tpu.memory_space<vmem>>, vector<16xf32>,
      %slice3A_680 = vector.extract_strided_slice %get3A_51 {offsets = [12], sizes = [1], strides = [1]} : vector<16xi32> to vector<1xi32>
      %squeeze3A_681 = vector.extract %slice3A_680[0] : i32 from vector<1xi32>
      %get3A_682 = arith.index_cast %squeeze3A_681 : i32 to index
      %get3A_683 = tpu.vector_load %arg5[%get3A_682] {strides = array<i32>} : memref<10256xf32, #tpu.memory_space<vmem>>, vector<16xf32>,
      %get3A_684 = vector.shape_cast %get3A_683 : vector<16xf32> to vector<16xf32>
      %add3A_685 = arith.addf %get3A_684, %select_n3A : vector<16xf32>
      %swap3A_686 = arith.index_cast %squeeze3A_681 : i32 to index
      %swap3A_687 = tpu.vector_load %arg5[%swap3A_686] {strides = array<i32>} : memref<10256xf32, #tpu.memory_space<vmem>>, vector<16xf32>,
      %swap3A_688 = vector.shape_cast %swap3A_687 : vector<16xf32> to vector<16xf32>
      %swap3A_689 = vector.shape_cast %add3A_685 : vector<16xf32> to vector<16xf32>
      tpu.vector_store %arg5[%swap3A_686], %swap3A_689 {strides = array<i32>} : memref<10256xf32, #tpu.memory_space<vmem>>, vector<16xf32>,
      %slice3A_690 = vector.extract_strided_slice %get3A_58 {offsets = [12], sizes = [1], strides = [1]} : vector<16xi32> to vector<1xi32>
      %squeeze3A_691 = vector.extract %slice3A_690[0] : i32 from vector<1xi32>
      %get3A_692 = arith.index_cast %squeeze3A_691 : i32 to index
      %get3A_693 = tpu.vector_load %arg6[%get3A_692] {strides = array<i32>} : memref<10256xf32, #tpu.memory_space<vmem>>, vector<16xf32>,
      %get3A_694 = vector.shape_cast %get3A_693 : vector<16xf32> to vector<16xf32>
      %add3A_695 = arith.addf %get3A_694, %select_n3A : vector<16xf32>
      %swap3A_696 = arith.index_cast %squeeze3A_691 : i32 to index
      %swap3A_697 = tpu.vector_load %arg6[%swap3A_696] {strides = array<i32>} : memref<10256xf32, #tpu.memory_space<vmem>>, vector<16xf32>,
      %swap3A_698 = vector.shape_cast %swap3A_697 : vector<16xf32> to vector<16xf32>
      %swap3A_699 = vector.shape_cast %add3A_695 : vector<16xf32> to vector<16xf32>
      tpu.vector_store %arg6[%swap3A_696], %swap3A_699 {strides = array<i32>} : memref<10256xf32, #tpu.memory_space<vmem>>, vector<16xf32>,
      %slice3A_700 = vector.extract_strided_slice %get3A_65 {offsets = [12], sizes = [1], strides = [1]} : vector<16xi32> to vector<1xi32>
      %squeeze3A_701 = vector.extract %slice3A_700[0] : i32 from vector<1xi32>
      %get3A_702 = arith.index_cast %squeeze3A_701 : i32 to index
      %get3A_703 = tpu.vector_load %arg7[%get3A_702] {strides = array<i32>} : memref<10256xf32, #tpu.memory_space<vmem>>, vector<16xf32>,
      %get3A_704 = vector.shape_cast %get3A_703 : vector<16xf32> to vector<16xf32>
      %add3A_705 = arith.addf %get3A_704, %select_n3A : vector<16xf32>
      %swap3A_706 = arith.index_cast %squeeze3A_701 : i32 to index
      %swap3A_707 = tpu.vector_load %arg7[%swap3A_706] {strides = array<i32>} : memref<10256xf32, #tpu.memory_space<vmem>>, vector<16xf32>,
      %swap3A_708 = vector.shape_cast %swap3A_707 : vector<16xf32> to vector<16xf32>
      %swap3A_709 = vector.shape_cast %add3A_705 : vector<16xf32> to vector<16xf32>
      tpu.vector_store %arg7[%swap3A_706], %swap3A_709 {strides = array<i32>} : memref<10256xf32, #tpu.memory_space<vmem>>, vector<16xf32>,
      %slice3A_710 = vector.extract_strided_slice %get3A_72 {offsets = [12], sizes = [1], strides = [1]} : vector<16xi32> to vector<1xi32>
      %squeeze3A_711 = vector.extract %slice3A_710[0] : i32 from vector<1xi32>
      %get3A_712 = arith.index_cast %squeeze3A_711 : i32 to index
      %get3A_713 = tpu.vector_load %arg8[%get3A_712] {strides = array<i32>} : memref<10256xf32, #tpu.memory_space<vmem>>, vector<16xf32>,
      %get3A_714 = vector.shape_cast %get3A_713 : vector<16xf32> to vector<16xf32>
      %add3A_715 = arith.addf %get3A_714, %select_n3A : vector<16xf32>
      %swap3A_716 = arith.index_cast %squeeze3A_711 : i32 to index
      %swap3A_717 = tpu.vector_load %arg8[%swap3A_716] {strides = array<i32>} : memref<10256xf32, #tpu.memory_space<vmem>>, vector<16xf32>,
      %swap3A_718 = vector.shape_cast %swap3A_717 : vector<16xf32> to vector<16xf32>
      %swap3A_719 = vector.shape_cast %add3A_715 : vector<16xf32> to vector<16xf32>
      tpu.vector_store %arg8[%swap3A_716], %swap3A_719 {strides = array<i32>} : memref<10256xf32, #tpu.memory_space<vmem>>, vector<16xf32>,
      %slice3A_720 = vector.extract_strided_slice %get3A_44 {offsets = [13], sizes = [1], strides = [1]} : vector<16xi32> to vector<1xi32>
      %squeeze3A_721 = vector.extract %slice3A_720[0] : i32 from vector<1xi32>
      %get3A_722 = arith.index_cast %squeeze3A_721 : i32 to index
      %get3A_723 = tpu.vector_load %arg4[%get3A_722] {strides = array<i32>} : memref<10256xf32, #tpu.memory_space<vmem>>, vector<16xf32>,
      %get3A_724 = vector.shape_cast %get3A_723 : vector<16xf32> to vector<16xf32>
      %add3A_725 = arith.addf %get3A_724, %select_n3A : vector<16xf32>
      %swap3A_726 = arith.index_cast %squeeze3A_721 : i32 to index
      %swap3A_727 = tpu.vector_load %arg4[%swap3A_726] {strides = array<i32>} : memref<10256xf32, #tpu.memory_space<vmem>>, vector<16xf32>,
      %swap3A_728 = vector.shape_cast %swap3A_727 : vector<16xf32> to vector<16xf32>
      %swap3A_729 = vector.shape_cast %add3A_725 : vector<16xf32> to vector<16xf32>
      tpu.vector_store %arg4[%swap3A_726], %swap3A_729 {strides = array<i32>} : memref<10256xf32, #tpu.memory_space<vmem>>, vector<16xf32>,
      %slice3A_730 = vector.extract_strided_slice %get3A_51 {offsets = [13], sizes = [1], strides = [1]} : vector<16xi32> to vector<1xi32>
      %squeeze3A_731 = vector.extract %slice3A_730[0] : i32 from vector<1xi32>
      %get3A_732 = arith.index_cast %squeeze3A_731 : i32 to index
      %get3A_733 = tpu.vector_load %arg5[%get3A_732] {strides = array<i32>} : memref<10256xf32, #tpu.memory_space<vmem>>, vector<16xf32>,
      %get3A_734 = vector.shape_cast %get3A_733 : vector<16xf32> to vector<16xf32>
      %add3A_735 = arith.addf %get3A_734, %select_n3A : vector<16xf32>
      %swap3A_736 = arith.index_cast %squeeze3A_731 : i32 to index
      %swap3A_737 = tpu.vector_load %arg5[%swap3A_736] {strides = array<i32>} : memref<10256xf32, #tpu.memory_space<vmem>>, vector<16xf32>,
      %swap3A_738 = vector.shape_cast %swap3A_737 : vector<16xf32> to vector<16xf32>
      %swap3A_739 = vector.shape_cast %add3A_735 : vector<16xf32> to vector<16xf32>
      tpu.vector_store %arg5[%swap3A_736], %swap3A_739 {strides = array<i32>} : memref<10256xf32, #tpu.memory_space<vmem>>, vector<16xf32>,
      %slice3A_740 = vector.extract_strided_slice %get3A_58 {offsets = [13], sizes = [1], strides = [1]} : vector<16xi32> to vector<1xi32>
      %squeeze3A_741 = vector.extract %slice3A_740[0] : i32 from vector<1xi32>
      %get3A_742 = arith.index_cast %squeeze3A_741 : i32 to index
      %get3A_743 = tpu.vector_load %arg6[%get3A_742] {strides = array<i32>} : memref<10256xf32, #tpu.memory_space<vmem>>, vector<16xf32>,
      %get3A_744 = vector.shape_cast %get3A_743 : vector<16xf32> to vector<16xf32>
      %add3A_745 = arith.addf %get3A_744, %select_n3A : vector<16xf32>
      %swap3A_746 = arith.index_cast %squeeze3A_741 : i32 to index
      %swap3A_747 = tpu.vector_load %arg6[%swap3A_746] {strides = array<i32>} : memref<10256xf32, #tpu.memory_space<vmem>>, vector<16xf32>,
      %swap3A_748 = vector.shape_cast %swap3A_747 : vector<16xf32> to vector<16xf32>
      %swap3A_749 = vector.shape_cast %add3A_745 : vector<16xf32> to vector<16xf32>
      tpu.vector_store %arg6[%swap3A_746], %swap3A_749 {strides = array<i32>} : memref<10256xf32, #tpu.memory_space<vmem>>, vector<16xf32>,
      %slice3A_750 = vector.extract_strided_slice %get3A_65 {offsets = [13], sizes = [1], strides = [1]} : vector<16xi32> to vector<1xi32>
      %squeeze3A_751 = vector.extract %slice3A_750[0] : i32 from vector<1xi32>
      %get3A_752 = arith.index_cast %squeeze3A_751 : i32 to index
      %get3A_753 = tpu.vector_load %arg7[%get3A_752] {strides = array<i32>} : memref<10256xf32, #tpu.memory_space<vmem>>, vector<16xf32>,
      %get3A_754 = vector.shape_cast %get3A_753 : vector<16xf32> to vector<16xf32>
      %add3A_755 = arith.addf %get3A_754, %select_n3A : vector<16xf32>
      %swap3A_756 = arith.index_cast %squeeze3A_751 : i32 to index
      %swap3A_757 = tpu.vector_load %arg7[%swap3A_756] {strides = array<i32>} : memref<10256xf32, #tpu.memory_space<vmem>>, vector<16xf32>,
      %swap3A_758 = vector.shape_cast %swap3A_757 : vector<16xf32> to vector<16xf32>
      %swap3A_759 = vector.shape_cast %add3A_755 : vector<16xf32> to vector<16xf32>
      tpu.vector_store %arg7[%swap3A_756], %swap3A_759 {strides = array<i32>} : memref<10256xf32, #tpu.memory_space<vmem>>, vector<16xf32>,
      %slice3A_760 = vector.extract_strided_slice %get3A_72 {offsets = [13], sizes = [1], strides = [1]} : vector<16xi32> to vector<1xi32>
      %squeeze3A_761 = vector.extract %slice3A_760[0] : i32 from vector<1xi32>
      %get3A_762 = arith.index_cast %squeeze3A_761 : i32 to index
      %get3A_763 = tpu.vector_load %arg8[%get3A_762] {strides = array<i32>} : memref<10256xf32, #tpu.memory_space<vmem>>, vector<16xf32>,
      %get3A_764 = vector.shape_cast %get3A_763 : vector<16xf32> to vector<16xf32>
      %add3A_765 = arith.addf %get3A_764, %select_n3A : vector<16xf32>
      %swap3A_766 = arith.index_cast %squeeze3A_761 : i32 to index
      %swap3A_767 = tpu.vector_load %arg8[%swap3A_766] {strides = array<i32>} : memref<10256xf32, #tpu.memory_space<vmem>>, vector<16xf32>,
      %swap3A_768 = vector.shape_cast %swap3A_767 : vector<16xf32> to vector<16xf32>
      %swap3A_769 = vector.shape_cast %add3A_765 : vector<16xf32> to vector<16xf32>
      tpu.vector_store %arg8[%swap3A_766], %swap3A_769 {strides = array<i32>} : memref<10256xf32, #tpu.memory_space<vmem>>, vector<16xf32>,
      %slice3A_770 = vector.extract_strided_slice %get3A_44 {offsets = [14], sizes = [1], strides = [1]} : vector<16xi32> to vector<1xi32>
      %squeeze3A_771 = vector.extract %slice3A_770[0] : i32 from vector<1xi32>
      %get3A_772 = arith.index_cast %squeeze3A_771 : i32 to index
      %get3A_773 = tpu.vector_load %arg4[%get3A_772] {strides = array<i32>} : memref<10256xf32, #tpu.memory_space<vmem>>, vector<16xf32>,
      %get3A_774 = vector.shape_cast %get3A_773 : vector<16xf32> to vector<16xf32>
      %add3A_775 = arith.addf %get3A_774, %select_n3A : vector<16xf32>
      %swap3A_776 = arith.index_cast %squeeze3A_771 : i32 to index
      %swap3A_777 = tpu.vector_load %arg4[%swap3A_776] {strides = array<i32>} : memref<10256xf32, #tpu.memory_space<vmem>>, vector<16xf32>,
      %swap3A_778 = vector.shape_cast %swap3A_777 : vector<16xf32> to vector<16xf32>
      %swap3A_779 = vector.shape_cast %add3A_775 : vector<16xf32> to vector<16xf32>
      tpu.vector_store %arg4[%swap3A_776], %swap3A_779 {strides = array<i32>} : memref<10256xf32, #tpu.memory_space<vmem>>, vector<16xf32>,
      %slice3A_780 = vector.extract_strided_slice %get3A_51 {offsets = [14], sizes = [1], strides = [1]} : vector<16xi32> to vector<1xi32>
      %squeeze3A_781 = vector.extract %slice3A_780[0] : i32 from vector<1xi32>
      %get3A_782 = arith.index_cast %squeeze3A_781 : i32 to index
      %get3A_783 = tpu.vector_load %arg5[%get3A_782] {strides = array<i32>} : memref<10256xf32, #tpu.memory_space<vmem>>, vector<16xf32>,
      %get3A_784 = vector.shape_cast %get3A_783 : vector<16xf32> to vector<16xf32>
      %add3A_785 = arith.addf %get3A_784, %select_n3A : vector<16xf32>
      %swap3A_786 = arith.index_cast %squeeze3A_781 : i32 to index
      %swap3A_787 = tpu.vector_load %arg5[%swap3A_786] {strides = array<i32>} : memref<10256xf32, #tpu.memory_space<vmem>>, vector<16xf32>,
      %swap3A_788 = vector.shape_cast %swap3A_787 : vector<16xf32> to vector<16xf32>
      %swap3A_789 = vector.shape_cast %add3A_785 : vector<16xf32> to vector<16xf32>
      tpu.vector_store %arg5[%swap3A_786], %swap3A_789 {strides = array<i32>} : memref<10256xf32, #tpu.memory_space<vmem>>, vector<16xf32>,
      %slice3A_790 = vector.extract_strided_slice %get3A_58 {offsets = [14], sizes = [1], strides = [1]} : vector<16xi32> to vector<1xi32>
      %squeeze3A_791 = vector.extract %slice3A_790[0] : i32 from vector<1xi32>
      %get3A_792 = arith.index_cast %squeeze3A_791 : i32 to index
      %get3A_793 = tpu.vector_load %arg6[%get3A_792] {strides = array<i32>} : memref<10256xf32, #tpu.memory_space<vmem>>, vector<16xf32>,
      %get3A_794 = vector.shape_cast %get3A_793 : vector<16xf32> to vector<16xf32>
      %add3A_795 = arith.addf %get3A_794, %select_n3A : vector<16xf32>
      %swap3A_796 = arith.index_cast %squeeze3A_791 : i32 to index
      %swap3A_797 = tpu.vector_load %arg6[%swap3A_796] {strides = array<i32>} : memref<10256xf32, #tpu.memory_space<vmem>>, vector<16xf32>,
      %swap3A_798 = vector.shape_cast %swap3A_797 : vector<16xf32> to vector<16xf32>
      %swap3A_799 = vector.shape_cast %add3A_795 : vector<16xf32> to vector<16xf32>
      tpu.vector_store %arg6[%swap3A_796], %swap3A_799 {strides = array<i32>} : memref<10256xf32, #tpu.memory_space<vmem>>, vector<16xf32>,
      %slice3A_800 = vector.extract_strided_slice %get3A_65 {offsets = [14], sizes = [1], strides = [1]} : vector<16xi32> to vector<1xi32>
      %squeeze3A_801 = vector.extract %slice3A_800[0] : i32 from vector<1xi32>
      %get3A_802 = arith.index_cast %squeeze3A_801 : i32 to index
      %get3A_803 = tpu.vector_load %arg7[%get3A_802] {strides = array<i32>} : memref<10256xf32, #tpu.memory_space<vmem>>, vector<16xf32>,
      %get3A_804 = vector.shape_cast %get3A_803 : vector<16xf32> to vector<16xf32>
      %add3A_805 = arith.addf %get3A_804, %select_n3A : vector<16xf32>
      %swap3A_806 = arith.index_cast %squeeze3A_801 : i32 to index
      %swap3A_807 = tpu.vector_load %arg7[%swap3A_806] {strides = array<i32>} : memref<10256xf32, #tpu.memory_space<vmem>>, vector<16xf32>,
      %swap3A_808 = vector.shape_cast %swap3A_807 : vector<16xf32> to vector<16xf32>
      %swap3A_809 = vector.shape_cast %add3A_805 : vector<16xf32> to vector<16xf32>
      tpu.vector_store %arg7[%swap3A_806], %swap3A_809 {strides = array<i32>} : memref<10256xf32, #tpu.memory_space<vmem>>, vector<16xf32>,
      %slice3A_810 = vector.extract_strided_slice %get3A_72 {offsets = [14], sizes = [1], strides = [1]} : vector<16xi32> to vector<1xi32>
      %squeeze3A_811 = vector.extract %slice3A_810[0] : i32 from vector<1xi32>
      %get3A_812 = arith.index_cast %squeeze3A_811 : i32 to index
      %get3A_813 = tpu.vector_load %arg8[%get3A_812] {strides = array<i32>} : memref<10256xf32, #tpu.memory_space<vmem>>, vector<16xf32>,
      %get3A_814 = vector.shape_cast %get3A_813 : vector<16xf32> to vector<16xf32>
      %add3A_815 = arith.addf %get3A_814, %select_n3A : vector<16xf32>
      %swap3A_816 = arith.index_cast %squeeze3A_811 : i32 to index
      %swap3A_817 = tpu.vector_load %arg8[%swap3A_816] {strides = array<i32>} : memref<10256xf32, #tpu.memory_space<vmem>>, vector<16xf32>,
      %swap3A_818 = vector.shape_cast %swap3A_817 : vector<16xf32> to vector<16xf32>
      %swap3A_819 = vector.shape_cast %add3A_815 : vector<16xf32> to vector<16xf32>
      tpu.vector_store %arg8[%swap3A_816], %swap3A_819 {strides = array<i32>} : memref<10256xf32, #tpu.memory_space<vmem>>, vector<16xf32>,
      %slice3A_820 = vector.extract_strided_slice %get3A_44 {offsets = [15], sizes = [1], strides = [1]} : vector<16xi32> to vector<1xi32>
      %squeeze3A_821 = vector.extract %slice3A_820[0] : i32 from vector<1xi32>
      %get3A_822 = arith.index_cast %squeeze3A_821 : i32 to index
      %get3A_823 = tpu.vector_load %arg4[%get3A_822] {strides = array<i32>} : memref<10256xf32, #tpu.memory_space<vmem>>, vector<16xf32>,
      %get3A_824 = vector.shape_cast %get3A_823 : vector<16xf32> to vector<16xf32>
      %add3A_825 = arith.addf %get3A_824, %select_n3A : vector<16xf32>
      %swap3A_826 = arith.index_cast %squeeze3A_821 : i32 to index
      %swap3A_827 = tpu.vector_load %arg4[%swap3A_826] {strides = array<i32>} : memref<10256xf32, #tpu.memory_space<vmem>>, vector<16xf32>,
      %swap3A_828 = vector.shape_cast %swap3A_827 : vector<16xf32> to vector<16xf32>
      %swap3A_829 = vector.shape_cast %add3A_825 : vector<16xf32> to vector<16xf32>
      tpu.vector_store %arg4[%swap3A_826], %swap3A_829 {strides = array<i32>} : memref<10256xf32, #tpu.memory_space<vmem>>, vector<16xf32>,
      %slice3A_830 = vector.extract_strided_slice %get3A_51 {offsets = [15], sizes = [1], strides = [1]} : vector<16xi32> to vector<1xi32>
      %squeeze3A_831 = vector.extract %slice3A_830[0] : i32 from vector<1xi32>
      %get3A_832 = arith.index_cast %squeeze3A_831 : i32 to index
      %get3A_833 = tpu.vector_load %arg5[%get3A_832] {strides = array<i32>} : memref<10256xf32, #tpu.memory_space<vmem>>, vector<16xf32>,
      %get3A_834 = vector.shape_cast %get3A_833 : vector<16xf32> to vector<16xf32>
      %add3A_835 = arith.addf %get3A_834, %select_n3A : vector<16xf32>
      %swap3A_836 = arith.index_cast %squeeze3A_831 : i32 to index
      %swap3A_837 = tpu.vector_load %arg5[%swap3A_836] {strides = array<i32>} : memref<10256xf32, #tpu.memory_space<vmem>>, vector<16xf32>,
      %swap3A_838 = vector.shape_cast %swap3A_837 : vector<16xf32> to vector<16xf32>
      %swap3A_839 = vector.shape_cast %add3A_835 : vector<16xf32> to vector<16xf32>
      tpu.vector_store %arg5[%swap3A_836], %swap3A_839 {strides = array<i32>} : memref<10256xf32, #tpu.memory_space<vmem>>, vector<16xf32>,
      %slice3A_840 = vector.extract_strided_slice %get3A_58 {offsets = [15], sizes = [1], strides = [1]} : vector<16xi32> to vector<1xi32>
      %squeeze3A_841 = vector.extract %slice3A_840[0] : i32 from vector<1xi32>
      %get3A_842 = arith.index_cast %squeeze3A_841 : i32 to index
      %get3A_843 = tpu.vector_load %arg6[%get3A_842] {strides = array<i32>} : memref<10256xf32, #tpu.memory_space<vmem>>, vector<16xf32>,
      %get3A_844 = vector.shape_cast %get3A_843 : vector<16xf32> to vector<16xf32>
      %add3A_845 = arith.addf %get3A_844, %select_n3A : vector<16xf32>
      %swap3A_846 = arith.index_cast %squeeze3A_841 : i32 to index
      %swap3A_847 = tpu.vector_load %arg6[%swap3A_846] {strides = array<i32>} : memref<10256xf32, #tpu.memory_space<vmem>>, vector<16xf32>,
      %swap3A_848 = vector.shape_cast %swap3A_847 : vector<16xf32> to vector<16xf32>
      %swap3A_849 = vector.shape_cast %add3A_845 : vector<16xf32> to vector<16xf32>
      tpu.vector_store %arg6[%swap3A_846], %swap3A_849 {strides = array<i32>} : memref<10256xf32, #tpu.memory_space<vmem>>, vector<16xf32>,
      %slice3A_850 = vector.extract_strided_slice %get3A_65 {offsets = [15], sizes = [1], strides = [1]} : vector<16xi32> to vector<1xi32>
      %squeeze3A_851 = vector.extract %slice3A_850[0] : i32 from vector<1xi32>
      %get3A_852 = arith.index_cast %squeeze3A_851 : i32 to index
      %get3A_853 = tpu.vector_load %arg7[%get3A_852] {strides = array<i32>} : memref<10256xf32, #tpu.memory_space<vmem>>, vector<16xf32>,
      %get3A_854 = vector.shape_cast %get3A_853 : vector<16xf32> to vector<16xf32>
      %add3A_855 = arith.addf %get3A_854, %select_n3A : vector<16xf32>
      %swap3A_856 = arith.index_cast %squeeze3A_851 : i32 to index
      %swap3A_857 = tpu.vector_load %arg7[%swap3A_856] {strides = array<i32>} : memref<10256xf32, #tpu.memory_space<vmem>>, vector<16xf32>,
      %swap3A_858 = vector.shape_cast %swap3A_857 : vector<16xf32> to vector<16xf32>
      %swap3A_859 = vector.shape_cast %add3A_855 : vector<16xf32> to vector<16xf32>
      tpu.vector_store %arg7[%swap3A_856], %swap3A_859 {strides = array<i32>} : memref<10256xf32, #tpu.memory_space<vmem>>, vector<16xf32>,
      %slice3A_860 = vector.extract_strided_slice %get3A_72 {offsets = [15], sizes = [1], strides = [1]} : vector<16xi32> to vector<1xi32>
      %squeeze3A_861 = vector.extract %slice3A_860[0] : i32 from vector<1xi32>
      %get3A_862 = arith.index_cast %squeeze3A_861 : i32 to index
      %get3A_863 = tpu.vector_load %arg8[%get3A_862] {strides = array<i32>} : memref<10256xf32, #tpu.memory_space<vmem>>, vector<16xf32>,
      %get3A_864 = vector.shape_cast %get3A_863 : vector<16xf32> to vector<16xf32>
      %add3A_865 = arith.addf %get3A_864, %select_n3A : vector<16xf32>
      %swap3A_866 = arith.index_cast %squeeze3A_861 : i32 to index
      %swap3A_867 = tpu.vector_load %arg8[%swap3A_866] {strides = array<i32>} : memref<10256xf32, #tpu.memory_space<vmem>>, vector<16xf32>,
      %swap3A_868 = vector.shape_cast %swap3A_867 : vector<16xf32> to vector<16xf32>
      %swap3A_869 = vector.shape_cast %add3A_865 : vector<16xf32> to vector<16xf32>
      tpu.vector_store %arg8[%swap3A_866], %swap3A_869 {strides = array<i32>} : memref<10256xf32, #tpu.memory_space<vmem>>, vector<16xf32>,
    }
    %scan3A_19 = arith.constant 125 : i32
    %scan3A_20 = arith.constant 0 : i32
    %scan3A_21 = arith.constant 0 : i32
    %scan3A_22 = arith.constant 640 : i32
    %scan3A_23 = arith.addi %scan3A_21, %scan3A_22 : i32
    %scan3A_24 = arith.constant 1 : i32
    scf.for %scan3A_38 = %scan3A_21 to %scan3A_23 step %scan3A_24  : i32 {
      %mul3A_39 = arith.constant 16 : i32
      %mul3A_40 = arith.muli %scan3A_38, %mul3A_39 : i32
      %get3A = arith.index_cast %mul3A_40 : i32 to index
      %get3A_41 = tpu.vector_load %arg4[%get3A] {strides = array<i32>} : memref<10256xf32, #tpu.memory_space<vmem>>, vector<16xf32>,
      %get3A_42 = vector.shape_cast %get3A_41 : vector<16xf32> to vector<16xf32>
      %get3A_43 = arith.index_cast %mul3A_40 : i32 to index
      %get3A_44 = tpu.vector_load %arg5[%get3A_43] {strides = array<i32>} : memref<10256xf32, #tpu.memory_space<vmem>>, vector<16xf32>,
      %get3A_45 = vector.shape_cast %get3A_44 : vector<16xf32> to vector<16xf32>
      %add3A_46 = arith.addf %get3A_42, %get3A_45 : vector<16xf32>
      %get3A_47 = arith.index_cast %mul3A_40 : i32 to index
      %get3A_48 = tpu.vector_load %arg6[%get3A_47] {strides = array<i32>} : memref<10256xf32, #tpu.memory_space<vmem>>, vector<16xf32>,
      %get3A_49 = vector.shape_cast %get3A_48 : vector<16xf32> to vector<16xf32>
      %add3A_50 = arith.addf %add3A_46, %get3A_49 : vector<16xf32>
      %get3A_51 = arith.index_cast %mul3A_40 : i32 to index
      %get3A_52 = tpu.vector_load %arg7[%get3A_51] {strides = array<i32>} : memref<10256xf32, #tpu.memory_space<vmem>>, vector<16xf32>,
      %get3A_53 = vector.shape_cast %get3A_52 : vector<16xf32> to vector<16xf32>
      %add3A_54 = arith.addf %add3A_50, %get3A_53 : vector<16xf32>
      %get3A_55 = arith.index_cast %mul3A_40 : i32 to index
      %get3A_56 = tpu.vector_load %arg8[%get3A_55] {strides = array<i32>} : memref<10256xf32, #tpu.memory_space<vmem>>, vector<16xf32>,
      %get3A_57 = vector.shape_cast %get3A_56 : vector<16xf32> to vector<16xf32>
      %add3A_58 = arith.addf %add3A_54, %get3A_57 : vector<16xf32>
      %swap3A = arith.index_cast %mul3A_40 : i32 to index
      %swap3A_59 = tpu.vector_load %arg4[%swap3A] {strides = array<i32>} : memref<10256xf32, #tpu.memory_space<vmem>>, vector<16xf32>,
      %swap3A_60 = vector.shape_cast %swap3A_59 : vector<16xf32> to vector<16xf32>
      %swap3A_61 = vector.shape_cast %add3A_58 : vector<16xf32> to vector<16xf32>
      tpu.vector_store %arg4[%swap3A], %swap3A_61 {strides = array<i32>} : memref<10256xf32, #tpu.memory_space<vmem>>, vector<16xf32>,
    }
    %scan3A_25 = arith.constant 640 : i32
    "tpu.region"() ({
      %run_scoped3A = tpu.sem_alloc : memref<!tpu.dma_semaphore, #tpu.memory_space<semaphore_mem>>
      %dma_start3A = arith.constant 0 : i32
      %dma_start3A_38 = tpu.memref_slice %arg4[%dma_start3A] : memref<10256xf32, #tpu.memory_space<vmem>> -> memref<10240xf32, #tpu.memory_space<vmem>>
      %dma_start3A_39 = arith.constant 0 : i32
      %dma_start3A_40 = tpu.memref_slice %arg12[%arg1, %dma_start3A_39] : memref<16x10240xf32, #tpu.memory_space<vmem_shared>> -> memref<1x10240xf32, #tpu.memory_space<vmem_shared>>
      %dma_start3A_41 = tpu.memref_squeeze %dma_start3A_40 : memref<1x10240xf32, #tpu.memory_space<vmem_shared>> -> memref<10240xf32, #tpu.memory_space<vmem_shared>>
      %dma_start3A_42 = arith.constant 0 : i32
      %dma_start3A_43 = tpu.memref_slice %arg12[%arg1, %dma_start3A_42] : memref<16x10240xf32, #tpu.memory_space<vmem_shared>> -> memref<1x10240xf32, #tpu.memory_space<vmem_shared>>
      %dma_start3A_44 = tpu.memref_squeeze %dma_start3A_43 : memref<1x10240xf32, #tpu.memory_space<vmem_shared>> -> memref<10240xf32, #tpu.memory_space<vmem_shared>>
      %dma_start3A_45 = arith.constant 0 : i32
      %dma_start3A_46 = tpu.memref_slice %arg4[%dma_start3A_45] : memref<10256xf32, #tpu.memory_space<vmem>> -> memref<10240xf32, #tpu.memory_space<vmem>>
      tpu.enqueue_dma source(%dma_start3A_46 : memref<10240xf32, #tpu.memory_space<vmem>>) target(%dma_start3A_44 : memref<10240xf32, #tpu.memory_space<vmem_shared>>) target_semaphore(%run_scoped3A : memref<!tpu.dma_semaphore, #tpu.memory_space<semaphore_mem>>)
      %dma_wait3A = arith.constant 0 : i32
      %dma_wait3A_47 = tpu.memref_slice %arg4[%dma_wait3A] : memref<10256xf32, #tpu.memory_space<vmem>> -> memref<10240xf32, #tpu.memory_space<vmem>>
      %dma_wait3A_48 = arith.constant 0 : i32
      %dma_wait3A_49 = tpu.memref_slice %arg12[%arg1, %dma_wait3A_48] : memref<16x10240xf32, #tpu.memory_space<vmem_shared>> -> memref<1x10240xf32, #tpu.memory_space<vmem_shared>>
      %dma_wait3A_50 = tpu.memref_squeeze %dma_wait3A_49 : memref<1x10240xf32, #tpu.memory_space<vmem_shared>> -> memref<10240xf32, #tpu.memory_space<vmem_shared>>
      %dma_wait3A_51 = arith.constant 0 : i32
      %dma_wait3A_52 = tpu.memref_slice %arg12[%arg1, %dma_wait3A_51] : memref<16x10240xf32, #tpu.memory_space<vmem_shared>> -> memref<1x10240xf32, #tpu.memory_space<vmem_shared>>
      %dma_wait3A_53 = tpu.memref_squeeze %dma_wait3A_52 : memref<1x10240xf32, #tpu.memory_space<vmem_shared>> -> memref<10240xf32, #tpu.memory_space<vmem_shared>>
      %dma_wait3A_54 = arith.constant 0 : i32
      %dma_wait3A_55 = tpu.memref_slice %arg4[%dma_wait3A_54] : memref<10256xf32, #tpu.memory_space<vmem>> -> memref<10240xf32, #tpu.memory_space<vmem>>
      tpu.wait_dma2 semaphore(%run_scoped3A : memref<!tpu.dma_semaphore, #tpu.memory_space<semaphore_mem>>) src(%dma_wait3A_55 : memref<10240xf32, #tpu.memory_space<vmem>>) dst(%dma_wait3A_53 : memref<10240xf32, #tpu.memory_space<vmem_shared>>)
      tpu.yield
    }) : () -> ()
    %barrier3A = arith.constant 0 : index
    tpu.barrier barrier_id(%barrier3A)
    %scan3A_26 = arith.constant 0 : i32
    %scan3A_27 = arith.constant 0 : i32
    %scan3A_28 = arith.constant 40 : i32
    %scan3A_29 = arith.addi %scan3A_27, %scan3A_28 : i32
    %scan3A_30 = arith.constant 1 : i32
    scf.for %scan3A_38 = %scan3A_27 to %scan3A_29 step %scan3A_30  : i32 {
      %broadcast_in_dim3A_39 = arith.constant 0.000000e+00 : f32
      %broadcast_in_dim3A_40 = vector.broadcast %broadcast_in_dim3A_39 : f32 to vector<16xf32>
      %mul3A_41 = arith.constant 16 : i32
      %mul3A_42 = arith.muli %scan3A_38, %mul3A_41 : i32
      %swap3A = arith.index_cast %mul3A_42 : i32 to index
      %swap3A_43 = tpu.vector_load %arg10[%swap3A] {strides = array<i32>} : memref<640xf32, #tpu.memory_space<vmem>>, vector<16xf32>,
      %swap3A_44 = vector.shape_cast %swap3A_43 : vector<16xf32> to vector<16xf32>
      %swap3A_45 = vector.shape_cast %broadcast_in_dim3A_40 : vector<16xf32> to vector<16xf32>
      tpu.vector_store %arg10[%swap3A], %swap3A_45 {strides = array<i32>} : memref<640xf32, #tpu.memory_space<vmem>>, vector<16xf32>,
    }
    %scan3A_31 = arith.constant 40 : i32
    %scan3A_32 = arith.constant 0 : i32
    %scan3A_33 = arith.constant 0 : i32
    %scan3A_34 = arith.constant 16 : i32
    %scan3A_35 = arith.addi %scan3A_33, %scan3A_34 : i32
    %scan3A_36 = arith.constant 1 : i32
    scf.for %scan3A_38 = %scan3A_33 to %scan3A_35 step %scan3A_36  : i32 {
      "tpu.region"() ({
        %run_scoped3A = tpu.sem_alloc : memref<!tpu.dma_semaphore, #tpu.memory_space<semaphore_mem>>
        %dma_start3A = tpu.memref_slice %arg12[%scan3A_38, %mul3A_0] : memref<16x10240xf32, #tpu.memory_space<vmem_shared>> -> memref<1x640xf32, #tpu.memory_space<vmem_shared>>
        %dma_start3A_45 = tpu.memref_squeeze %dma_start3A : memref<1x640xf32, #tpu.memory_space<vmem_shared>> -> memref<640xf32, #tpu.memory_space<vmem_shared>>
        %dma_start3A_46 = tpu.memref_slice %arg12[%scan3A_38, %mul3A_0] : memref<16x10240xf32, #tpu.memory_space<vmem_shared>> -> memref<1x640xf32, #tpu.memory_space<vmem_shared>>
        %dma_start3A_47 = tpu.memref_squeeze %dma_start3A_46 : memref<1x640xf32, #tpu.memory_space<vmem_shared>> -> memref<640xf32, #tpu.memory_space<vmem_shared>>
        tpu.enqueue_dma source(%dma_start3A_47 : memref<640xf32, #tpu.memory_space<vmem_shared>>) target(%arg11 : memref<640xf32, #tpu.memory_space<vmem>>) target_semaphore(%run_scoped3A : memref<!tpu.dma_semaphore, #tpu.memory_space<semaphore_mem>>)
        %dma_wait3A = tpu.memref_slice %arg12[%scan3A_38, %mul3A_0] : memref<16x10240xf32, #tpu.memory_space<vmem_shared>> -> memref<1x640xf32, #tpu.memory_space<vmem_shared>>
        %dma_wait3A_48 = tpu.memref_squeeze %dma_wait3A : memref<1x640xf32, #tpu.memory_space<vmem_shared>> -> memref<640xf32, #tpu.memory_space<vmem_shared>>
        %dma_wait3A_49 = tpu.memref_slice %arg12[%scan3A_38, %mul3A_0] : memref<16x10240xf32, #tpu.memory_space<vmem_shared>> -> memref<1x640xf32, #tpu.memory_space<vmem_shared>>
        %dma_wait3A_50 = tpu.memref_squeeze %dma_wait3A_49 : memref<1x640xf32, #tpu.memory_space<vmem_shared>> -> memref<640xf32, #tpu.memory_space<vmem_shared>>
        tpu.wait_dma2 semaphore(%run_scoped3A : memref<!tpu.dma_semaphore, #tpu.memory_space<semaphore_mem>>) src(%dma_wait3A_50 : memref<640xf32, #tpu.memory_space<vmem_shared>>) dst(%arg11 : memref<640xf32, #tpu.memory_space<vmem>>)
        tpu.yield
      }) : () -> ()
      %scan3A_39 = arith.constant 0 : i32
      %scan3A_40 = arith.constant 0 : i32
      %scan3A_41 = arith.constant 40 : i32
      %scan3A_42 = arith.addi %scan3A_40, %scan3A_41 : i32
      %scan3A_43 = arith.constant 1 : i32
      scf.for %scan3A_45 = %scan3A_40 to %scan3A_42 step %scan3A_43  : i32 {
        %mul3A_46 = arith.constant 16 : i32
        %mul3A_47 = arith.muli %scan3A_45, %mul3A_46 : i32
        %get3A = arith.index_cast %mul3A_47 : i32 to index
        %get3A_48 = tpu.vector_load %arg10[%get3A] {strides = array<i32>} : memref<640xf32, #tpu.memory_space<vmem>>, vector<16xf32>,
        %get3A_49 = vector.shape_cast %get3A_48 : vector<16xf32> to vector<16xf32>
        %get3A_50 = arith.index_cast %mul3A_47 : i32 to index
        %get3A_51 = tpu.vector_load %arg11[%get3A_50] {strides = array<i32>} : memref<640xf32, #tpu.memory_space<vmem>>, vector<16xf32>,
        %get3A_52 = vector.shape_cast %get3A_51 : vector<16xf32> to vector<16xf32>
        %add3A_53 = arith.addf %get3A_49, %get3A_52 : vector<16xf32>
        %swap3A = arith.index_cast %mul3A_47 : i32 to index
        %swap3A_54 = tpu.vector_load %arg10[%swap3A] {strides = array<i32>} : memref<640xf32, #tpu.memory_space<vmem>>, vector<16xf32>,
        %swap3A_55 = vector.shape_cast %swap3A_54 : vector<16xf32> to vector<16xf32>
        %swap3A_56 = vector.shape_cast %add3A_53 : vector<16xf32> to vector<16xf32>
        tpu.vector_store %arg10[%swap3A], %swap3A_56 {strides = array<i32>} : memref<640xf32, #tpu.memory_space<vmem>>, vector<16xf32>,
      }
      %scan3A_44 = arith.constant 40 : i32
    }
    %scan3A_37 = arith.constant 16 : i32
    "tpu.region"() ({
      %run_scoped3A = tpu.sem_alloc : memref<!tpu.dma_semaphore, #tpu.memory_space<semaphore_mem>>
      %dma_start3A = tpu.memref_slice %arg3[%arg0, %mul3A_0] : memref<2x10240xf32, #tpu.memory_space<hbm>> -> memref<1x640xf32, #tpu.memory_space<hbm>>
      %dma_start3A_38 = tpu.memref_squeeze %dma_start3A : memref<1x640xf32, #tpu.memory_space<hbm>> -> memref<640xf32, #tpu.memory_space<hbm>>
      %dma_start3A_39 = tpu.memref_slice %arg3[%arg0, %mul3A_0] : memref<2x10240xf32, #tpu.memory_space<hbm>> -> memref<1x640xf32, #tpu.memory_space<hbm>>
      %dma_start3A_40 = tpu.memref_squeeze %dma_start3A_39 : memref<1x640xf32, #tpu.memory_space<hbm>> -> memref<640xf32, #tpu.memory_space<hbm>>
      tpu.enqueue_dma source(%arg10 : memref<640xf32, #tpu.memory_space<vmem>>) target(%dma_start3A_40 : memref<640xf32, #tpu.memory_space<hbm>>) target_semaphore(%run_scoped3A : memref<!tpu.dma_semaphore, #tpu.memory_space<semaphore_mem>>)
      %dma_wait3A = tpu.memref_slice %arg3[%arg0, %mul3A_0] : memref<2x10240xf32, #tpu.memory_space<hbm>> -> memref<1x640xf32, #tpu.memory_space<hbm>>
      %dma_wait3A_41 = tpu.memref_squeeze %dma_wait3A : memref<1x640xf32, #tpu.memory_space<hbm>> -> memref<640xf32, #tpu.memory_space<hbm>>
      %dma_wait3A_42 = tpu.memref_slice %arg3[%arg0, %mul3A_0] : memref<2x10240xf32, #tpu.memory_space<hbm>> -> memref<1x640xf32, #tpu.memory_space<hbm>>
      %dma_wait3A_43 = tpu.memref_squeeze %dma_wait3A_42 : memref<1x640xf32, #tpu.memory_space<hbm>> -> memref<640xf32, #tpu.memory_space<hbm>>
      tpu.wait_dma2 semaphore(%run_scoped3A : memref<!tpu.dma_semaphore, #tpu.memory_space<semaphore_mem>>) src(%arg10 : memref<640xf32, #tpu.memory_space<vmem>>) dst(%dma_wait3A_43 : memref<640xf32, #tpu.memory_space<hbm>>)
      tpu.yield
    }) : () -> ()
    return
  }
}

module attributes {stable_mosaic.version = 14 : i64} {
  func.func @_prescale_body(%arg0: i32, %arg1: memref<512x128xf32, #tpu.memory_space<vmem>>, %arg2: memref<128x128xf32, #tpu.memory_space<vmem>>, %arg3: memref<2x512xf32, #tpu.memory_space<vmem>>, %arg4: memref<512x128xf32, #tpu.memory_space<vmem>>) attributes {dimension_semantics = [#tpu.dimension_semantics<arbitrary>], iteration_bounds = array<i64: 20>, scalar_prefetch = 0 : i64, scratch_operands = 0 : i64, tpu.core_type = #tpu.core_type<tc>, window_params = [{transform_indices = @transform_0, window_bounds = array<i64: 512, 128>}, {pipeline_mode = #tpu.pipeline_mode<synchronous>, transform_indices = @transform_1, window_bounds = array<i64: 128, 128>}, {transform_indices = @transform_2, window_bounds = array<i64: 2, 512>}, {transform_indices = @transform_3, window_bounds = array<i64: 512, 128>}]} {
    %get3A = arith.constant 0 : index
    %get3A_0 = arith.constant 0 : index
    %get3A_1 = vector.load %arg3[%get3A, %get3A_0] : memref<2x512xf32, #tpu.memory_space<vmem>>, vector<1x512xf32>
    %get3A_2 = arith.constant 1 : index
    %get3A_3 = arith.constant 0 : index
    %get3A_4 = vector.load %arg3[%get3A_2, %get3A_3] : memref<2x512xf32, #tpu.memory_space<vmem>>, vector<1x512xf32>
    %add3A = arith.addf %get3A_1, %get3A_4 : vector<1x512xf32>
    %gt3A = arith.constant 0.000000e+00 : f32
    %gt3A_5 = vector.broadcast %gt3A : f32 to vector<1x512xf32>
    %gt3A_6 = arith.cmpf ogt, %add3A, %gt3A_5 : vector<1x512xf32>
    %rsqrt3A = math.rsqrt %add3A : vector<1x512xf32>
    %jit3A = arith.constant 0.000000e+00 : f32
    %broadcast_in_dim3A = vector.broadcast %jit3A : f32 to vector<1x512xf32>
    %select_n3A = arith.select %gt3A_6, %rsqrt3A, %broadcast_in_dim3A : vector<1x512xi1>, vector<1x512xf32>
    %transpose3A = tpu.transpose %select_n3A, [1, 0] : vector<1x512xf32> -> vector<512x1xf32>
    %get3A_7 = arith.constant 0 : index
    %get3A_8 = arith.constant 0 : index
    %get3A_9 = vector.load %arg1[%get3A_7, %get3A_8] : memref<512x128xf32, #tpu.memory_space<vmem>>, vector<512x128xf32>
    %get3A_10 = arith.constant 0 : index
    %get3A_11 = arith.constant 0 : index
    %get3A_12 = vector.load %arg2[%get3A_10, %get3A_11] : memref<128x128xf32, #tpu.memory_space<vmem>>, vector<128x128xf32>
    %dot_general3A = arith.constant dense<0.000000e+00> : vector<512x128xf32>
    %dot_general3A_13 = tpu.matmul %get3A_9, %get3A_12, %dot_general3A {dimension_numbers = #tpu.dot_dimension_numbers<[1], [1], [0], [0], [0, 0, 1, 0], [], []>, transpose_lhs_hint = false} : vector<512x128xf32>, vector<128x128xf32>, vector<512x128xf32> -> vector<512x128xf32>
    %mul3A = vector.broadcast %transpose3A : vector<512x1xf32> to vector<512x128xf32>
    %mul3A_14 = arith.mulf %dot_general3A_13, %mul3A : vector<512x128xf32>
    %swap3A = arith.constant 0 : index
    %swap3A_15 = arith.constant 0 : index
    %swap3A_16 = vector.load %arg4[%swap3A, %swap3A_15] : memref<512x128xf32, #tpu.memory_space<vmem>>, vector<512x128xf32>
    tpu.vector_store %arg4[%swap3A, %swap3A_15], %mul3A_14 {strides = array<i32>} : memref<512x128xf32, #tpu.memory_space<vmem>>, vector<512x128xf32>,
    return
  }
  func.func @transform_0(%arg0: i32) -> (i32, i32) {
    %c0_i32 = arith.constant 0 : i32
    %c0_i32_0 = arith.constant 0 : i32
    return %arg0, %c0_i32 : i32, i32
  }
  func.func @transform_1(%arg0: i32) -> (i32, i32) {
    %c0_i32 = arith.constant 0 : i32
    %c0_i32_0 = arith.constant 0 : i32
    %c0_i32_1 = arith.constant 0 : i32
    return %c0_i32, %c0_i32_0 : i32, i32
  }
  func.func @transform_2(%arg0: i32) -> (i32, i32) {
    %c0_i32 = arith.constant 0 : i32
    %c0_i32_0 = arith.constant 0 : i32
    return %c0_i32, %arg0 : i32, i32
  }
  func.func @transform_3(%arg0: i32) -> (i32, i32) {
    %c0_i32 = arith.constant 0 : i32
    %c0_i32_0 = arith.constant 0 : i32
    return %arg0, %c0_i32 : i32, i32
  }
}

module attributes {stable_mosaic.version = 14 : i64} {
  func.func @_finish_body(%arg0: i32, %arg1: memref<2x512x128xf32, #tpu.memory_space<vmem>>, %arg2: memref<2x512xf32, #tpu.memory_space<vmem>>, %arg3: memref<1x128xf32, #tpu.memory_space<vmem>>, %arg4: memref<512x128xf32, #tpu.memory_space<vmem>>) attributes {dimension_semantics = [#tpu.dimension_semantics<arbitrary>], iteration_bounds = array<i64: 20>, scalar_prefetch = 0 : i64, scratch_operands = 0 : i64, tpu.core_type = #tpu.core_type<tc>, window_params = [{transform_indices = @transform_0, window_bounds = array<i64: 2, 512, 128>}, {transform_indices = @transform_1, window_bounds = array<i64: 2, 512>}, {pipeline_mode = #tpu.pipeline_mode<synchronous>, transform_indices = @transform_2, window_bounds = array<i64: 1, 128>}, {transform_indices = @transform_3, window_bounds = array<i64: 512, 128>}]} {
    %get3A = arith.constant 0 : index
    %get3A_0 = arith.constant 0 : index
    %get3A_1 = vector.load %arg2[%get3A, %get3A_0] : memref<2x512xf32, #tpu.memory_space<vmem>>, vector<1x512xf32>
    %get3A_2 = arith.constant 1 : index
    %get3A_3 = arith.constant 0 : index
    %get3A_4 = vector.load %arg2[%get3A_2, %get3A_3] : memref<2x512xf32, #tpu.memory_space<vmem>>, vector<1x512xf32>
    %add3A = arith.addf %get3A_1, %get3A_4 : vector<1x512xf32>
    %gt3A = arith.constant 0.000000e+00 : f32
    %gt3A_5 = vector.broadcast %gt3A : f32 to vector<1x512xf32>
    %gt3A_6 = arith.cmpf ogt, %add3A, %gt3A_5 : vector<1x512xf32>
    %rsqrt3A = math.rsqrt %add3A : vector<1x512xf32>
    %jit3A = arith.constant 0.000000e+00 : f32
    %broadcast_in_dim3A = vector.broadcast %jit3A : f32 to vector<1x512xf32>
    %select_n3A = arith.select %gt3A_6, %rsqrt3A, %broadcast_in_dim3A : vector<1x512xi1>, vector<1x512xf32>
    %transpose3A = tpu.transpose %select_n3A, [1, 0] : vector<1x512xf32> -> vector<512x1xf32>
    %get3A_7 = arith.constant 0 : index
    %get3A_8 = arith.constant 0 : index
    %get3A_9 = arith.constant 0 : index
    %get3A_10 = vector.load %arg1[%get3A_7, %get3A_8, %get3A_9] : memref<2x512x128xf32, #tpu.memory_space<vmem>>, vector<1x512x128xf32>
    %get3A_11 = vector.shape_cast %get3A_10 : vector<1x512x128xf32> to vector<512x128xf32>
    %get3A_12 = arith.constant 1 : index
    %get3A_13 = arith.constant 0 : index
    %get3A_14 = arith.constant 0 : index
    %get3A_15 = vector.load %arg1[%get3A_12, %get3A_13, %get3A_14] : memref<2x512x128xf32, #tpu.memory_space<vmem>>, vector<1x512x128xf32>
    %get3A_16 = vector.shape_cast %get3A_15 : vector<1x512x128xf32> to vector<512x128xf32>
    %add3A_17 = arith.addf %get3A_11, %get3A_16 : vector<512x128xf32>
    %mul3A = vector.broadcast %transpose3A : vector<512x1xf32> to vector<512x128xf32>
    %mul3A_18 = arith.mulf %add3A_17, %mul3A : vector<512x128xf32>
    %get3A_19 = arith.constant 0 : index
    %get3A_20 = arith.constant 0 : index
    %get3A_21 = vector.load %arg3[%get3A_19, %get3A_20] : memref<1x128xf32, #tpu.memory_space<vmem>>, vector<1x128xf32>
    %add3A_22 = vector.broadcast %get3A_21 : vector<1x128xf32> to vector<512x128xf32>
    %add3A_23 = arith.addf %mul3A_18, %add3A_22 : vector<512x128xf32>
    %swap3A = arith.constant 0 : index
    %swap3A_24 = arith.constant 0 : index
    %swap3A_25 = vector.load %arg4[%swap3A, %swap3A_24] : memref<512x128xf32, #tpu.memory_space<vmem>>, vector<512x128xf32>
    tpu.vector_store %arg4[%swap3A, %swap3A_24], %add3A_23 {strides = array<i32>} : memref<512x128xf32, #tpu.memory_space<vmem>>, vector<512x128xf32>,
    return
  }
  func.func @transform_0(%arg0: i32) -> (i32, i32, i32) {
    %c0_i32 = arith.constant 0 : i32
    %c0_i32_0 = arith.constant 0 : i32
    %c0_i32_1 = arith.constant 0 : i32
    return %c0_i32, %arg0, %c0_i32_0 : i32, i32, i32
  }
  func.func @transform_1(%arg0: i32) -> (i32, i32) {
    %c0_i32 = arith.constant 0 : i32
    %c0_i32_0 = arith.constant 0 : i32
    return %c0_i32, %arg0 : i32, i32
  }
  func.func @transform_2(%arg0: i32) -> (i32, i32) {
    %c0_i32 = arith.constant 0 : i32
    %c0_i32_0 = arith.constant 0 : i32
    %c0_i32_1 = arith.constant 0 : i32
    return %c0_i32, %c0_i32_0 : i32, i32
  }
  func.func @transform_3(%arg0: i32) -> (i32, i32) {
    %c0_i32 = arith.constant 0 : i32
    %c0_i32_0 = arith.constant 0 : i32
    return %arg0, %c0_i32 : i32, i32
  }
}

</mosaic_0001>

<sc_bundles>
// kernel: kernel.6.cloned.1.call-start
scs
__scs_entry_jumppad:
0x0: {  	(pc) =	sbr.rel $0x88, $3  }
0x1: {  	(tag) =	ssettag $0x0;
	lr =	simm.s32 $0x1  }
0x2: {  	[smem:$0x3F9D] =	sst lr;
	_ =	strace $0xD0000000  }
0x3: {  	_ = 	snop  }
0x4: {  	_ = 	snop  }
0x5: {  	_ = 	snop  }
0x6: {  	_ = 	snop  }
0x7: {  	_ = 	snop  }
__scs_overlays_trampoline_lowered:
0x8: {  	[smem:$0x3FAC] =	sst s0  }
0x9: {  	[smem:$0x3FAD] =	sst s1  }
0xa: {  	[smem:$0x3FAE] =	sst s2  }
0xb: {  	[smem:$0x3FAF] =	sst s3  }
0xc: {  	[smem:$0x3FB0] =	sst s4  }
0xd: {  	[smem:$0x3FB1] =	sst s5  }
0xe: {  	[smem:$0x3FB2] =	sst s6  }
0xf: {  	[smem:$0x3FB3] =	sst s7  }
0x10: {  	[smem:$0x3FB4] =	sst s8  }
0x11: {  	[smem:$0x3FB5] =	sst s9;
	s0 =	simm.s32 @!p0 $0x0  }
0x12: {  	s1 =	sld [smem:$0x3F9B];
	s0 =	simm.s32 @p0 $0x1  }
0x13: {  	[smem:$0x3FB6] =	sst s0;
	s0 =	simm.s32 @!p1 $0x0  }
0x14: {  	s2 =	sld [smem:$0x3F9A];
	s0 =	simm.s32 @p1 $0x1  }
0x15: {  	[smem:$0x3FB7] =	sst s0;
	s0 =	simm.s32 @!p2 $0x0  }
0x16: {  	s3 =	sld [smem:$0x3FDB];
	s0 =	simm.s32 @p2 $0x1  }
0x17: {  	s4 =	simm.s32 $0x1BF5;
	[smem:$0x3FB9] =	sst s0  }
0x18: {  	s0 =	sld [smem:$0x3F9C];
	_ =	swait.ge [sflag:s4], $0x0  }
0x19: {  	s7 =	sld [smem:$0x3F9D]  }
0x1a: {  	s8 =	sadd.s32 $0xFFFFE003, lr  }
0x1b: {  	s9 =	sadd.s32 $0xFFFFFEF7, lr;
	s5 =	simm.s32 $0xFFFFFFFF;
	p2 =	slt.u32 s8, $0xFFFFF086  }
0x1c: {  	p1 =	slt.u32 s9, $0xF7A;
	s5 =	simm.s32 @!p2 $0x0  }
0x1d: {  	s5 =	simm.s32 @p1 $0x1;
	p0 =	seq.s32 s7, s2  }
0x1e: {  	s7 =	smul.u32 @!p0 $0xF7A, s2;
	p2 =	seq.s32 @!p0 s5, $0x0  }
0x1f: {  	s9 =	smul.u32 $0xF7A, s1;
	s8 =	simm.s32 @!p0 $0x1BF5;
	p2 =	por !p2, p0  }
0x20: {  	[sflag:s8] =	ssyncset.s32 @!p0 $0xFFFFF086;
	s6 =	sadd.s32 @!p0 s3, s7;
	s7 =	simm.s32 @!p0 $0x108  }
0x21: {  	s3 =	sadd.s32 s3, s9;
	s6 =	sadd.s32 @!p0 $0x88, s6;
	s7 =	simm.s32 @p2 $0x1082  }
0x22: {  	[simem:s7], [sflag:s8] =	dma.local @!p0 [hbm:s6], $0xF7A  }
0x23: {  	s9 =	sor.u32 $0xD0000000, s2;
	s6 =	simm.s32 $0x108;
	_ =	swait.ge @!p0 [sflag:s8], $0x0  }
0x24: {  	s3 =	sadd.s32 $0x88, s3;
	s6 =	simm.s32 @!p1 $0x1082;
	[sflag:s4] =	ssyncset.s32 $0xFFFFF086  }
0x25: {  	[simem:s6], [sflag:s4] =	dma.local [hbm:s3], $0xF7A  }
0x26: {  	[smem:$0x3F9D] =	sst s1;
	(tag) =	ssettag s2;
	_ =	strace s9  }
0x27: {  	s1 =	sld [smem:$0x3FAD]  }
0x28: {  	s2 =	sld [smem:$0x3FAE]  }
0x29: {  	s4 =	sld [smem:$0x3FB0]  }
0x2a: {  	p0 =	seq.s32 s5, $0x0;
	s5 =	sld [smem:$0x3FB1]  }
0x2b: {  	s6 =	sld [smem:$0x3FB2]  }
0x2c: {  	s7 =	sld [smem:$0x3FB3]  }
0x2d: {  	s3 =	simm.s32 $0x108;
	s8 =	sld [smem:$0x3FB4]  }
0x2e: {  	s3 =	simm.s32 @!p0 $0x1082;
	s9 =	sld [smem:$0x3FB5]  }
0x2f: {  	lr =	sadd.s32 s0, s3;
	s0 =	sld [smem:$0x3FAC]  }
0x30: {  	s3 =	sld [smem:$0x3FAF]  }
0x31: {  	[smem:$0x3FB8] =	sst s10  }
0x32: {  	s10 =	sld [smem:$0x3FB6];
	_ =	sdelay $0x3  }
0x33: {  	p0 =	seq.s32 s10, $0x1;
	s10 =	sld [smem:$0x3FB8];
	_ =	sdelay $0x3  }
0x34: {  	[smem:$0x3FB8] =	sst s10  }
0x35: {  	s10 =	sld [smem:$0x3FB7];
	_ =	sdelay $0x3  }
0x36: {  	p1 =	seq.s32 s10, $0x1;
	s10 =	sld [smem:$0x3FB8];
	_ =	sdelay $0x3  }
0x37: {  	[smem:$0x3FB8] =	sst s10  }
0x38: {  	s10 =	sld [smem:$0x3FB9]  }
0x39: {  	_ = 	snop;
	(pc) =	sbr.ind lr, $3  }
0x3a: {  	_ = 	snop  }
0x3b: {  	_ = 	snop  }
0x3c: {  	p2 =	seq.s32 s10, $0x1;
	s10 =	sld [smem:$0x3FB8]  }
0x3d: {  	_ =	shalt  }
0x3e: {  	_ =	shalt  }
0x3f: {  	_ =	shalt  }
0x40: {  	_ =	shalt  }
0x41: {  	_ =	shalt  }
0x42: {  	_ =	shalt  }
0x43: {  	_ =	shalt  }
0x44: {  	_ =	shalt  }
0x45: {  	_ =	shalt  }
0x46: {  	_ =	shalt  }
0x47: {  	_ =	shalt  }
0x48: {  	_ =	shalt  }
0x49: {  	_ =	shalt  }
0x4a: {  	_ =	shalt  }
0x4b: {  	_ =	shalt  }
0x4c: {  	_ =	shalt  }
0x4d: {  	_ =	shalt  }
0x4e: {  	_ =	shalt  }
0x4f: {  	_ =	shalt  }
0x50: {  	_ =	shalt  }
0x51: {  	_ =	shalt  }
0x52: {  	_ =	shalt  }
0x53: {  	_ =	shalt  }
0x54: {  	_ =	shalt  }
0x55: {  	_ =	shalt  }
0x56: {  	_ =	shalt  }
0x57: {  	_ =	shalt  }
0x58: {  	_ =	shalt  }
0x59: {  	_ =	shalt  }
0x5a: {  	_ =	shalt  }
0x5b: {  	_ =	shalt  }
0x5c: {  	_ =	shalt  }
0x5d: {  	_ =	shalt  }
0x5e: {  	_ =	shalt  }
0x5f: {  	_ =	shalt  }
0x60: {  	_ =	shalt  }
0x61: {  	_ =	shalt  }
0x62: {  	_ =	shalt  }
0x63: {  	_ =	shalt  }
0x64: {  	_ =	shalt  }
0x65: {  	_ =	shalt  }
0x66: {  	_ =	shalt  }
0x67: {  	_ =	shalt  }
0x68: {  	_ =	shalt  }
0x69: {  	_ =	shalt  }
0x6a: {  	_ =	shalt  }
0x6b: {  	_ =	shalt  }
0x6c: {  	_ =	shalt  }
0x6d: {  	_ =	shalt  }
0x6e: {  	_ =	shalt  }
0x6f: {  	_ =	shalt  }
0x70: {  	_ =	shalt  }
0x71: {  	_ =	shalt  }
0x72: {  	_ =	shalt  }
0x73: {  	_ =	shalt  }
0x74: {  	_ =	shalt  }
0x75: {  	_ =	shalt  }
0x76: {  	_ =	shalt  }
0x77: {  	_ =	shalt  }
0x78: {  	_ =	shalt  }
0x79: {  	_ =	shalt  }
0x7a: {  	_ =	shalt  }
0x7b: {  	_ =	shalt  }
0x7c: {  	_ =	shalt  }
0x7d: {  	_ =	shalt  }
0x7e: {  	_ =	shalt  }
0x7f: {  	_ =	shalt  }
0x80: {  	_ =	shalt  }
0x81: {  	_ =	shalt  }
0x82: {  	_ =	shalt  }
0x83: {  	_ =	shalt  }
0x84: {  	_ =	shalt  }
0x85: {  	_ =	shalt  }
0x86: {  	_ =	shalt  }
0x87: {  	_ =	shalt  }
.Lfunc_end0:
.L_simem_size_0:
called_computation_lowered:
.L_overlay_start_0:
0x88: {  	s2 =	sld [smem:$0x3FD9]  }
0x89: {  	s3 =	sld [smem:$0x3FFE];
	_ =	sdelay $0x1  }
0x8a: {  	s1 =	srdreg.scid  }
0x8b: {  	s0 =	sand.u32 $0x1, s1  }
0x8c: {  	s17 =	sshll.u32 s0, $0xA;
	s2 =	sadd.s32 s3, s2  }
0x8d: {  	s2 =	sadd.s32 s2, s17  }
0x8e: {  	[smem:$0x3FC4] =	sst s2  }
0x8f: {  	_ = 	snop  }
0x90: {  	s2 =	sld [smem:$0x3FD0];
	(tm) =	ssettm $0x1  }
0x91: {  	s18 =	sld [smem:$0x3FFB];
	_ =	sdelay $0x3  }
0x92: {  	_ =	strace s18  }
0x93: {  	s3 =	sld [smem:$0x3FFC];
	_ =	sdelay $0x3  }
0x94: {  	_ =	strace s3  }
0x95: {  	s3 =	sld [smem:$0x3FFD];
	_ =	sdelay $0x3  }
0x96: {  	_ =	strace s3  }
0x97: {  	_ =	strace $0x8FFFFFFF  }
0x98: {  	s19 =	sld [smem:$0x3FDB];
	_ =	sdelay $0x1  }
0x99: {  	s4 =	simm.s32 $_scs_section_size  }
0x9a: {  	s5 =	simm.s32 $_size__tile_overlayer_lowered;
	s6 =	simm.s32 $_tile_overlayer_lowered  }
0x9b: {  	s22 =	simm.s32 $0x1BFF;
	s21 =	sshll.u32 s6, $0x1;
	s3 =	sadd.s32 s4, s19  }
0x9c: {  	s7 =	simm.s32 $0x0;
	s20 =	sshll.u32 s5, $0x1;
	s5 =	sadd.s32 s21, s3  }
0x9d: {  	[timem:s7], [sflag:s22] =	dma.local [hbm:s5], s20  }
0x9e: {  	_ =	swait.ge [sflag:s22], s20  }
0x9f: {  	s4 =	ssub.s32 $0x0, s20;
	[sflag:s22] =	ssyncset.done $0x0  }
0xa0: {  	[sflag:s22] =	ssyncadd.s32 s4;
	_ =	sdelay $0x1  }
0xa1: {  	s23 =	simm.s32 $0x1B8B  }
0xa2: {  	_ =	swait.ge [sflag:s23], $0x1  }
0xa3: {  	[sflag:s23] =	ssyncset.done $0x0  }
0xa4: {  	s25 =	simm.s32 $0x1B8E;
	s24 =	sld [smem:$0x3FFE];
	[sflag:s23] =	ssyncadd.s32 $0xFFFFFFFF  }
0xa5: {  	s26 =	simm.s32 $execute0_lowered;
	[smem:$0x3FD2] =	sst s25  }
0xa6: {  	s5 =	sshll.u32 s26, $0x1;
	_ =	strace $0x80000046;
	[dreg:$0x1] =	wrdreg $0xFFFFFFFF  }
0xa7: {  	s28 =	simm.s32 $_size_execute0_lowered;
	s3 =	sadd.s32 s3, s5;
	[dreg:$0x0] =	wrdreg $0x0  }
0xa8: {  	s5 =	sshll.u32 s28, $0x1;
	[dreg:$0x2] =	wrdreg s3  }
0xa9: {  	[dreg:$0x3] =	wrdreg s5  }
0xaa: {  	[dreg:$0x4] =	wrdreg $0xC0  }
0xab: {  	_ =	task [dreg:s7], $0x5FFFF  }
0xac: {  	[dreg:$0x1] =	wrdreg $0xFFFFFFFF  }
0xad: {  	[dreg:$0x0] =	wrdreg $0x60  }
0xae: {  	[dreg:$0x2] =	wrdreg s24  }
0xaf: {  	[dreg:$0x3] =	wrdreg s2  }
0xb0: {  	[dreg:$0x4] =	wrdreg $0xF7000  }
0xb1: {  	[dreg:$0x5] =	wrdreg $0x9  }
0xb2: {  	_ =	task.clear_ibuf [dreg:s7], $0x6FFFF;
	_ =	strace $0x90000046  }
0xb3: {  	s29 =	simm.s32 $0x9;
	_ =	strace $0x80000048  }
0xb4: {  	_ =	swait.ge [sflag:s29], $0x1  }
0xb5: {  	[sflag:s29] =	ssyncadd.s32 $0xFFFFFFFF  }
0xb6: {  	_ =	strace $0x90000048  }
0xb7: {  	_ =	sfence  }
0xb8: {  	s30 =	sld [smem:$0x0];
	_ =	sdelay $0x2  }
0xb9: {  	s31 =	sshll.u32 s1, $0xD;
	s1 =	sshrl.u32 s1, $0x2  }
0xba: {  	s3 =	sand.u32 $0x4000, s31;
	s1 =	sadd.s32 s1, s30  }
0xbb: {  	s0 =	sor.u32 s3, s0;
	s1 =	sshll.u32 s1, $0x11  }
0xbc: {  	s0 =	sor.u32 s1, s0  }
0xbd: {  	s0 =	sadd.s32 $0x8F2B, s0  }
0xbe: {  	[sflag:s0] =	ssyncadd.remote.s32 $0x1  }
0xbf: {  	_ =	sfence.sel $0xFFFF  }
0xc0: {  	[dreg:$0x0] =	wrdreg $0xFFFFFFFF;
	(pc) =	sbr.abs _section_cstart, $3  }
0xc1: {  	[dreg:$0x1] =	wrdreg $0xFFFFFFFF  }
0xc2: {  	_ =	task.clear_ibuf [dreg:s7], $0x2FFFF;
	_ =	strace $0x9FFFFFFF  }
0xc3: {  	(tm) =	ssettm $0x7FFFFFFF  }
tec
execute0_lowered:
.L_overlay_start_1:
0x0: {  	(tag) =	ssettag $0x1  }
0x1: {  	s3 =	rddreg [dreg:$0x0]  }
0x2: {  	s0 =	srdreg.scid;
	s6 =	rddreg [dreg:$0x1]  }
0x3: {  	s5 =	rddreg [dreg:$0x2];
	s1 =	stileid.u32;
	s2 =	simm.s32 $0x0  }
0x4: {  	s12 =	simm.s32 $0xF480;
	s13 =	simm.s32 $0x100;
	s14 =	simm.s32 $0xF200  }
0x5: {  	s15 =	simm.s32 $0x0;
	s4 =	sand.u32 $0x1, s0;
	s0 =	rddreg [dreg:$0x3]  }
0x6: {  	[smem:$0x7FF] =	sst s2;
	s9 =	sshrl.u32 s1, $0x3;
	s28 =	smul.u32 $0x500, s1  }
0x7: {  	s10 =	sshll.u32 s1, $0x7;
	s11 =	smul.u32 $0x5000, s1;
	s7 =	sshll.u32 s4, $0x4  }
0x8: {  	_ =	strace $0x80000047;
	s8 =	ssub.s32 $0x2, s4;
	s9 =	smul.u32 $0x50000, s9  }
0x9: {  	s4 =	sshll.u32 s4, $0x7;
	s10 =	sand.u32 $0x380, s10;
	s7 =	sor.u32 s1, s7  }
0xa: {  	s26 =	sshrl.u32 s8, $0x1;
	s4 =	sor.u32 s4, s28;
	s30 =	sshrl.u32 s11, $0x2  }
0xb: {  	s11 =	simm.s32 $0x400;
	s7 =	smul.u32 $0x4E2, s7;
	s9 =	sshrl.u32 s9, $0x2  }
0xc: {  	s31 =	sshrl.u32 s4, $0x3;
	s29 =	sadd.s32 s9, s5;
	s5 =	sadd.s32 s30, s5  }
0xd: {  	s6 =	sadd.s32 s6, s31;
	s9 =	simm.s32 $0x1;
	s3 =	sadd.s32 s7, s3  }
0xe: {  	v0 =	vimm.f32 $0.0e+00;
	vm0 =	vcmask $0x300;
	s7 =	ssub.s32 s8, s26;
	s4 =	sadd.s32 s10, s29;
	s8 =	simm.s32 $0xCA80  }
0xf: {  	v1 =	vsel vm0, $0x3F800000, v0;
	s10 =	simm.s32 $0x80;
	s3 =	sadd.s32 $0x1A00, s3;
	s7 =	smax.u32 s7, $0x1  }
.LBB2_1:
0x10: {  	s17 =	simm.s32 $0x40;
	s16 =	simm.s32 $0x0  }
.LBB2_2:
0x11: {  	p0 =	sne.s32 s17, $0xA000;
	[tilespmem:s16+$0xA200] =	vst v0;
	s18 =	smov.u32 s17;
	s17 =	sadd.s32 $0x40, s17  }
.Ltmp0:
0x12: {  	[tilespmem:s16+$0x7980] =	vst v0;
	(pc) =	sbr.rel @p0 .LBB2_2-.Ltmp0, $4  }
0x13: {  	[tilespmem:s16+$0x5100] =	vst v0  }
0x14: {  	[tilespmem:s16+$0x0] =	vst v0  }
0x15: {  	[tilespmem:s16+$0x2880] =	vst v0  }
0x16: {  	s16 =	sshra.s32 s18, $0x2  }
0x17: {  	[tilespmem:s16+$0xA200] =	vst v0  }
0x18: {  	[tilespmem:s16+$0x7980] =	vst v0  }
0x19: {  	[tilespmem:s16+$0x5100] =	vst v0  }
0x1a: {  	[tilespmem:s16+$0x0] =	vst v0  }
0x1b: {  	[tilespmem:s16+$0x2880] =	vst v0  }
0x1c: {  	[tilespmem:s8], [sflag:$0x1] =	stream.linear.gather [hbm4b:s3+s2], $0x2710, $0x38;
	[tilespmem:$0x11F00] =	vst v63  }
0x1d: {  	_ =	swait.ge [sflag:s9], $0x2710  }
0x1e: {  	[sflag:s9] =	ssyncset.done $0x0  }
0x1f: {  	s16 =	simm.s32 $0xFFFFE0C0;
	[sflag:s9] =	ssyncadd.s32 $0xFFFFD8F0  }
.LBB2_4:
0x20: {  	s17 =	sshra.s32 s16, $0x2  }
0x21: {  	v2 =	vld [tilespmem:s17+$0xD250];
	_ =	sdelay $0x4  }
0x22: {  	(v2sf) =	vpush v2, $0x0  }
0x23: {  	v3 =	vld [tilespmem:s17+$0xDA20];
	_ =	sdelay $0x4  }
0x24: {  	v4 =	vadd.s32 $0x2880, v3  }
0x25: {  	(v2sf) =	vpush v4, $0x1  }
0x26: {  	(v2sf) =	vpush v4, $0x0  }
0x27: {  	v3 =	vld [tilespmem:s17+$0xE1F0];
	_ =	sdelay $0x4  }
0x28: {  	v3 =	vadd.s32 $0x5100, v3  }
0x29: {  	s18 =	spop (v2sf);
	(v2sf) =	vpush v3, $0x1  }
0x2a: {  	v5 =	vld [tilespmem:s18+$0x0];
	(v2sf) =	vpush v3, $0x0  }
0x2b: {  	v6 =	vld [tilespmem:s17+$0xE9C0];
	_ =	sdelay $0x3  }
0x2c: {  	v7 =	vadd.f32 v1, v5  }
0x2d: {  	v59 =	vadd.s32 $0x7980, v6;
	s25 =	spop (v2sf)  }
0x2e: {  	v8 =	vld [tilespmem:s17+$0xF190];
	s26 =	spop (v2sf);
	(v2sf) =	vpush v59, $0x1;
	[tilespmem:s18+$0x0] =	vst v7  }
0x2f: {  	(v2sf) =	vpush v59, $0x0;
	v60 =	vld [tilespmem:s26+$0x0];
	_ =	sdelay $0x4  }
0x30: {  	v61 =	vadd.f32 v1, v60  }
0x31: {  	v62 =	vadd.s32 $0xA200, v8;
	s19 =	spop (v2sf)  }
0x32: {  	(v2sf) =	vpush v62, $0x1;
	[tilespmem:s26+$0x0] =	vst v61;
	s28 =	spop (v2sf)  }
0x33: {  	(v2sf) =	vpush v62, $0x0;
	v7 =	vld [tilespmem:s28+$0x0];
	_ =	sdelay $0x4  }
0x34: {  	v7 =	vadd.f32 v1, v7  }
0x35: {  	s20 =	spop (v2sf)  }
0x36: {  	s29 =	spop (v2sf);
	[tilespmem:s28+$0x0] =	vst v7  }
0x37: {  	(v2sf) =	vpush v2, $0x1;
	v7 =	vld [tilespmem:s29+$0x0];
	_ =	sdelay $0x4  }
0x38: {  	v7 =	vadd.f32 v1, v7  }
0x39: {  	s21 =	spop (v2sf)  }
0x3a: {  	s30 =	spop (v2sf);
	[tilespmem:s29+$0x0] =	vst v7  }
0x3b: {  	v7 =	vld [tilespmem:s30+$0x0];
	_ =	sdelay $0x4  }
0x3c: {  	v7 =	vadd.f32 v1, v7;
	_ =	sdelay $0x1  }
0x3d: {  	s31 =	spop (v2sf);
	[tilespmem:s30+$0x0] =	vst v7  }
0x3e: {  	v7 =	vld [tilespmem:s31+$0x0];
	_ =	sdelay $0x4  }
0x3f: {  	v7 =	vadd.f32 v1, v7;
	_ =	sdelay $0x1  }
0x40: {  	[tilespmem:s31+$0x0] =	vst v7  }
0x41: {  	v7 =	vld [tilespmem:s25+$0x0];
	_ =	sdelay $0x4  }
0x42: {  	v7 =	vadd.f32 v1, v7;
	_ =	sdelay $0x1  }
0x43: {  	[tilespmem:s25+$0x0] =	vst v7  }
0x44: {  	v7 =	vld [tilespmem:s19+$0x0];
	_ =	sdelay $0x4  }
0x45: {  	v7 =	vadd.f32 v1, v7;
	_ =	sdelay $0x1  }
0x46: {  	[tilespmem:s19+$0x0] =	vst v7  }
0x47: {  	(v2sf) =	vpush v2, $0x2;
	v7 =	vld [tilespmem:s20+$0x0];
	_ =	sdelay $0x4  }
0x48: {  	v7 =	vadd.f32 v1, v7;
	_ =	sdelay $0x1  }
0x49: {  	(v2sf) =	vpush v4, $0x3;
	[tilespmem:s20+$0x0] =	vst v7  }
0x4a: {  	(v2sf) =	vpush v4, $0x2;
	v7 =	vld [tilespmem:s21+$0x0];
	_ =	sdelay $0x4  }
0x4b: {  	v7 =	vadd.f32 v1, v7;
	_ =	sdelay $0x1  }
0x4c: {  	(v2sf) =	vpush v3, $0x3;
	[tilespmem:s21+$0x0] =	vst v7;
	s21 =	spop (v2sf)  }
0x4d: {  	(v2sf) =	vpush v3, $0x2;
	v7 =	vld [tilespmem:s21+$0x0];
	_ =	sdelay $0x4  }
0x4e: {  	v7 =	vadd.f32 v1, v7  }
0x4f: {  	s22 =	spop (v2sf)  }
0x50: {  	(v2sf) =	vpush v59, $0x3;
	s23 =	spop (v2sf);
	[tilespmem:s21+$0x0] =	vst v7  }
0x51: {  	(v2sf) =	vpush v59, $0x2;
	v7 =	vld [tilespmem:s23+$0x0];
	_ =	sdelay $0x4  }
0x52: {  	v7 =	vadd.f32 v1, v7  }
0x53: {  	s24 =	spop (v2sf)  }
0x54: {  	(v2sf) =	vpush v62, $0x3;
	s25 =	spop (v2sf);
	[tilespmem:s23+$0x0] =	vst v7  }
0x55: {  	(v2sf) =	vpush v62, $0x2;
	v7 =	vld [tilespmem:s25+$0x0];
	_ =	sdelay $0x4  }
0x56: {  	v7 =	vadd.f32 v1, v7  }
0x57: {  	s26 =	spop (v2sf)  }
0x58: {  	s28 =	spop (v2sf);
	[tilespmem:s25+$0x0] =	vst v7  }
0x59: {  	(v2sf) =	vpush v2, $0x3;
	v7 =	vld [tilespmem:s28+$0x0];
	_ =	sdelay $0x4  }
0x5a: {  	v7 =	vadd.f32 v1, v7  }
0x5b: {  	s29 =	spop (v2sf)  }
0x5c: {  	s30 =	spop (v2sf);
	[tilespmem:s28+$0x0] =	vst v7  }
0x5d: {  	v7 =	vld [tilespmem:s30+$0x0];
	_ =	sdelay $0x4  }
0x5e: {  	v7 =	vadd.f32 v1, v7;
	_ =	sdelay $0x1  }
0x5f: {  	s31 =	spop (v2sf);
	[tilespmem:s30+$0x0] =	vst v7  }
0x60: {  	v7 =	vld [tilespmem:s31+$0x0];
	_ =	sdelay $0x4  }
0x61: {  	v7 =	vadd.f32 v1, v7;
	_ =	sdelay $0x1  }
0x62: {  	[tilespmem:s31+$0x0] =	vst v7  }
0x63: {  	v7 =	vld [tilespmem:s22+$0x0];
	_ =	sdelay $0x4  }
0x64: {  	v7 =	vadd.f32 v1, v7;
	_ =	sdelay $0x1  }
0x65: {  	[tilespmem:s22+$0x0] =	vst v7  }
0x66: {  	v7 =	vld [tilespmem:s24+$0x0];
	_ =	sdelay $0x4  }
0x67: {  	v7 =	vadd.f32 v1, v7;
	_ =	sdelay $0x1  }
0x68: {  	[tilespmem:s24+$0x0] =	vst v7  }
0x69: {  	(v2sf) =	vpush v2, $0x4;
	v7 =	vld [tilespmem:s26+$0x0];
	_ =	sdelay $0x4  }
0x6a: {  	v7 =	vadd.f32 v1, v7;
	_ =	sdelay $0x1  }
0x6b: {  	(v2sf) =	vpush v4, $0x5;
	[tilespmem:s26+$0x0] =	vst v7  }
0x6c: {  	(v2sf) =	vpush v4, $0x4;
	v7 =	vld [tilespmem:s29+$0x0];
	_ =	sdelay $0x4  }
0x6d: {  	v7 =	vadd.f32 v1, v7;
	_ =	sdelay $0x1  }
0x6e: {  	(v2sf) =	vpush v3, $0x5;
	s21 =	spop (v2sf);
	[tilespmem:s29+$0x0] =	vst v7  }
0x6f: {  	(v2sf) =	vpush v3, $0x4;
	v7 =	vld [tilespmem:s21+$0x0];
	_ =	sdelay $0x4  }
0x70: {  	v7 =	vadd.f32 v1, v7  }
0x71: {  	s22 =	spop (v2sf)  }
0x72: {  	(v2sf) =	vpush v59, $0x5;
	s23 =	spop (v2sf);
	[tilespmem:s21+$0x0] =	vst v7  }
0x73: {  	(v2sf) =	vpush v59, $0x4;
	v7 =	vld [tilespmem:s23+$0x0];
	_ =	sdelay $0x4  }
0x74: {  	v7 =	vadd.f32 v1, v7  }
0x75: {  	s24 =	spop (v2sf)  }
0x76: {  	(v2sf) =	vpush v62, $0x5;
	s25 =	spop (v2sf);
	[tilespmem:s23+$0x0] =	vst v7  }
0x77: {  	(v2sf) =	vpush v62, $0x4;
	v7 =	vld [tilespmem:s25+$0x0];
	_ =	sdelay $0x4  }
0x78: {  	v7 =	vadd.f32 v1, v7  }
0x79: {  	s26 =	spop (v2sf)  }
0x7a: {  	s28 =	spop (v2sf);
	[tilespmem:s25+$0x0] =	vst v7  }
0x7b: {  	(v2sf) =	vpush v2, $0x5;
	v7 =	vld [tilespmem:s28+$0x0];
	_ =	sdelay $0x4  }
0x7c: {  	v7 =	vadd.f32 v1, v7  }
0x7d: {  	s29 =	spop (v2sf)  }
0x7e: {  	s30 =	spop (v2sf);
	[tilespmem:s28+$0x0] =	vst v7  }
0x7f: {  	v7 =	vld [tilespmem:s30+$0x0];
	_ =	sdelay $0x4  }
0x80: {  	v7 =	vadd.f32 v1, v7;
	_ =	sdelay $0x1  }
0x81: {  	s31 =	spop (v2sf);
	[tilespmem:s30+$0x0] =	vst v7  }
0x82: {  	v7 =	vld [tilespmem:s31+$0x0];
	_ =	sdelay $0x4  }
0x83: {  	v7 =	vadd.f32 v1, v7;
	_ =	sdelay $0x1  }
0x84: {  	[tilespmem:s31+$0x0] =	vst v7  }
0x85: {  	v7 =	vld [tilespmem:s22+$0x0];
	_ =	sdelay $0x4  }
0x86: {  	v7 =	vadd.f32 v1, v7;
	_ =	sdelay $0x1  }
0x87: {  	[tilespmem:s22+$0x0] =	vst v7  }
0x88: {  	v7 =	vld [tilespmem:s24+$0x0];
	_ =	sdelay $0x4  }
0x89: {  	v7 =	vadd.f32 v1, v7;
	_ =	sdelay $0x1  }
0x8a: {  	[tilespmem:s24+$0x0] =	vst v7  }
0x8b: {  	(v2sf) =	vpush v2, $0x6;
	v7 =	vld [tilespmem:s26+$0x0];
	_ =	sdelay $0x4  }
0x8c: {  	v7 =	vadd.f32 v1, v7;
	_ =	sdelay $0x1  }
0x8d: {  	(v2sf) =	vpush v4, $0x7;
	[tilespmem:s26+$0x0] =	vst v7  }
0x8e: {  	(v2sf) =	vpush v4, $0x6;
	v7 =	vld [tilespmem:s29+$0x0];
	_ =	sdelay $0x4  }
0x8f: {  	v7 =	vadd.f32 v1, v7;
	_ =	sdelay $0x1  }
0x90: {  	(v2sf) =	vpush v3, $0x7;
	s21 =	spop (v2sf);
	[tilespmem:s29+$0x0] =	vst v7  }
0x91: {  	(v2sf) =	vpush v3, $0x6;
	v7 =	vld [tilespmem:s21+$0x0];
	_ =	sdelay $0x4  }
0x92: {  	v7 =	vadd.f32 v1, v7  }
0x93: {  	s22 =	spop (v2sf)  }
0x94: {  	(v2sf) =	vpush v59, $0x7;
	s23 =	spop (v2sf);
	[tilespmem:s21+$0x0] =	vst v7  }
0x95: {  	(v2sf) =	vpush v59, $0x6;
	v7 =	vld [tilespmem:s23+$0x0];
	_ =	sdelay $0x4  }
0x96: {  	v7 =	vadd.f32 v1, v7  }
0x97: {  	s24 =	spop (v2sf)  }
0x98: {  	(v2sf) =	vpush v62, $0x7;
	s25 =	spop (v2sf);
	[tilespmem:s23+$0x0] =	vst v7  }
0x99: {  	(v2sf) =	vpush v62, $0x6;
	v7 =	vld [tilespmem:s25+$0x0];
	_ =	sdelay $0x4  }
0x9a: {  	v7 =	vadd.f32 v1, v7  }
0x9b: {  	s26 =	spop (v2sf)  }
0x9c: {  	s28 =	spop (v2sf);
	[tilespmem:s25+$0x0] =	vst v7  }
0x9d: {  	(v2sf) =	vpush v2, $0x7;
	v7 =	vld [tilespmem:s28+$0x0];
	_ =	sdelay $0x4  }
0x9e: {  	v7 =	vadd.f32 v1, v7  }
0x9f: {  	s29 =	spop (v2sf)  }
0xa0: {  	s30 =	spop (v2sf);
	[tilespmem:s28+$0x0] =	vst v7  }
0xa1: {  	v7 =	vld [tilespmem:s30+$0x0];
	_ =	sdelay $0x4  }
0xa2: {  	v7 =	vadd.f32 v1, v7;
	_ =	sdelay $0x1  }
0xa3: {  	s31 =	spop (v2sf);
	[tilespmem:s30+$0x0] =	vst v7  }
0xa4: {  	v7 =	vld [tilespmem:s31+$0x0];
	_ =	sdelay $0x4  }
0xa5: {  	v7 =	vadd.f32 v1, v7;
	_ =	sdelay $0x1  }
0xa6: {  	[tilespmem:s31+$0x0] =	vst v7  }
0xa7: {  	v7 =	vld [tilespmem:s22+$0x0];
	_ =	sdelay $0x4  }
0xa8: {  	v7 =	vadd.f32 v1, v7;
	_ =	sdelay $0x1  }
0xa9: {  	[tilespmem:s22+$0x0] =	vst v7  }
0xaa: {  	v7 =	vld [tilespmem:s24+$0x0];
	_ =	sdelay $0x4  }
0xab: {  	v7 =	vadd.f32 v1, v7;
	_ =	sdelay $0x1  }
0xac: {  	[tilespmem:s24+$0x0] =	vst v7  }
0xad: {  	(v2sf) =	vpush v2, $0x8;
	v7 =	vld [tilespmem:s26+$0x0];
	_ =	sdelay $0x4  }
0xae: {  	v7 =	vadd.f32 v1, v7;
	_ =	sdelay $0x1  }
0xaf: {  	(v2sf) =	vpush v4, $0x9;
	[tilespmem:s26+$0x0] =	vst v7  }
0xb0: {  	(v2sf) =	vpush v4, $0x8;
	v7 =	vld [tilespmem:s29+$0x0];
	_ =	sdelay $0x4  }
0xb1: {  	v7 =	vadd.f32 v1, v7;
	_ =	sdelay $0x1  }
0xb2: {  	(v2sf) =	vpush v3, $0x9;
	s21 =	spop (v2sf);
	[tilespmem:s29+$0x0] =	vst v7  }
0xb3: {  	(v2sf) =	vpush v3, $0x8;
	v7 =	vld [tilespmem:s21+$0x0];
	_ =	sdelay $0x4  }
0xb4: {  	v7 =	vadd.f32 v1, v7  }
0xb5: {  	s22 =	spop (v2sf)  }
0xb6: {  	(v2sf) =	vpush v59, $0x9;
	s23 =	spop (v2sf);
	[tilespmem:s21+$0x0] =	vst v7  }
0xb7: {  	(v2sf) =	vpush v59, $0x8;
	v7 =	vld [tilespmem:s23+$0x0];
	_ =	sdelay $0x4  }
0xb8: {  	v7 =	vadd.f32 v1, v7  }
0xb9: {  	s24 =	spop (v2sf)  }
0xba: {  	(v2sf) =	vpush v62, $0x9;
	s25 =	spop (v2sf);
	[tilespmem:s23+$0x0] =	vst v7  }
0xbb: {  	(v2sf) =	vpush v62, $0x8;
	v7 =	vld [tilespmem:s25+$0x0];
	_ =	sdelay $0x4  }
0xbc: {  	v7 =	vadd.f32 v1, v7  }
0xbd: {  	s26 =	spop (v2sf)  }
0xbe: {  	s28 =	spop (v2sf);
	[tilespmem:s25+$0x0] =	vst v7  }
0xbf: {  	(v2sf) =	vpush v2, $0x9;
	v7 =	vld [tilespmem:s28+$0x0];
	_ =	sdelay $0x4  }
0xc0: {  	v7 =	vadd.f32 v1, v7  }
0xc1: {  	s29 =	spop (v2sf)  }
0xc2: {  	s30 =	spop (v2sf);
	[tilespmem:s28+$0x0] =	vst v7  }
0xc3: {  	v7 =	vld [tilespmem:s30+$0x0];
	_ =	sdelay $0x4  }
0xc4: {  	v7 =	vadd.f32 v1, v7;
	_ =	sdelay $0x1  }
0xc5: {  	s31 =	spop (v2sf);
	[tilespmem:s30+$0x0] =	vst v7  }
0xc6: {  	v7 =	vld [tilespmem:s31+$0x0];
	_ =	sdelay $0x4  }
0xc7: {  	v7 =	vadd.f32 v1, v7;
	_ =	sdelay $0x1  }
0xc8: {  	[tilespmem:s31+$0x0] =	vst v7  }
0xc9: {  	v7 =	vld [tilespmem:s22+$0x0];
	_ =	sdelay $0x4  }
0xca: {  	v7 =	vadd.f32 v1, v7;
	_ =	sdelay $0x1  }
0xcb: {  	[tilespmem:s22+$0x0] =	vst v7  }
0xcc: {  	v7 =	vld [tilespmem:s24+$0x0];
	_ =	sdelay $0x4  }
0xcd: {  	v7 =	vadd.f32 v1, v7;
	_ =	sdelay $0x1  }
0xce: {  	[tilespmem:s24+$0x0] =	vst v7  }
0xcf: {  	(v2sf) =	vpush v2, $0xA;
	v7 =	vld [tilespmem:s26+$0x0];
	_ =	sdelay $0x4  }
0xd0: {  	v7 =	vadd.f32 v1, v7;
	_ =	sdelay $0x1  }
0xd1: {  	(v2sf) =	vpush v4, $0xB;
	[tilespmem:s26+$0x0] =	vst v7  }
0xd2: {  	(v2sf) =	vpush v4, $0xA;
	v7 =	vld [tilespmem:s29+$0x0];
	_ =	sdelay $0x4  }
0xd3: {  	v7 =	vadd.f32 v1, v7;
	_ =	sdelay $0x1  }
0xd4: {  	(v2sf) =	vpush v3, $0xB;
	s21 =	spop (v2sf);
	[tilespmem:s29+$0x0] =	vst v7  }
0xd5: {  	(v2sf) =	vpush v3, $0xA;
	v7 =	vld [tilespmem:s21+$0x0];
	_ =	sdelay $0x4  }
0xd6: {  	v7 =	vadd.f32 v1, v7  }
0xd7: {  	s22 =	spop (v2sf)  }
0xd8: {  	(v2sf) =	vpush v59, $0xB;
	s23 =	spop (v2sf);
	[tilespmem:s21+$0x0] =	vst v7  }
0xd9: {  	(v2sf) =	vpush v59, $0xA;
	v7 =	vld [tilespmem:s23+$0x0];
	_ =	sdelay $0x4  }
0xda: {  	v7 =	vadd.f32 v1, v7  }
0xdb: {  	s24 =	spop (v2sf)  }
0xdc: {  	(v2sf) =	vpush v62, $0xB;
	s25 =	spop (v2sf);
	[tilespmem:s23+$0x0] =	vst v7  }
0xdd: {  	(v2sf) =	vpush v62, $0xA;
	v7 =	vld [tilespmem:s25+$0x0];
	_ =	sdelay $0x4  }
0xde: {  	v7 =	vadd.f32 v1, v7  }
0xdf: {  	s26 =	spop (v2sf)  }
0xe0: {  	s28 =	spop (v2sf);
	[tilespmem:s25+$0x0] =	vst v7  }
0xe1: {  	(v2sf) =	vpush v2, $0xB;
	v7 =	vld [tilespmem:s28+$0x0];
	_ =	sdelay $0x4  }
0xe2: {  	v7 =	vadd.f32 v1, v7  }
0xe3: {  	s29 =	spop (v2sf)  }
0xe4: {  	s30 =	spop (v2sf);
	[tilespmem:s28+$0x0] =	vst v7  }
0xe5: {  	v7 =	vld [tilespmem:s30+$0x0];
	_ =	sdelay $0x4  }
0xe6: {  	v7 =	vadd.f32 v1, v7;
	_ =	sdelay $0x1  }
0xe7: {  	s31 =	spop (v2sf);
	[tilespmem:s30+$0x0] =	vst v7  }
0xe8: {  	v7 =	vld [tilespmem:s31+$0x0];
	_ =	sdelay $0x4  }
0xe9: {  	v7 =	vadd.f32 v1, v7;
	_ =	sdelay $0x1  }
0xea: {  	[tilespmem:s31+$0x0] =	vst v7  }
0xeb: {  	v7 =	vld [tilespmem:s22+$0x0];
	_ =	sdelay $0x4  }
0xec: {  	v7 =	vadd.f32 v1, v7;
	_ =	sdelay $0x1  }
0xed: {  	[tilespmem:s22+$0x0] =	vst v7  }
0xee: {  	v7 =	vld [tilespmem:s24+$0x0];
	_ =	sdelay $0x4  }
0xef: {  	v7 =	vadd.f32 v1, v7;
	_ =	sdelay $0x1  }
0xf0: {  	[tilespmem:s24+$0x0] =	vst v7  }
0xf1: {  	(v2sf) =	vpush v2, $0xC;
	v7 =	vld [tilespmem:s26+$0x0];
	_ =	sdelay $0x4  }
0xf2: {  	v7 =	vadd.f32 v1, v7;
	_ =	sdelay $0x1  }
0xf3: {  	(v2sf) =	vpush v4, $0xD;
	[tilespmem:s26+$0x0] =	vst v7  }
0xf4: {  	(v2sf) =	vpush v4, $0xC;
	v7 =	vld [tilespmem:s29+$0x0];
	_ =	sdelay $0x4  }
0xf5: {  	v7 =	vadd.f32 v1, v7;
	_ =	sdelay $0x1  }
0xf6: {  	(v2sf) =	vpush v3, $0xD;
	s21 =	spop (v2sf);
	[tilespmem:s29+$0x0] =	vst v7  }
0xf7: {  	(v2sf) =	vpush v3, $0xC;
	v7 =	vld [tilespmem:s21+$0x0];
	_ =	sdelay $0x4  }
0xf8: {  	v7 =	vadd.f32 v1, v7  }
0xf9: {  	s22 =	spop (v2sf)  }
0xfa: {  	(v2sf) =	vpush v59, $0xD;
	s23 =	spop (v2sf);
	[tilespmem:s21+$0x0] =	vst v7  }
0xfb: {  	(v2sf) =	vpush v59, $0xC;
	v7 =	vld [tilespmem:s23+$0x0];
	_ =	sdelay $0x4  }
0xfc: {  	v7 =	vadd.f32 v1, v7  }
0xfd: {  	s24 =	spop (v2sf)  }
0xfe: {  	(v2sf) =	vpush v62, $0xD;
	s25 =	spop (v2sf);
	[tilespmem:s23+$0x0] =	vst v7  }
0xff: {  	(v2sf) =	vpush v62, $0xC;
	v7 =	vld [tilespmem:s25+$0x0];
	_ =	sdelay $0x4  }
0x100: {  	v7 =	vadd.f32 v1, v7  }
0x101: {  	s26 =	spop (v2sf)  }
0x102: {  	s28 =	spop (v2sf);
	[tilespmem:s25+$0x0] =	vst v7  }
0x103: {  	(v2sf) =	vpush v2, $0xD;
	v7 =	vld [tilespmem:s28+$0x0];
	_ =	sdelay $0x4  }
0x104: {  	v7 =	vadd.f32 v1, v7  }
0x105: {  	s29 =	spop (v2sf)  }
0x106: {  	s30 =	spop (v2sf);
	[tilespmem:s28+$0x0] =	vst v7  }
0x107: {  	v7 =	vld [tilespmem:s30+$0x0];
	_ =	sdelay $0x4  }
0x108: {  	v7 =	vadd.f32 v1, v7;
	_ =	sdelay $0x1  }
0x109: {  	s31 =	spop (v2sf);
	[tilespmem:s30+$0x0] =	vst v7  }
0x10a: {  	v7 =	vld [tilespmem:s31+$0x0];
	_ =	sdelay $0x4  }
0x10b: {  	v7 =	vadd.f32 v1, v7;
	_ =	sdelay $0x1  }
0x10c: {  	[tilespmem:s31+$0x0] =	vst v7  }
0x10d: {  	v7 =	vld [tilespmem:s22+$0x0];
	_ =	sdelay $0x4  }
0x10e: {  	v7 =	vadd.f32 v1, v7;
	_ =	sdelay $0x1  }
0x10f: {  	[tilespmem:s22+$0x0] =	vst v7  }
0x110: {  	v7 =	vld [tilespmem:s24+$0x0];
	_ =	sdelay $0x4  }
0x111: {  	v7 =	vadd.f32 v1, v7;
	_ =	sdelay $0x1  }
0x112: {  	[tilespmem:s24+$0x0] =	vst v7  }
0x113: {  	(v2sf) =	vpush v2, $0xE;
	v7 =	vld [tilespmem:s26+$0x0];
	_ =	sdelay $0x4  }
0x114: {  	v7 =	vadd.f32 v1, v7;
	_ =	sdelay $0x1  }
0x115: {  	(v2sf) =	vpush v4, $0xF;
	[tilespmem:s26+$0x0] =	vst v7  }
0x116: {  	(v2sf) =	vpush v4, $0xE;
	v7 =	vld [tilespmem:s29+$0x0];
	_ =	sdelay $0x4  }
0x117: {  	v63 =	vadd.f32 v1, v7;
	_ =	sdelay $0x1  }
0x118: {  	(v2sf) =	vpush v3, $0xF;
	s21 =	spop (v2sf);
	[tilespmem:s29+$0x0] =	vst v63  }
0x119: {  	(v2sf) =	vpush v3, $0xE;
	v4 =	vld [tilespmem:s21+$0x0];
	_ =	sdelay $0x4  }
0x11a: {  	v3 =	vadd.f32 v1, v4  }
0x11b: {  	s22 =	spop (v2sf)  }
0x11c: {  	(v2sf) =	vpush v59, $0xF;
	s23 =	spop (v2sf);
	[tilespmem:s21+$0x0] =	vst v3  }
0x11d: {  	(v2sf) =	vpush v59, $0xE;
	v3 =	vld [tilespmem:s23+$0x0];
	_ =	sdelay $0x4  }
0x11e: {  	v3 =	vadd.f32 v1, v3  }
0x11f: {  	s24 =	spop (v2sf)  }
0x120: {  	(v2sf) =	vpush v62, $0xF;
	s25 =	spop (v2sf);
	[tilespmem:s23+$0x0] =	vst v3  }
0x121: {  	(v2sf) =	vpush v62, $0xE;
	v3 =	vld [tilespmem:s25+$0x0];
	_ =	sdelay $0x4  }
0x122: {  	v3 =	vadd.f32 v1, v3  }
0x123: {  	s26 =	spop (v2sf)  }
0x124: {  	s28 =	spop (v2sf);
	[tilespmem:s25+$0x0] =	vst v3  }
0x125: {  	(v2sf) =	vpush v2, $0xF;
	v3 =	vld [tilespmem:s28+$0x0];
	_ =	sdelay $0x4  }
0x126: {  	v2 =	vadd.f32 v1, v3  }
0x127: {  	s29 =	spop (v2sf)  }
0x128: {  	s30 =	spop (v2sf);
	[tilespmem:s28+$0x0] =	vst v2  }
0x129: {  	v2 =	vld [tilespmem:s30+$0x0];
	_ =	sdelay $0x4  }
0x12a: {  	v2 =	vadd.f32 v1, v2;
	_ =	sdelay $0x1  }
0x12b: {  	s31 =	spop (v2sf);
	[tilespmem:s30+$0x0] =	vst v2  }
0x12c: {  	v2 =	vld [tilespmem:s31+$0x0];
	_ =	sdelay $0x4  }
0x12d: {  	v2 =	vadd.f32 v1, v2;
	_ =	sdelay $0x1  }
0x12e: {  	[tilespmem:s31+$0x0] =	vst v2  }
0x12f: {  	v2 =	vld [tilespmem:s22+$0x0];
	_ =	sdelay $0x4  }
0x130: {  	v2 =	vadd.f32 v1, v2;
	_ =	sdelay $0x1  }
0x131: {  	[tilespmem:s22+$0x0] =	vst v2  }
0x132: {  	v2 =	vld [tilespmem:s24+$0x0];
	_ =	sdelay $0x4  }
0x133: {  	v2 =	vadd.f32 v1, v2;
	_ =	sdelay $0x1  }
0x134: {  	[tilespmem:s24+$0x0] =	vst v2  }
0x135: {  	v2 =	vld [tilespmem:s26+$0x0];
	_ =	sdelay $0x4  }
0x136: {  	v2 =	vadd.f32 v1, v2;
	_ =	sdelay $0x1  }
0x137: {  	[tilespmem:s26+$0x0] =	vst v2  }
0x138: {  	v2 =	vld [tilespmem:s29+$0x0];
	_ =	sdelay $0x1  }
0x139: {  	p0 =	sne.s32 s16, $0xFFFFFFC0  }
.Ltmp1:
0x13a: {  	_ = 	snop;
	(pc) =	sbr.rel @p0 .LBB2_4-.Ltmp1, $3  }
0x13b: {  	_ = 	snop  }
0x13c: {  	v2 =	vadd.f32 v1, v2;
	_ =	sdelay $0x1  }
0x13d: {  	s16 =	sadd.s32 $0x40, s16;
	[tilespmem:s29+$0x0] =	vst v2  }
0x13e: {  	s16 =	simm.s32 $0x0  }
0x13f: {  	s17 =	simm.s32 $0x40;
	v2 =	vld [tilespmem:s16+$0x2880]  }
.LBB2_6:
0x140: {  	p0 =	sne.s32 s17, $0x9FC0;
	v3 =	vld [tilespmem:s16+$0x0];
	_ =	sdelay $0x1  }
0x141: {  	v4 =	vld [tilespmem:s16+$0x5100];
	_ =	sdelay $0x1  }
0x142: {  	v5 =	vld [tilespmem:s16+$0x7980]  }
0x143: {  	v2 =	vadd.f32 v2, v3  }
0x144: {  	v3 =	vld [tilespmem:s16+$0xA200]  }
0x145: {  	v2 =	vadd.f32 v4, v2;
	_ =	sdelay $0x1  }
.Ltmp2:
0x146: {  	v2 =	vadd.f32 v5, v2;
	(pc) =	sbr.rel @p0 .LBB2_6-.Ltmp2, $4  }
0x147: {  	_ = 	snop  }
0x148: {  	v3 =	vadd.f32 v3, v2  }
0x149: {  	s18 =	sshra.s32 s17, $0x2  }
0x14a: {  	s17 =	sadd.s32 $0x40, s17;
	v2 =	vld [tilespmem:s18+$0x2880];
	[tilespmem:s16+$0x0] =	vst v3;
	s16 =	smov.u32 s18  }
0x14b: {  	v3 =	vld [tilespmem:s16+$0x0];
	_ =	sdelay $0x1  }
0x14c: {  	v4 =	vld [tilespmem:s16+$0x5100];
	_ =	sdelay $0x1  }
0x14d: {  	v5 =	vld [tilespmem:s16+$0x7980]  }
0x14e: {  	v2 =	vadd.f32 v2, v3  }
0x14f: {  	v3 =	vld [tilespmem:s16+$0xA200]  }
0x150: {  	v2 =	vadd.f32 v4, v2;
	_ =	sdelay $0x1  }
0x151: {  	v2 =	vadd.f32 v5, v2;
	_ =	sdelay $0x1  }
0x152: {  	v2 =	vadd.f32 v3, v2;
	_ =	sdelay $0x1  }
0x153: {  	[tilespmem:s16+$0x0] =	vst v2;
	s16 =	simm.s32 $0x0  }
0x154: {  	[spmem:s4] =	stream.strided.scatter [tilespmem:s16], [sflag:$0x1], $0x2800, s11, s10, $0x38;
	[tilespmem:$0x11F00] =	vst v63  }
0x155: {  	_ =	swait.ge [sflag:s9], $0x2800  }
0x156: {  	[sflag:s9] =	ssyncset.done $0x0  }
0x157: {  	[sflag:s9] =	ssyncadd.s32 $0xFFFFD800  }
0x158: {  	[bflag:$0x0] =	sbarrier.arrive $0xFFFF  }
0x159: {  	[tilespmem:$0xF200] =	vst v0  }
0x15a: {  	[tilespmem:$0xF210] =	vst v0  }
0x15b: {  	[tilespmem:$0xF220] =	vst v0  }
0x15c: {  	[tilespmem:$0xF230] =	vst v0  }
0x15d: {  	[tilespmem:$0xF240] =	vst v0  }
0x15e: {  	[tilespmem:$0xF250] =	vst v0  }
0x15f: {  	[tilespmem:$0xF260] =	vst v0  }
0x160: {  	[tilespmem:$0xF270] =	vst v0  }
0x161: {  	[tilespmem:$0xF280] =	vst v0  }
0x162: {  	[tilespmem:$0xF290] =	vst v0  }
0x163: {  	[tilespmem:$0xF2A0] =	vst v0  }
0x164: {  	[tilespmem:$0xF2B0] =	vst v0  }
0x165: {  	[tilespmem:$0xF2C0] =	vst v0  }
0x166: {  	[tilespmem:$0xF2D0] =	vst v0  }
0x167: {  	[tilespmem:$0xF2E0] =	vst v0  }
0x168: {  	[tilespmem:$0xF2F0] =	vst v0  }
0x169: {  	[tilespmem:$0xF300] =	vst v0  }
0x16a: {  	[tilespmem:$0xF310] =	vst v0  }
0x16b: {  	[tilespmem:$0xF320] =	vst v0  }
0x16c: {  	[tilespmem:$0xF330] =	vst v0  }
0x16d: {  	[tilespmem:$0xF340] =	vst v0  }
0x16e: {  	[tilespmem:$0xF350] =	vst v0  }
0x16f: {  	[tilespmem:$0xF360] =	vst v0  }
0x170: {  	[tilespmem:$0xF370] =	vst v0  }
0x171: {  	[tilespmem:$0xF380] =	vst v0  }
0x172: {  	[tilespmem:$0xF390] =	vst v0  }
0x173: {  	[tilespmem:$0xF3A0] =	vst v0  }
0x174: {  	[tilespmem:$0xF3B0] =	vst v0  }
0x175: {  	[tilespmem:$0xF3C0] =	vst v0  }
0x176: {  	[tilespmem:$0xF3D0] =	vst v0  }
0x177: {  	[tilespmem:$0xF3E0] =	vst v0  }
0x178: {  	[tilespmem:$0xF3F0] =	vst v0  }
0x179: {  	[tilespmem:$0xF400] =	vst v0  }
0x17a: {  	[tilespmem:$0xF410] =	vst v0  }
0x17b: {  	[tilespmem:$0xF420] =	vst v0  }
0x17c: {  	[tilespmem:$0xF430] =	vst v0  }
0x17d: {  	[tilespmem:$0xF440] =	vst v0  }
0x17e: {  	[tilespmem:$0xF450] =	vst v0  }
0x17f: {  	[tilespmem:$0xF460] =	vst v0  }
0x180: {  	[tilespmem:$0xF470] =	vst v0  }
.LBB2_8:
0x181: {  	s17 =	sshrl.u32 s16, $0x3  }
0x182: {  	s17 =	smul.u32 $0x50000, s17;
	_ =	sdelay $0x1  }
0x183: {  	s18 =	sshll.u32 s16, $0x7;
	s17 =	sshra.s32 s17, $0x2  }
0x184: {  	s18 =	sand.u32 $0x380, s18;
	s17 =	sadd.s32 s17, s5  }
0x185: {  	s17 =	sadd.s32 s18, s17  }
0x186: {  	[tilespmem:s12], [sflag:$0x1] =	stream.strided.gather [spmem:s17], $0x280, s11, s10, $0x38;
	[tilespmem:$0x11F00] =	vst v63  }
0x187: {  	_ =	swait.ge [sflag:s9], $0x280  }
0x188: {  	[sflag:s9] =	ssyncset.done $0x0  }
0x189: {  	s17 =	simm.s32 $0x0;
	[sflag:s9] =	ssyncadd.s32 $0xFFFFFD80  }
0x18a: {  	s18 =	simm.s32 $0x40;
	v2 =	vld [tilespmem:s17+$0xF480]  }
.LBB2_9:
0x18b: {  	p0 =	sne.s32 s18, $0x9C0;
	v3 =	vld [tilespmem:s17+$0xF200];
	_ =	sdelay $0x2  }
.Ltmp3:
0x18c: {  	(pc) =	sbr.rel @p0 .LBB2_9-.Ltmp3, $4  }
0x18d: {  	_ = 	snop  }
0x18e: {  	v3 =	vadd.f32 v2, v3  }
0x18f: {  	s19 =	sshra.s32 s18, $0x2  }
0x190: {  	s18 =	sadd.s32 $0x40, s18;
	v2 =	vld [tilespmem:s19+$0xF480];
	[tilespmem:s17+$0xF200] =	vst v3;
	s17 =	smov.u32 s19  }
0x191: {  	v3 =	vld [tilespmem:s17+$0xF200]  }
0x192: {  	s16 =	sadd.s32 $0x1, s16  }
0x193: {  	p0 =	sne.s32 s16, $0x10  }
.Ltmp4:
0x194: {  	_ = 	snop;
	(pc) =	sbr.rel @p0 .LBB2_8-.Ltmp4, $3  }
0x195: {  	_ = 	snop  }
0x196: {  	v2 =	vadd.f32 v2, v3;
	_ =	sdelay $0x1  }
0x197: {  	[tilespmem:s17+$0xF200] =	vst v2  }
0x198: {  	s15 =	sadd.s32 $0x1, s15  }
0x199: {  	p0 =	sne.s32 s15, s7  }
.Ltmp5:
0x19a: {  	_ = 	snop;
	(pc) =	sbr.rel @p0 .LBB2_1-.Ltmp5, $4  }
0x19b: {  	[hbm4b:s6+s10] =	stream.strided.scatter [tilespmem:s14], [sflag:$0x1], $0x280, s13, s10, $0x38;
	[tilespmem:$0x11F00] =	vst v63  }
0x19c: {  	_ =	swait.ge [sflag:s9], $0x280  }
0x19d: {  	[sflag:s9] =	ssyncset.done $0x0  }
0x19e: {  	[sflag:s9] =	ssyncadd.s32 $0xFFFFFD80  }
0x19f: {  	_ =	sfence.sel $0x180000  }
0x1a0: {  	[bflag:$0x0] =	sbarrier.arrive $0xFFFF  }
0x1a1: {  	p0 =	sne.s32 s1, $0x0;
	_ =	strace $0x90000047  }
0x1a2: {  	s0 =	sadd.s32 @!p0 $0x100000, s0;
	[bflag:$0x2] =	sbarrier.arrive $0xFFFF  }
0x1a3: {  	[sflag:s0] =	ssyncadd.tile.s32 @!p0 $0x1;
	_ =	shalt  }
.Lfunc_end2:
_tile_overlayer_lowered:
.L_overlay_start_2:
0x1a4: {  	(tag) =	ssettag $0x2  }
0x1a5: {  	s0 =	rddreg [dreg:$0x0];
	s2 =	stileid.u32  }
0x1a6: {  	s1 =	rddreg [dreg:$0x1];
	p0 =	sne.s32 s2, $0x0  }
0x1a7: {  	s3 =	rddreg [dreg:$0x2];
	[bflag:$0x3] =	sbarrier.arrive $0xFFFF;
	s2 =	simm.s32 @!p0 $0x1C01  }
0x1a8: {  	[timem:s3], [sflag:s2] =	dma.local @!p0 [hbm:s0], s1  }
0x1a9: {  	s0 =	simm.s32 @!p0 $0x1  }
0x1aa: {  	_ =	swait.ge @!p0 [sflag:s0], s1  }
0x1ab: {  	s1 =	ssub.s32 @!p0 $0x0, s1;
	[sflag:s0] =	ssyncset.done @!p0 $0x0  }
0x1ac: {  	[sflag:s0] =	ssyncadd.s32 @!p0 s1  }
0x1ad: {  	[bflag:$0x3] =	sbarrier.arrive $0xFFFF  }
0x1ae: {  	_ =	shalt  }

// kernel: kernel.9.cloned.1.call-start
scs
__scs_entry_jumppad:
0x0: {  	(pc) =	sbr.rel $0x88, $3  }
0x1: {  	(tag) =	ssettag $0x0;
	lr =	simm.s32 $0x1  }
0x2: {  	[smem:$0x3F9D] =	sst lr;
	_ =	strace $0xD0000000  }
0x3: {  	_ = 	snop  }
0x4: {  	_ = 	snop  }
0x5: {  	_ = 	snop  }
0x6: {  	_ = 	snop  }
0x7: {  	_ = 	snop  }
__scs_overlays_trampoline_lowered:
0x8: {  	[smem:$0x3FAC] =	sst s0  }
0x9: {  	[smem:$0x3FAD] =	sst s1  }
0xa: {  	[smem:$0x3FAE] =	sst s2  }
0xb: {  	[smem:$0x3FAF] =	sst s3  }
0xc: {  	[smem:$0x3FB0] =	sst s4  }
0xd: {  	[smem:$0x3FB1] =	sst s5  }
0xe: {  	[smem:$0x3FB2] =	sst s6  }
0xf: {  	[smem:$0x3FB3] =	sst s7  }
0x10: {  	[smem:$0x3FB4] =	sst s8  }
0x11: {  	[smem:$0x3FB5] =	sst s9;
	s0 =	simm.s32 @!p0 $0x0  }
0x12: {  	s1 =	sld [smem:$0x3F9B];
	s0 =	simm.s32 @p0 $0x1  }
0x13: {  	[smem:$0x3FB6] =	sst s0;
	s0 =	simm.s32 @!p1 $0x0  }
0x14: {  	s2 =	sld [smem:$0x3F9A];
	s0 =	simm.s32 @p1 $0x1  }
0x15: {  	[smem:$0x3FB7] =	sst s0;
	s0 =	simm.s32 @!p2 $0x0  }
0x16: {  	s3 =	sld [smem:$0x3FDB];
	s0 =	simm.s32 @p2 $0x1  }
0x17: {  	s4 =	simm.s32 $0x1BF5;
	[smem:$0x3FB9] =	sst s0  }
0x18: {  	s0 =	sld [smem:$0x3F9C];
	_ =	swait.ge [sflag:s4], $0x0  }
0x19: {  	s7 =	sld [smem:$0x3F9D]  }
0x1a: {  	s8 =	sadd.s32 $0xFFFFE003, lr  }
0x1b: {  	s9 =	sadd.s32 $0xFFFFFEF7, lr;
	s5 =	simm.s32 $0xFFFFFFFF;
	p2 =	slt.u32 s8, $0xFFFFF086  }
0x1c: {  	p1 =	slt.u32 s9, $0xF7A;
	s5 =	simm.s32 @!p2 $0x0  }
0x1d: {  	s5 =	simm.s32 @p1 $0x1;
	p0 =	seq.s32 s7, s2  }
0x1e: {  	s7 =	smul.u32 @!p0 $0xF7A, s2;
	p2 =	seq.s32 @!p0 s5, $0x0  }
0x1f: {  	s9 =	smul.u32 $0xF7A, s1;
	s8 =	simm.s32 @!p0 $0x1BF5;
	p2 =	por !p2, p0  }
0x20: {  	[sflag:s8] =	ssyncset.s32 @!p0 $0xFFFFF086;
	s6 =	sadd.s32 @!p0 s3, s7;
	s7 =	simm.s32 @!p0 $0x108  }
0x21: {  	s3 =	sadd.s32 s3, s9;
	s6 =	sadd.s32 @!p0 $0x88, s6;
	s7 =	simm.s32 @p2 $0x1082  }
0x22: {  	[simem:s7], [sflag:s8] =	dma.local @!p0 [hbm:s6], $0xF7A  }
0x23: {  	s9 =	sor.u32 $0xD0000000, s2;
	s6 =	simm.s32 $0x108;
	_ =	swait.ge @!p0 [sflag:s8], $0x0  }
0x24: {  	s3 =	sadd.s32 $0x88, s3;
	s6 =	simm.s32 @!p1 $0x1082;
	[sflag:s4] =	ssyncset.s32 $0xFFFFF086  }
0x25: {  	[simem:s6], [sflag:s4] =	dma.local [hbm:s3], $0xF7A  }
0x26: {  	[smem:$0x3F9D] =	sst s1;
	(tag) =	ssettag s2;
	_ =	strace s9  }
0x27: {  	s1 =	sld [smem:$0x3FAD]  }
0x28: {  	s2 =	sld [smem:$0x3FAE]  }
0x29: {  	s4 =	sld [smem:$0x3FB0]  }
0x2a: {  	p0 =	seq.s32 s5, $0x0;
	s5 =	sld [smem:$0x3FB1]  }
0x2b: {  	s6 =	sld [smem:$0x3FB2]  }
0x2c: {  	s7 =	sld [smem:$0x3FB3]  }
0x2d: {  	s3 =	simm.s32 $0x108;
	s8 =	sld [smem:$0x3FB4]  }
0x2e: {  	s3 =	simm.s32 @!p0 $0x1082;
	s9 =	sld [smem:$0x3FB5]  }
0x2f: {  	lr =	sadd.s32 s0, s3;
	s0 =	sld [smem:$0x3FAC]  }
0x30: {  	s3 =	sld [smem:$0x3FAF]  }
0x31: {  	[smem:$0x3FB8] =	sst s10  }
0x32: {  	s10 =	sld [smem:$0x3FB6];
	_ =	sdelay $0x3  }
0x33: {  	p0 =	seq.s32 s10, $0x1;
	s10 =	sld [smem:$0x3FB8];
	_ =	sdelay $0x3  }
0x34: {  	[smem:$0x3FB8] =	sst s10  }
0x35: {  	s10 =	sld [smem:$0x3FB7];
	_ =	sdelay $0x3  }
0x36: {  	p1 =	seq.s32 s10, $0x1;
	s10 =	sld [smem:$0x3FB8];
	_ =	sdelay $0x3  }
0x37: {  	[smem:$0x3FB8] =	sst s10  }
0x38: {  	s10 =	sld [smem:$0x3FB9]  }
0x39: {  	_ = 	snop;
	(pc) =	sbr.ind lr, $3  }
0x3a: {  	_ = 	snop  }
0x3b: {  	_ = 	snop  }
0x3c: {  	p2 =	seq.s32 s10, $0x1;
	s10 =	sld [smem:$0x3FB8]  }
0x3d: {  	_ =	shalt  }
0x3e: {  	_ =	shalt  }
0x3f: {  	_ =	shalt  }
0x40: {  	_ =	shalt  }
0x41: {  	_ =	shalt  }
0x42: {  	_ =	shalt  }
0x43: {  	_ =	shalt  }
0x44: {  	_ =	shalt  }
0x45: {  	_ =	shalt  }
0x46: {  	_ =	shalt  }
0x47: {  	_ =	shalt  }
0x48: {  	_ =	shalt  }
0x49: {  	_ =	shalt  }
0x4a: {  	_ =	shalt  }
0x4b: {  	_ =	shalt  }
0x4c: {  	_ =	shalt  }
0x4d: {  	_ =	shalt  }
0x4e: {  	_ =	shalt  }
0x4f: {  	_ =	shalt  }
0x50: {  	_ =	shalt  }
0x51: {  	_ =	shalt  }
0x52: {  	_ =	shalt  }
0x53: {  	_ =	shalt  }
0x54: {  	_ =	shalt  }
0x55: {  	_ =	shalt  }
0x56: {  	_ =	shalt  }
0x57: {  	_ =	shalt  }
0x58: {  	_ =	shalt  }
0x59: {  	_ =	shalt  }
0x5a: {  	_ =	shalt  }
0x5b: {  	_ =	shalt  }
0x5c: {  	_ =	shalt  }
0x5d: {  	_ =	shalt  }
0x5e: {  	_ =	shalt  }
0x5f: {  	_ =	shalt  }
0x60: {  	_ =	shalt  }
0x61: {  	_ =	shalt  }
0x62: {  	_ =	shalt  }
0x63: {  	_ =	shalt  }
0x64: {  	_ =	shalt  }
0x65: {  	_ =	shalt  }
0x66: {  	_ =	shalt  }
0x67: {  	_ =	shalt  }
0x68: {  	_ =	shalt  }
0x69: {  	_ =	shalt  }
0x6a: {  	_ =	shalt  }
0x6b: {  	_ =	shalt  }
0x6c: {  	_ =	shalt  }
0x6d: {  	_ =	shalt  }
0x6e: {  	_ =	shalt  }
0x6f: {  	_ =	shalt  }
0x70: {  	_ =	shalt  }
0x71: {  	_ =	shalt  }
0x72: {  	_ =	shalt  }
0x73: {  	_ =	shalt  }
0x74: {  	_ =	shalt  }
0x75: {  	_ =	shalt  }
0x76: {  	_ =	shalt  }
0x77: {  	_ =	shalt  }
0x78: {  	_ =	shalt  }
0x79: {  	_ =	shalt  }
0x7a: {  	_ =	shalt  }
0x7b: {  	_ =	shalt  }
0x7c: {  	_ =	shalt  }
0x7d: {  	_ =	shalt  }
0x7e: {  	_ =	shalt  }
0x7f: {  	_ =	shalt  }
0x80: {  	_ =	shalt  }
0x81: {  	_ =	shalt  }
0x82: {  	_ =	shalt  }
0x83: {  	_ =	shalt  }
0x84: {  	_ =	shalt  }
0x85: {  	_ =	shalt  }
0x86: {  	_ =	shalt  }
0x87: {  	_ =	shalt  }
.Lfunc_end0:
.L_simem_size_0:
called_computation.1_lowered:
.L_overlay_start_0:
0x88: {  	s2 =	sld [smem:$0x3FD9]  }
0x89: {  	s3 =	sld [smem:$0x3FFE];
	_ =	sdelay $0x1  }
0x8a: {  	s1 =	srdreg.scid  }
0x8b: {  	s0 =	sand.u32 $0x1, s1  }
0x8c: {  	s17 =	sshll.u32 s0, $0xA;
	s2 =	sadd.s32 s3, s2  }
0x8d: {  	s2 =	sadd.s32 s2, s17  }
0x8e: {  	[smem:$0x3FC4] =	sst s2  }
0x8f: {  	_ = 	snop  }
0x90: {  	s2 =	sld [smem:$0x3FD0];
	(tm) =	ssettm $0x1  }
0x91: {  	s18 =	sld [smem:$0x3FFB];
	_ =	sdelay $0x3  }
0x92: {  	_ =	strace s18  }
0x93: {  	s3 =	sld [smem:$0x3FFC];
	_ =	sdelay $0x3  }
0x94: {  	_ =	strace s3  }
0x95: {  	s3 =	sld [smem:$0x3FFD];
	_ =	sdelay $0x3  }
0x96: {  	_ =	strace s3  }
0x97: {  	_ =	strace $0x8FFFFFFF  }
0x98: {  	s19 =	sld [smem:$0x3FDB];
	_ =	sdelay $0x1  }
0x99: {  	s4 =	simm.s32 $_scs_section_size  }
0x9a: {  	s5 =	simm.s32 $_size__tile_overlayer_lowered;
	s6 =	simm.s32 $_tile_overlayer_lowered  }
0x9b: {  	s22 =	simm.s32 $0x1BFF;
	s21 =	sshll.u32 s6, $0x1;
	s3 =	sadd.s32 s4, s19  }
0x9c: {  	s7 =	simm.s32 $0x0;
	s20 =	sshll.u32 s5, $0x1;
	s5 =	sadd.s32 s21, s3  }
0x9d: {  	[timem:s7], [sflag:s22] =	dma.local [hbm:s5], s20  }
0x9e: {  	_ =	swait.ge [sflag:s22], s20  }
0x9f: {  	s4 =	ssub.s32 $0x0, s20;
	[sflag:s22] =	ssyncset.done $0x0  }
0xa0: {  	[sflag:s22] =	ssyncadd.s32 s4;
	_ =	sdelay $0x1  }
0xa1: {  	s23 =	simm.s32 $0x1B8B  }
0xa2: {  	_ =	swait.ge [sflag:s23], $0x1  }
0xa3: {  	[sflag:s23] =	ssyncset.done $0x0  }
0xa4: {  	s25 =	simm.s32 $0x1B8E;
	s24 =	sld [smem:$0x3FFE];
	[sflag:s23] =	ssyncadd.s32 $0xFFFFFFFF  }
0xa5: {  	s26 =	simm.s32 $execute0_lowered;
	[smem:$0x3FD2] =	sst s25  }
0xa6: {  	s5 =	sshll.u32 s26, $0x1;
	_ =	strace $0x80000049;
	[dreg:$0x1] =	wrdreg $0xFFFFFFFF  }
0xa7: {  	s28 =	simm.s32 $_size_execute0_lowered;
	s3 =	sadd.s32 s3, s5;
	[dreg:$0x0] =	wrdreg $0x0  }
0xa8: {  	s5 =	sshll.u32 s28, $0x1;
	[dreg:$0x2] =	wrdreg s3  }
0xa9: {  	[dreg:$0x3] =	wrdreg s5  }
0xaa: {  	[dreg:$0x4] =	wrdreg $0xC0  }
0xab: {  	_ =	task [dreg:s7], $0x5FFFF  }
0xac: {  	[dreg:$0x1] =	wrdreg $0xFFFFFFFF  }
0xad: {  	[dreg:$0x0] =	wrdreg $0x60  }
0xae: {  	[dreg:$0x2] =	wrdreg s24  }
0xaf: {  	[dreg:$0x3] =	wrdreg s2  }
0xb0: {  	[dreg:$0x4] =	wrdreg $0xAE000  }
0xb1: {  	[dreg:$0x5] =	wrdreg $0x9  }
0xb2: {  	_ =	task.clear_ibuf [dreg:s7], $0x6FFFF;
	_ =	strace $0x90000049  }
0xb3: {  	s29 =	simm.s32 $0x9;
	_ =	strace $0x8000004B  }
0xb4: {  	_ =	swait.ge [sflag:s29], $0x1  }
0xb5: {  	[sflag:s29] =	ssyncadd.s32 $0xFFFFFFFF  }
0xb6: {  	_ =	strace $0x9000004B  }
0xb7: {  	_ =	sfence  }
0xb8: {  	s30 =	sld [smem:$0x0];
	_ =	sdelay $0x2  }
0xb9: {  	s31 =	sshll.u32 s1, $0xD;
	s1 =	sshrl.u32 s1, $0x2  }
0xba: {  	s3 =	sand.u32 $0x4000, s31;
	s1 =	sadd.s32 s1, s30  }
0xbb: {  	s0 =	sor.u32 s3, s0;
	s1 =	sshll.u32 s1, $0x11  }
0xbc: {  	s0 =	sor.u32 s1, s0  }
0xbd: {  	s0 =	sadd.s32 $0x8F2B, s0  }
0xbe: {  	[sflag:s0] =	ssyncadd.remote.s32 $0x1  }
0xbf: {  	_ =	sfence.sel $0xFFFF  }
0xc0: {  	[dreg:$0x0] =	wrdreg $0xFFFFFFFF;
	(pc) =	sbr.abs _section_cstart, $3  }
0xc1: {  	[dreg:$0x1] =	wrdreg $0xFFFFFFFF  }
0xc2: {  	_ =	task.clear_ibuf [dreg:s7], $0x2FFFF;
	_ =	strace $0x9FFFFFFF  }
0xc3: {  	(tm) =	ssettm $0x7FFFFFFF  }
tec
execute0_lowered:
.L_overlay_start_1:
0x0: {  	(tag) =	ssettag $0x1  }
0x1: {  	s0 =	rddreg [dreg:$0x0]  }
0x2: {  	s1 =	srdreg.scid;
	s2 =	rddreg [dreg:$0x1]  }
0x3: {  	s10 =	stileid.u32;
	s3 =	rddreg [dreg:$0x2]  }
0x4: {  	s4 =	simm.s32 $0x0;
	s28 =	simm.s32 $0x4400;
	s6 =	smul.u32 $0x14000, s10  }
0x5: {  	s29 =	simm.s32 $0xAC80;
	s1 =	sand.u32 $0x1, s1;
	s8 =	smul.u32 $0x2710, s10  }
0x6: {  	s31 =	simm.s32 $0x6400;
	s30 =	simm.s32 $0x8;
	s5 =	smul.u32 $0x140000, s1  }
0x7: {  	[smem:$0x7FF] =	sst s4;
	s9 =	sadd.s32 $0x1A00, s0;
	s7 =	smul.u32 $0x27100, s1  }
0x8: {  	s13 =	smul.u32 $0x50000, s10;
	_ =	strace $0x8000004A;
	s1 =	ssub.s32 $0x2, s1  }
0x9: {  	s15 =	sshrl.u32 s1, $0x1;
	s5 =	sadd.s32 s6, s5;
	s7 =	sadd.s32 s8, s7  }
0xa: {  	s6 =	sshrl.u32 s13, $0x2;
	s1 =	ssub.s32 s1, s15;
	s5 =	sshrl.u32 s5, $0x3  }
0xb: {  	s14 =	sshrl.u32 s7, $0x3;
	s6 =	sadd.s32 s6, s3;
	s19 =	sadd.s32 $0x4E300, s7  }
0xc: {  	s21 =	smax.u32 s1, $0x1;
	s23 =	sadd.s32 $0x4E340, s7;
	s24 =	sadd.s32 $0x4E380, s7  }
0xd: {  	s0 =	sadd.s32 s5, s0;
	s5 =	sadd.s32 s9, s14;
	[dreg:$0xb] =	wrdreg s21  }
0xe: {  	s7 =	sadd.s32 $0x4E3C0, s7;
	s16 =	sadd.s32 $0x9C40, s5;
	[dreg:$0x4] =	wrdreg s5  }
0xf: {  	s8 =	sshrl.u32 s19, $0x3;
	s17 =	sadd.s32 $0x9C48, s5;
	[dreg:$0x5] =	wrdreg s16  }
0x10: {  	s1 =	sshrl.u32 s24, $0x3;
	s18 =	sadd.s32 $0x9C50, s5;
	[dreg:$0x6] =	wrdreg s17  }
0x11: {  	s7 =	sshrl.u32 s7, $0x3;
	s20 =	sadd.s32 $0x9C58, s5;
	[dreg:$0x7] =	wrdreg s18  }
0x12: {  	s21 =	simm.s32 $0x400;
	s5 =	sadd.s32 $0xA120, s5;
	[dreg:$0x8] =	wrdreg s20  }
0x13: {  	s24 =	simm.s32 $0x3;
	s0 =	sadd.s32 $0x15400, s0;
	[dreg:$0x9] =	wrdreg s5  }
0x14: {  	s22 =	sadd.s32 s8, s9;
	s25 =	sadd.s32 s1, s9;
	[dreg:$0xa] =	wrdreg s0  }
0x15: {  	s26 =	sadd.s32 s7, s9;
	s1 =	simm.s32 $0xAD00;
	[dreg:$0xc] =	wrdreg s22  }
.Ltmp0:
0x16: {  	s8 =	simm.s32 $0x10;
	[dreg:$0xe] =	wrdreg s25;
	(pc) =	sbr.rel .LBB2_1-.Ltmp0, $4  }
0x17: {  	s0 =	sshrl.u32 s23, $0x3;
	[dreg:$0xf] =	wrdreg s26;
	s18 =	simm.s32 $0x9  }
0x18: {  	s20 =	simm.s32 $0x40;
	s22 =	simm.s32 $0xAB80;
	s23 =	simm.s32 $0x5  }
0x19: {  	s25 =	simm.s32 $0x7;
	s26 =	simm.s32 $0x4;
	s0 =	sadd.s32 s0, s9  }
0x1a: {  	v0 =	vimm.f32 $0.0e+00;
	s9 =	simm.s32 $0x0;
	[dreg:$0xd] =	wrdreg s0;
	s0 =	simm.s32 $0x1  }
.LBB2_8:
0x1b: {  	_ =	swait.ge [sflag:s26], $0x2000  }
0x1c: {  	[sflag:s26] =	ssyncset.done $0x0  }
0x1d: {  	[sflag:s26] =	ssyncadd.s32 $0xFFFFE000  }
0x1e: {  	_ =	swait.ge [sflag:s30], $0x40  }
0x1f: {  	[sflag:s30] =	ssyncset.done $0x0  }
0x20: {  	[sflag:s30] =	ssyncadd.s32 $0xFFFFFFC0  }
0x21: {  	[spmem:s3] =	stream.indirect.scatter.add.f32 [tilespmem:s31], [sflag:$0x9], $0x80, s1, s20, $0xb8;
	[tilespmem:$0x1EE00] =	vst v63  }
0x22: {  	_ =	swait.ge [sflag:s18], $0x2000  }
0x23: {  	[sflag:s18] =	ssyncset.done $0x0  }
0x24: {  	s7 =	simm.s32 $0xAD80;
	s5 =	rddreg [dreg:$0x9];
	[sflag:s18] =	ssyncadd.s32 $0xFFFFE000  }
0x25: {  	[tilespmem:s7], [sflag:$0x9] =	stream.linear.gather [hbm4b:s5+s4], $0x10, $0x38;
	[tilespmem:$0x1EE00] =	vst v63  }
0x26: {  	_ =	swait.ge [sflag:s18], $0x10  }
0x27: {  	[sflag:s18] =	ssyncset.done $0x0  }
0x28: {  	s15 =	simm.s32 $0xAB00;
	[sflag:s18] =	ssyncadd.s32 $0xFFFFFFF0  }
0x29: {  	[tilespmem:s21], [sflag:$0x1] =	stream.indirect.gather [hbm4b:s2+s8], $0x80, s15, s8, $0xb8;
	[tilespmem:$0x1EE00] =	vst v63  }
0x2a: {  	_ =	swait.ge [sflag:s0], $0x800  }
0x2b: {  	[sflag:s0] =	ssyncset.done $0x0  }
0x2c: {  	[sflag:s0] =	ssyncadd.s32 $0xFFFFF800  }
0x2d: {  	[spmem:s3] =	stream.indirect.scatter.add.f32 [tilespmem:s21], [sflag:$0x9], $0x80, s7, s8, $0xb8;
	[tilespmem:$0x1EE00] =	vst v63  }
0x2e: {  	_ =	swait.ge [sflag:s18], $0x800  }
0x2f: {  	[sflag:s18] =	ssyncset.done $0x0  }
0x30: {  	s16 =	stileid.u32;
	[sflag:s18] =	ssyncadd.s32 $0xFFFFF800  }
0x31: {  	s5 =	sshll.u32 s16, $0x6;
	[bflag:$0x0] =	sbarrier.arrive $0xFFFF  }
0x32: {  	s17 =	sshrl.u32 s6, $0x3;
	s5 =	sor.u32 $0x1C09, s5;
	s10 =	rddreg [dreg:$0xa]  }
0x33: {  	[hbm:s10], [sflag:s5] =	dma.local [spmem:s17], $0x2800  }
0x34: {  	_ =	swait.ge [sflag:s18], $0x2800  }
0x35: {  	s9 =	sadd.s32 $0x1, s9;
	s19 =	rddreg [dreg:$0xb]  }
0x36: {  	p0 =	sne.s32 s9, s19  }
.Ltmp1:
0x37: {  	_ = 	snop;
	(pc) =	sbr.rel @!p0 .LBB2_9-.Ltmp1, $3  }
0x38: {  	_ =	sdelay $0x1  }
0x39: {  	[sflag:s18] =	ssyncset.done $0x0  }
0x3a: {  	[sflag:s18] =	ssyncadd.s32 $0xFFFFD800  }
.LBB2_1:
0x3b: {  	s10 =	simm.s32 $0x0;
	s14 =	simm.s32 $0x0  }
.LBB2_2:
0x3c: {  	p0 =	sne.s32 s14, $0xFC0  }
.Ltmp2:
0x3d: {  	_ = 	snop;
	(pc) =	sbr.rel @p0 .LBB2_2-.Ltmp2, $4  }
0x3e: {  	s15 =	sand.u32 $0xE00, s14  }
0x3f: {  	s16 =	sand.u32 $0x70, s10;
	s15 =	sshrl.u32 s15, $0x2  }
0x40: {  	s15 =	sor.u32 s16, s15  }
0x41: {  	s10 =	sadd.s32 $0x10, s10;
	s14 =	sadd.s32 $0x40, s14;
	[tilespmem:s15+$0x0] =	vst v0  }
0x42: {  	s10 =	sadd.s32 $0x0, s6  }
0x43: {  	[spmem:s10] =	stream.linear.scatter [tilespmem:s4], [sflag:$0x9], $0x400, $0x38;
	[tilespmem:$0x1EE00] =	vst v63  }
0x44: {  	s10 =	simm.s32 $0x1000;
	_ =	swait.ge [sflag:s18], $0x400  }
.LBB2_4:
0x45: {  	s14 =	sshra.s32 s10, $0x2;
	[sflag:s18] =	ssyncset.done $0x0;
	p0 =	sne.s32 s10, $0x4F000  }
.Ltmp3:
0x46: {  	s14 =	sadd.s32 s14, s6;
	[sflag:s18] =	ssyncadd.s32 $0xFFFFFC00;
	(pc) =	sbr.rel @p0 .LBB2_4-.Ltmp3, $3  }
0x47: {  	[spmem:s14] =	stream.linear.scatter [tilespmem:s4], [sflag:$0x9], $0x400, $0x38;
	[tilespmem:$0x1EE00] =	vst v63  }
0x48: {  	s10 =	sadd.s32 $0x1000, s10;
	_ =	sdelay $0x1  }
0x49: {  	_ =	swait.ge [sflag:s18], $0x400  }
0x4a: {  	[sflag:s18] =	ssyncset.done $0x0;
	s10 =	simm.s32 $0x0  }
0x4b: {  	s5 =	rddreg [dreg:$0x4];
	s7 =	simm.s32 $0x8400;
	[sflag:s18] =	ssyncadd.s32 $0xFFFFFC00  }
0x4c: {  	[tilespmem:s7], [sflag:$0x9] =	stream.linear.gather [hbm4b:s5+s10], $0x2710, $0x38;
	[tilespmem:$0x1EE00] =	vst v63  }
0x4d: {  	_ =	swait.ge [sflag:s18], $0x2710  }
0x4e: {  	[sflag:s18] =	ssyncset.done $0x0  }
0x4f: {  	[sflag:s18] =	ssyncadd.s32 $0xFFFFD8F0  }
0x50: {  	[bflag:$0x0] =	sbarrier.arrive $0xFFFF  }
0x51: {  	[tilespmem:s21], [sflag:$0x1] =	stream.indirect.gather [hbm4b:s2+s20], $0x80, s7, s20, $0xb8;
	[tilespmem:$0x1EE00] =	vst v63  }
0x52: {  	s7 =	rddreg [dreg:$0x5]  }
0x53: {  	s13 =	rddreg [dreg:$0x6]  }
0x54: {  	[tilespmem:s22], [sflag:$0x5] =	stream.linear.gather [hbm4b:s7+s10], $0x40, $0x38;
	[tilespmem:$0x1EE00] =	vst v63  }
0x55: {  	s11 =	simm.s32 $0x8440;
	s12 =	simm.s32 $0x2400;
	s16 =	rddreg [dreg:$0x7]  }
0x56: {  	[tilespmem:s12], [sflag:$0x2] =	stream.indirect.gather [hbm4b:s2+s20], $0x80, s11, s20, $0xb8;
	[tilespmem:$0x1EE00] =	vst v63  }
0x57: {  	s14 =	simm.s32 $0xAC00;
	s19 =	rddreg [dreg:$0x8]  }
0x58: {  	[tilespmem:s14], [sflag:$0x6] =	stream.linear.gather [hbm4b:s13+s10], $0x40, $0x38;
	[tilespmem:$0x1EE00] =	vst v63  }
0x59: {  	s15 =	simm.s32 $0x8480;
	s14 =	rddreg [dreg:$0xc]  }
0x5a: {  	[tilespmem:s28], [sflag:$0x3] =	stream.indirect.gather [hbm4b:s2+s20], $0x80, s15, s20, $0xb8;
	[tilespmem:$0x1EE00] =	vst v63  }
0x5b: {  	s15 =	rddreg [dreg:$0xd]  }
0x5c: {  	[tilespmem:s29], [sflag:$0x7] =	stream.linear.gather [hbm4b:s16+s10], $0x40, $0x38;
	[tilespmem:$0x1EE00] =	vst v63  }
0x5d: {  	s17 =	simm.s32 $0x84C0;
	s16 =	rddreg [dreg:$0xe]  }
0x5e: {  	[tilespmem:s31], [sflag:$0x4] =	stream.indirect.gather [hbm4b:s2+s20], $0x80, s17, s20, $0xb8;
	[tilespmem:$0x1EE00] =	vst v63  }
0x5f: {  	s17 =	rddreg [dreg:$0xf]  }
0x60: {  	[tilespmem:s1], [sflag:$0x8] =	stream.linear.gather [hbm4b:s19+s10], $0x40, $0x38;
	[tilespmem:$0x1EE00] =	vst v63  }
.LBB2_6:
0x61: {  	_ =	swait.ge [sflag:s0], $0x2000  }
0x62: {  	[sflag:s0] =	ssyncset.done $0x0  }
0x63: {  	[sflag:s0] =	ssyncadd.s32 $0xFFFFE000  }
0x64: {  	_ =	swait.ge [sflag:s23], $0x40  }
0x65: {  	[sflag:s23] =	ssyncset.done $0x0  }
0x66: {  	[sflag:s23] =	ssyncadd.s32 $0xFFFFFFC0  }
0x67: {  	[spmem:s3] =	stream.indirect.scatter.add.f32 [tilespmem:s21], [sflag:$0x9], $0x80, s22, s20, $0xb8;
	[tilespmem:$0x1EE00] =	vst v63  }
0x68: {  	_ =	swait.ge [sflag:s18], $0x2000  }
0x69: {  	p0 =	seq.s32 s10, $0x9800;
	[sflag:s18] =	ssyncset.done $0x0  }
0x6a: {  	s19 =	simm.s32 @p0 $0x2;
	[sflag:s18] =	ssyncadd.s32 $0xFFFFE000  }
0x6b: {  	_ =	swait.ge @p0 [sflag:s19], $0x2000  }
0x6c: {  	[sflag:s19] =	ssyncset.done @p0 $0x0  }
0x6d: {  	[sflag:s19] =	ssyncadd.s32 @p0 $0xFFFFE000;
	s19 =	simm.s32 @p0 $0x6  }
0x6e: {  	_ =	swait.ge @p0 [sflag:s19], $0x40  }
0x6f: {  	s13 =	simm.s32 @p0 $0xAC00;
	[sflag:s19] =	ssyncset.done @p0 $0x0  }
0x70: {  	s12 =	simm.s32 @p0 $0x2400;
	[sflag:s19] =	ssyncadd.s32 @p0 $0xFFFFFFC0;
	s19 =	simm.s32 @p0 $0x40  }
0x71: {  	[spmem:s3] =	stream.indirect.scatter.add.f32 @p0 [tilespmem:s12], [sflag:$0x9], $0x80, s13, s19, $0xb8;
	[tilespmem:$0x1EE00] =	vst v63  }
0x72: {  	s12 =	simm.s32 @p0 $0x9  }
0x73: {  	_ =	swait.ge @p0 [sflag:s12], $0x2000  }
0x74: {  	[sflag:s12] =	ssyncset.done @p0 $0x0  }
0x75: {  	[sflag:s12] =	ssyncadd.s32 @p0 $0xFFFFE000;
	s12 =	sshra.s32 @!p0 s10, $0x2  }
0x76: {  	s11 =	simm.s32 @!p0 $0x400;
	s19 =	simm.s32 @!p0 $0x40;
	s13 =	sadd.s32 @!p0 $0x8500, s12  }
0x77: {  	[tilespmem:s11], [sflag:$0x1] =	stream.indirect.gather @!p0 [hbm4b:s2+s19], $0x80, s13, s19, $0xb8;
	[tilespmem:$0x1EE00] =	vst v63  }
0x78: {  	s11 =	simm.s32 @!p0 $0x0;
	s13 =	simm.s32 @!p0 $0xAB80  }
0x79: {  	[tilespmem:s13], [sflag:$0x5] =	stream.linear.gather @!p0 [hbm4b:s14+s11], $0x40, $0x38;
	[tilespmem:$0x1EE00] =	vst v63  }
0x7a: {  	s13 =	simm.s32 @!p0 $0x2  }
0x7b: {  	_ =	swait.ge @!p0 [sflag:s13], $0x2000  }
0x7c: {  	[sflag:s13] =	ssyncset.done @!p0 $0x0  }
0x7d: {  	[sflag:s13] =	ssyncadd.s32 @!p0 $0xFFFFE000;
	s13 =	simm.s32 @!p0 $0x6  }
0x7e: {  	_ =	swait.ge @!p0 [sflag:s13], $0x40  }
0x7f: {  	s5 =	simm.s32 @!p0 $0x2400;
	[sflag:s13] =	ssyncset.done @!p0 $0x0  }
0x80: {  	s7 =	simm.s32 @!p0 $0x9;
	[sflag:s13] =	ssyncadd.s32 @!p0 $0xFFFFFFC0;
	s13 =	simm.s32 @!p0 $0xAC00  }
0x81: {  	[spmem:s3] =	stream.indirect.scatter.add.f32 @!p0 [tilespmem:s5], [sflag:$0x9], $0x80, s13, s19, $0xb8;
	[tilespmem:$0x1EE00] =	vst v63  }
0x82: {  	_ =	swait.ge @!p0 [sflag:s7], $0x2000  }
0x83: {  	[sflag:s7] =	ssyncset.done @!p0 $0x0  }
0x84: {  	[sflag:s7] =	ssyncadd.s32 @!p0 $0xFFFFE000;
	s7 =	sadd.s32 @!p0 $0x8540, s12  }
0x85: {  	[tilespmem:s5], [sflag:$0x2] =	stream.indirect.gather @!p0 [hbm4b:s2+s19], $0x80, s7, s19, $0xb8;
	[tilespmem:$0x1EE00] =	vst v63  }
0x86: {  	_ = 	snop  }
0x87: {  	[tilespmem:s13], [sflag:$0x6] =	stream.linear.gather @!p0 [hbm4b:s15+s11], $0x40, $0x38;
	[tilespmem:$0x1EE00] =	vst v63  }
0x88: {  	_ =	swait.ge [sflag:s24], $0x2000  }
0x89: {  	[sflag:s24] =	ssyncset.done $0x0  }
0x8a: {  	[sflag:s24] =	ssyncadd.s32 $0xFFFFE000  }
0x8b: {  	_ =	swait.ge [sflag:s25], $0x40  }
0x8c: {  	[sflag:s25] =	ssyncset.done $0x0  }
.Ltmp4:
0x8d: {  	[sflag:s25] =	ssyncadd.s32 $0xFFFFFFC0;
	(pc) =	sbr.rel @p0 .LBB2_8-.Ltmp4, $4  }
0x8e: {  	[spmem:s3] =	stream.indirect.scatter.add.f32 [tilespmem:s28], [sflag:$0x9], $0x80, s29, s20, $0xb8;
	[tilespmem:$0x1EE00] =	vst v63  }
0x8f: {  	_ =	swait.ge [sflag:s18], $0x2000  }
0x90: {  	[sflag:s18] =	ssyncset.done $0x0  }
0x91: {  	[sflag:s18] =	ssyncadd.s32 $0xFFFFE000  }
0x92: {  	s5 =	sshra.s32 s10, $0x2  }
0x93: {  	s7 =	sadd.s32 $0x8580, s5  }
0x94: {  	[tilespmem:s28], [sflag:$0x3] =	stream.indirect.gather [hbm4b:s2+s20], $0x80, s7, s20, $0xb8;
	[tilespmem:$0x1EE00] =	vst v63  }
0x95: {  	_ = 	snop  }
0x96: {  	[tilespmem:s29], [sflag:$0x7] =	stream.linear.gather [hbm4b:s16+s4], $0x40, $0x38;
	[tilespmem:$0x1EE00] =	vst v63  }
0x97: {  	_ =	swait.ge [sflag:s26], $0x2000  }
0x98: {  	[sflag:s26] =	ssyncset.done $0x0  }
0x99: {  	[sflag:s26] =	ssyncadd.s32 $0xFFFFE000  }
0x9a: {  	_ =	swait.ge [sflag:s30], $0x40  }
0x9b: {  	[sflag:s30] =	ssyncset.done $0x0  }
0x9c: {  	[sflag:s30] =	ssyncadd.s32 $0xFFFFFFC0  }
0x9d: {  	[spmem:s3] =	stream.indirect.scatter.add.f32 [tilespmem:s31], [sflag:$0x9], $0x80, s1, s20, $0xb8;
	[tilespmem:$0x1EE00] =	vst v63  }
0x9e: {  	_ =	swait.ge [sflag:s18], $0x2000  }
0x9f: {  	[sflag:s18] =	ssyncset.done $0x0  }
.Ltmp5:
0xa0: {  	s5 =	sadd.s32 $0x85C0, s5;
	[sflag:s18] =	ssyncadd.s32 $0xFFFFE000;
	(pc) =	sbr.rel .LBB2_6-.Ltmp5, $4  }
0xa1: {  	[tilespmem:s31], [sflag:$0x4] =	stream.indirect.gather [hbm4b:s2+s20], $0x80, s5, s20, $0xb8;
	[tilespmem:$0x1EE00] =	vst v63  }
0xa2: {  	s10 =	sadd.s32 $0x400, s10;
	s14 =	sadd.s32 $0x20, s14  }
0xa3: {  	[tilespmem:s1], [sflag:$0x8] =	stream.linear.gather [hbm4b:s17+s4], $0x40, $0x38;
	[tilespmem:$0x1EE00] =	vst v63  }
0xa4: {  	s15 =	sadd.s32 $0x20, s15;
	s16 =	sadd.s32 $0x20, s16;
	s17 =	sadd.s32 $0x20, s17  }
.LBB2_9:
0xa5: {  	_ =	sfence.sel $0x180000  }
0xa6: {  	[bflag:$0x0] =	sbarrier.arrive $0xFFFF  }
0xa7: {  	_ =	strace $0x9000004A  }
0xa8: {  	s0 =	stileid.u32;
	[bflag:$0x2] =	sbarrier.arrive $0xFFFF  }
0xa9: {  	p0 =	sne.s32 s0, $0x0;
	s0 =	rddreg [dreg:$0x3]  }
0xaa: {  	s0 =	sadd.s32 @!p0 $0x100000, s0  }
0xab: {  	[sflag:s0] =	ssyncadd.tile.s32 @!p0 $0x1;
	_ =	shalt  }
.Lfunc_end2:
_tile_overlayer_lowered:
.L_overlay_start_2:
0xac: {  	(tag) =	ssettag $0x2  }
0xad: {  	s0 =	rddreg [dreg:$0x0];
	s2 =	stileid.u32  }
0xae: {  	s1 =	rddreg [dreg:$0x1];
	p0 =	sne.s32 s2, $0x0  }
0xaf: {  	s3 =	rddreg [dreg:$0x2];
	[bflag:$0x3] =	sbarrier.arrive $0xFFFF;
	s2 =	simm.s32 @!p0 $0x1C09  }
0xb0: {  	[timem:s3], [sflag:s2] =	dma.local @!p0 [hbm:s0], s1  }
0xb1: {  	s0 =	simm.s32 @!p0 $0x9  }
0xb2: {  	_ =	swait.ge @!p0 [sflag:s0], s1  }
0xb3: {  	s1 =	ssub.s32 @!p0 $0x0, s1;
	[sflag:s0] =	ssyncset.done @!p0 $0x0  }
0xb4: {  	[sflag:s0] =	ssyncadd.s32 @!p0 s1  }
0xb5: {  	[bflag:$0x3] =	sbarrier.arrive $0xFFFF  }
0xb6: {  	_ =	shalt  }

</sc_bundles>
